<compile_context>
chip_gen: v7x
topology: tpu7x:2x2x1
jax: 0.10.2.dev20260603
libtpu: 0.0.44.dev20260713+nightly
codegen_flags: <defaults>
</compile_context>

<pallas_src>
import functools

import jax
import jax.numpy as jnp
from jax import lax
from jax.experimental import pallas as pl
from jax.experimental.pallas import tpu as pltpu
from jax.experimental.pallas import tpu_sc as plsc

N = 10000; E = 320000; G = 512; DN = 128; DE = 16; D = 200; P = 1
DP = 208
NC, NS, L = 2, 16, 16
HN = N // NC
HP = 5008
EPW = E // NS
C = 80
NCHUNK = EPW // C
RPB = 312
ZB = 104
NJ = DP // L
BN = 400; NB = N // BN
BE = 4000; NEB = E // BE


def _leaky(x):
    return jnp.where(x >= 0, x, 0.01 * x)


_MESH = plsc.VectorSubcoreMesh(core_axis_name="c", subcore_axis_name="s",
                               num_cores=NC, num_subcores=NS)


@functools.partial(
    pl.kernel,
    out_type=jax.ShapeDtypeStruct((NC, HN, DP), jnp.float32),
    mesh=_MESH,
    compiler_params=pltpu.CompilerParams(use_tc_tiling_on_sc=False, needs_layout_passes=False),
    scratch_types=[
        pltpu.VMEM((C,), jnp.int32),
        pltpu.VMEM((C,), jnp.int32),
        pltpu.VMEM((C,), jnp.int32),
        pltpu.VMEM((C, DP), jnp.float32),
        pltpu.VMEM((C, DP), jnp.float32),
        pltpu.VMEM((N,), jnp.float32),
        pltpu.VMEM((DP,), jnp.float32),
        pltpu.VMEM((C + L,), jnp.float32),
        pltpu.VMEM_SHARED((HP, DP), jnp.float32),
        pltpu.SemaphoreType.DMA,
    ],
)
def _edge_pass1(xw1_h, eaw_h, t_h, src_h, dst_h, w2a_h, z_h, out_h,
                si, di, dl, rows, ev, tv, wv, tgb, acc, sem):
    cid = lax.axis_index("c")
    sid = lax.axis_index("s")
    for z in range(3):
        pltpu.sync_copy(z_h, acc.at[pl.ds(sid * RPB + z * ZB, ZB)])
    @pl.when(sid == NS - 1)
    def _zero_tail():
        pltpu.sync_copy(z_h.at[pl.ds(0, HP - NS * RPB)],
                        acc.at[pl.ds(NS * RPB, HP - NS * RPB)])
    pltpu.sync_copy(t_h, tv)
    pltpu.sync_copy(w2a_h, wv)
    plsc.subcore_barrier()

    def chunk_body(kk, _):
        base = sid * EPW + kk * C
        pltpu.sync_copy(src_h.at[pl.ds(base, C)], si)
        pltpu.sync_copy(dst_h.at[pl.ds(base, C)], di)
        pltpu.async_copy(xw1_h.at[si], rows, sem).wait()
        pltpu.sync_copy(eaw_h.at[pl.ds(base, C)], ev)
        for g in range(C // L):
            d16 = di[pl.ds(L * g, L)]
            tgb[pl.ds(L * g, L)] = plsc.load_gather(tv, [d16])
            li = d16 - cid * HN
            ok = (li >= 0) & (li < HN)
            dl[pl.ds(L * g, L)] = jnp.where(ok, li, HN)

        def edge_body(e, carry):
            dacc = jnp.zeros((L,), jnp.float32)
            hs = []
            for j in range(NJ):
                pre = rows[e, pl.ds(L * j, L)] + ev[e, pl.ds(L * j, L)]
                h = jnp.where(pre >= 0, pre, 0.01 * pre)
                hs.append(h)
                dacc = dacc + h * wv[pl.ds(L * j, L)]
            dots = jnp.sum(dacc) + tgb[pl.ds(e, L)][0]
            lg = jnp.where(dots >= 0, dots, 0.01 * dots)
            exv = jnp.exp(jnp.full((L,), lg, jnp.float32))
            for j in range(NJ - 1):
                rows[e, pl.ds(L * j, L)] = hs[j] * exv
            m = lax.iota(jnp.int32, L) == (D - (NJ - 1) * L)
            rows[e, pl.ds((NJ - 1) * L, L)] = jnp.where(m, exv, hs[NJ - 1] * exv)
            return carry

        lax.fori_loop(0, C, edge_body, 0)
        pltpu.sync_copy(rows, acc.at[dl], add=True)
        return _

    lax.fori_loop(0, NCHUNK, chunk_body, 0)
    plsc.subcore_barrier()
    for z in range(3):
        r0 = sid * RPB + z * ZB
        pltpu.sync_copy(acc.at[pl.ds(r0, ZB)], out_h.at[cid, pl.ds(r0, ZB)])
    @pl.when(sid == NS - 1)
    def _wb_tail():
        pltpu.sync_copy(acc.at[pl.ds(NS * RPB, HN - NS * RPB)],
                        out_h.at[cid, pl.ds(NS * RPB, HN - NS * RPB)])


@functools.partial(
    pl.kernel,
    out_type=jax.ShapeDtypeStruct((NC, HN, DP), jnp.float32),
    mesh=_MESH,
    compiler_params=pltpu.CompilerParams(use_tc_tiling_on_sc=False, needs_layout_passes=False),
    scratch_types=[
        pltpu.VMEM((C,), jnp.int32),
        pltpu.VMEM((C,), jnp.int32),
        pltpu.VMEM((C,), jnp.int32),
        pltpu.VMEM((C, DP), jnp.float32),
        pltpu.VMEM((C + L,), jnp.float32),
        pltpu.VMEM((N,), jnp.float32),
        pltpu.VMEM((N,), jnp.float32),
        pltpu.VMEM_SHARED((HP, DP), jnp.float32),
        pltpu.SemaphoreType.DMA,
    ],
)
def _edge_pass2(hvp_h, la_h, lb_h, src_h, dst_h, z_h, out_h,
                si, di, dl, rows, exb, lav, lbv, acc, sem):
    cid = lax.axis_index("c")
    sid = lax.axis_index("s")
    for z in range(3):
        pltpu.sync_copy(z_h, acc.at[pl.ds(sid * RPB + z * ZB, ZB)])
    @pl.when(sid == NS - 1)
    def _zero_tail():
        pltpu.sync_copy(z_h.at[pl.ds(0, HP - NS * RPB)],
                        acc.at[pl.ds(NS * RPB, HP - NS * RPB)])
    pltpu.sync_copy(la_h, lav)
    pltpu.sync_copy(lb_h, lbv)
    plsc.subcore_barrier()

    def chunk_body(kk, _):
        base = sid * EPW + kk * C
        pltpu.sync_copy(src_h.at[pl.ds(base, C)], si)
        pltpu.sync_copy(dst_h.at[pl.ds(base, C)], di)
        pltpu.async_copy(hvp_h.at[si], rows, sem).wait()
        for g in range(C // L):
            s16 = si[pl.ds(L * g, L)]
            d16 = di[pl.ds(L * g, L)]
            lg = plsc.load_gather(lav, [d16]) + plsc.load_gather(lbv, [s16])
            lg = jnp.where(lg >= 0, lg, 0.01 * lg)
            exb[pl.ds(L * g, L)] = jnp.exp(lg)
            li = d16 - cid * HN
            ok = (li >= 0) & (li < HN)
            dl[pl.ds(L * g, L)] = jnp.where(ok, li, HN)

        def edge_body(e, carry):
            exs = exb[pl.ds(e, L)][0]
            for j in range(NJ - 1):
                rows[e, pl.ds(L * j, L)] = rows[e, pl.ds(L * j, L)] * exs
            m = lax.iota(jnp.int32, L) == (D - (NJ - 1) * L)
            last = rows[e, pl.ds((NJ - 1) * L, L)] * exs
            rows[e, pl.ds((NJ - 1) * L, L)] = jnp.where(
                m, jnp.full((L,), exs, jnp.float32), last)
            return carry

        lax.fori_loop(0, C, edge_body, 0)
        pltpu.sync_copy(rows, acc.at[dl], add=True)
        return _

    lax.fori_loop(0, NCHUNK, chunk_body, 0)
    plsc.subcore_barrier()
    for z in range(3):
        r0 = sid * RPB + z * ZB
        pltpu.sync_copy(acc.at[pl.ds(r0, ZB)], out_h.at[cid, pl.ds(r0, ZB)])
    @pl.when(sid == NS - 1)
    def _wb_tail():
        pltpu.sync_copy(acc.at[pl.ds(NS * RPB, HN - NS * RPB)],
                        out_h.at[cid, pl.ds(NS * RPB, HN - NS * RPB)])




def _mm(a, b):
    return jnp.dot(a, b, preferred_element_type=jnp.float32,
                   precision=lax.Precision.HIGHEST)


def _gru_block(c, h, wih, whh, bih, bhh):
    x = jnp.where(c > 0, c, jnp.exp(c) - 1.0)
    gi = _mm(x, wih) + bih
    gh = _mm(h, whh) + bhh
    ir, iz, inn = gi[:, :D], gi[:, D:2*D], gi[:, 2*D:]
    hr, hz, hn = gh[:, :D], gh[:, D:2*D], gh[:, 2*D:]
    r = jax.nn.sigmoid(ir + hr)
    z = jax.nn.sigmoid(iz + hz)
    n = jnp.tanh(inn + r * hn)
    return jnp.maximum((1 - z) * n + z * h, 0.0)


def _k1_body(x_ref, wpn_ref, bpn_ref, we1_ref, be1_ref, w2b_ref, be2_ref,
             hv_ref, xw_ref, t_ref):
    x = x_ref[...]
    hv = _leaky(_mm(x, wpn_ref[...]) + bpn_ref[...])
    hv_ref[...] = hv
    xw_ref[...] = _mm(x, we1_ref[...]) + be1_ref[...]
    t_ref[...] = _mm(hv, w2b_ref[...]) + be2_ref[0, 0]


def k1(x, wpn, bpn, we1p, be1p, w2b, be2):
    return pl.pallas_call(
        _k1_body,
        grid=(NB,),
        in_specs=[
            pl.BlockSpec((BN, DN), lambda i: (i, 0)),
            pl.BlockSpec((DN, D), lambda i: (0, 0)),
            pl.BlockSpec((1, D), lambda i: (0, 0)),
            pl.BlockSpec((DN, DP), lambda i: (0, 0)),
            pl.BlockSpec((1, DP), lambda i: (0, 0)),
            pl.BlockSpec((D, 1), lambda i: (0, 0)),
            pl.BlockSpec((1, 1), lambda i: (0, 0)),
        ],
        out_specs=[
            pl.BlockSpec((BN, D), lambda i: (i, 0)),
            pl.BlockSpec((BN, DP), lambda i: (i, 0)),
            pl.BlockSpec((BN, 1), lambda i: (i, 0)),
        ],
        out_shape=[
            jax.ShapeDtypeStruct((N, D), jnp.float32),
            jax.ShapeDtypeStruct((N, DP), jnp.float32),
            jax.ShapeDtypeStruct((N, 1), jnp.float32),
        ],
            )(x, wpn, bpn.reshape(1, D), we1p, be1p, w2b.reshape(D, 1),
      be2.reshape(1, 1))


def _k2_body(ea_ref, w_ref, o_ref):
    o_ref[...] = _mm(ea_ref[...], w_ref[...])


def k2(edge_attr, we1bp):
    return pl.pallas_call(
        _k2_body,
        grid=(NEB,),
        in_specs=[pl.BlockSpec((BE, DE), lambda i: (i, 0)),
                  pl.BlockSpec((DE, DP), lambda i: (0, 0))],
        out_specs=pl.BlockSpec((BE, DP), lambda i: (i, 0)),
        out_shape=jax.ShapeDtypeStruct((E, DP), jnp.float32),
            )(edge_attr, we1bp)


def _k3_body(u_ref, hv_ref, wet_ref, bet_ref, wih_ref, whh_ref, bih_ref,
             bhh_ref, wab_ref, beb_ref, wpnp_ref, bpnp_ref,
             node_ref, la_ref, lb_ref, hvp_ref):
    u = u_ref[...]
    Ub, s = u[:, :D], u[:, D:D+1]
    den = 1.0 / (s + 1e-12)
    c = _mm(Ub * den, wet_ref[...]) + (s * den) * bet_ref[...]
    node = _gru_block(c, hv_ref[...], wih_ref[...], whh_ref[...],
                      bih_ref[...], bhh_ref[...])
    node_ref[...] = node
    lab = _mm(node, wab_ref[...])
    la_ref[...] = lab[:, :1] + beb_ref[0, 0]
    lb_ref[...] = lab[:, 1:2]
    hvp_ref[...] = _mm(node, wpnp_ref[...]) + bpnp_ref[...]


def k3(u, hv, wet, bet, wih, whh, bih, bhh, wab, beb, wpnp, bpnp):
    return pl.pallas_call(
        _k3_body,
        grid=(NB,),
        in_specs=[
            pl.BlockSpec((BN, DP), lambda i: (i, 0)),
            pl.BlockSpec((BN, D), lambda i: (i, 0)),
            pl.BlockSpec((D, D), lambda i: (0, 0)),
            pl.BlockSpec((1, D), lambda i: (0, 0)),
            pl.BlockSpec((D, 3*D), lambda i: (0, 0)),
            pl.BlockSpec((D, 3*D), lambda i: (0, 0)),
            pl.BlockSpec((1, 3*D), lambda i: (0, 0)),
            pl.BlockSpec((1, 3*D), lambda i: (0, 0)),
            pl.BlockSpec((D, 2), lambda i: (0, 0)),
            pl.BlockSpec((1, 1), lambda i: (0, 0)),
            pl.BlockSpec((D, DP), lambda i: (0, 0)),
            pl.BlockSpec((1, DP), lambda i: (0, 0)),
        ],
        out_specs=[
            pl.BlockSpec((BN, D), lambda i: (i, 0)),
            pl.BlockSpec((BN, 1), lambda i: (i, 0)),
            pl.BlockSpec((BN, 1), lambda i: (i, 0)),
            pl.BlockSpec((BN, DP), lambda i: (i, 0)),
        ],
        out_shape=[
            jax.ShapeDtypeStruct((N, D), jnp.float32),
            jax.ShapeDtypeStruct((N, 1), jnp.float32),
            jax.ShapeDtypeStruct((N, 1), jnp.float32),
            jax.ShapeDtypeStruct((N, DP), jnp.float32),
        ],
            )(u, hv, wet, bet.reshape(1, D), wih, whh, bih.reshape(1, 3*D),
      bhh.reshape(1, 3*D), wab, beb.reshape(1, 1), wpnp, bpnp.reshape(1, DP))


def _k4_body(u_ref, h_ref, wih_ref, whh_ref, bih_ref, bhh_ref, node_ref):
    u = u_ref[...]
    c = u[:, :D] / (u[:, D:D+1] + 1e-12)
    node_ref[...] = _gru_block(c, h_ref[...], wih_ref[...], whh_ref[...],
                               bih_ref[...], bhh_ref[...])


def k4(u, h, wih, whh, bih, bhh):
    return pl.pallas_call(
        _k4_body,
        grid=(NB,),
        in_specs=[
            pl.BlockSpec((BN, DP), lambda i: (i, 0)),
            pl.BlockSpec((BN, D), lambda i: (i, 0)),
            pl.BlockSpec((D, 3*D), lambda i: (0, 0)),
            pl.BlockSpec((D, 3*D), lambda i: (0, 0)),
            pl.BlockSpec((1, 3*D), lambda i: (0, 0)),
            pl.BlockSpec((1, 3*D), lambda i: (0, 0)),
        ],
        out_specs=pl.BlockSpec((BN, D), lambda i: (i, 0)),
        out_shape=jax.ShapeDtypeStruct((N, D), jnp.float32),
            )(u, h, wih, whh, bih.reshape(1, 3*D), bhh.reshape(1, 3*D))


def _k5a_body(node_ref, gid_ref, g_ref):
    i = pl.program_id(0)

    @pl.when(i == 0)
    def _init():
        g_ref[...] = jnp.zeros_like(g_ref)

    gid = gid_ref[...][:, 0]
    iota = lax.broadcasted_iota(jnp.int32, (G, BN), 0)
    mask = (gid[None, :] == iota).astype(jnp.float32)
    g_ref[...] += _mm(mask, node_ref[...])


def k5a(node, gid2):
    return pl.pallas_call(
        _k5a_body,
        grid=(NB,),
        in_specs=[pl.BlockSpec((BN, D), lambda i: (i, 0)),
                  pl.BlockSpec((BN, 1), lambda i: (i, 0))],
        out_specs=pl.BlockSpec((G, D), lambda i: (0, 0)),
        out_shape=jax.ShapeDtypeStruct((G, D), jnp.float32),
            )(node, gid2)


def _k5b_body(g_ref, node_ref, gid_ref, wca_ref, wcb_ref, bcl_ref,
              wprj_ref, bprj_ref, u_ref, s_ref):
    i = pl.program_id(0)

    @pl.when(i == 0)
    def _init():
        u_ref[...] = jnp.zeros_like(u_ref)
        s_ref[...] = jnp.zeros_like(s_ref)

    node = node_ref[...]
    rgw = _mm(jnp.maximum(g_ref[...], 0.0), wca_ref[...])
    gid = gid_ref[...][:, 0]
    iota = lax.broadcasted_iota(jnp.int32, (G, BN), 0)
    mask = (gid[None, :] == iota).astype(jnp.float32)
    z = _mm(mask.T, rgw) + _mm(node, wcb_ref[...]) + bcl_ref[0, 0]
    ez = jnp.exp(_leaky(z))
    hvn = _mm(node, wprj_ref[...]) + bprj_ref[...]
    u_ref[...] += _mm(mask, ez * hvn)
    s_ref[...] += _mm(mask, ez)


def k5b(g, node, gid2, wca, wcb, bcl, wprj, bprj):
    return pl.pallas_call(
        _k5b_body,
        grid=(NB,),
        in_specs=[
            pl.BlockSpec((G, D), lambda i: (0, 0)),
            pl.BlockSpec((BN, D), lambda i: (i, 0)),
            pl.BlockSpec((BN, 1), lambda i: (i, 0)),
            pl.BlockSpec((D, 1), lambda i: (0, 0)),
            pl.BlockSpec((D, 1), lambda i: (0, 0)),
            pl.BlockSpec((1, 1), lambda i: (0, 0)),
            pl.BlockSpec((D, D), lambda i: (0, 0)),
            pl.BlockSpec((1, D), lambda i: (0, 0)),
        ],
        out_specs=[pl.BlockSpec((G, D), lambda i: (0, 0)),
                   pl.BlockSpec((G, 1), lambda i: (0, 0))],
        out_shape=[jax.ShapeDtypeStruct((G, D), jnp.float32),
                   jax.ShapeDtypeStruct((G, 1), jnp.float32)],
            )(g, node, gid2, wca.reshape(D, 1), wcb.reshape(D, 1),
      bcl.reshape(1, 1), wprj, bprj.reshape(1, D))


def _k5c_body(u_ref, s_ref, g_ref, wih_ref, whh_ref, bih_ref, bhh_ref,
              out_ref):
    c = u_ref[...] / (s_ref[...] + 1e-12)
    out_ref[...] = _gru_block(c, g_ref[...], wih_ref[...], whh_ref[...],
                              bih_ref[...], bhh_ref[...])


def k5c(u, s, g, wih, whh, bih, bhh):
    return pl.pallas_call(
        _k5c_body,
        in_specs=[pl.BlockSpec((G, D), lambda: (0, 0)),
                  pl.BlockSpec((G, 1), lambda: (0, 0)),
                  pl.BlockSpec((G, D), lambda: (0, 0)),
                  pl.BlockSpec((D, 3*D), lambda: (0, 0)),
                  pl.BlockSpec((D, 3*D), lambda: (0, 0)),
                  pl.BlockSpec((1, 3*D), lambda: (0, 0)),
                  pl.BlockSpec((1, 3*D), lambda: (0, 0))],
        out_specs=pl.BlockSpec((G, D), lambda: (0, 0)),
        out_shape=jax.ShapeDtypeStruct((G, D), jnp.float32),
            )(u, s, g, wih, whh, bih.reshape(1, 3*D), bhh.reshape(1, 3*D))


def _k6_body(g_ref, w_ref, b_ref, o_ref):
    o_ref[...] = _mm(g_ref[...], w_ref[...]) + b_ref[0, 0]


def k6(g, w, b):
    return pl.pallas_call(
        _k6_body,
        in_specs=[pl.BlockSpec((G, D), lambda: (0, 0)),
                  pl.BlockSpec((D, P), lambda: (0, 0)),
                  pl.BlockSpec((1, 1), lambda: (0, 0))],
        out_specs=pl.BlockSpec((G, P), lambda: (0, 0)),
        out_shape=jax.ShapeDtypeStruct((G, P), jnp.float32),
            )(g, w, b.reshape(1, 1))


def kernel(x, edge_attr, edge_index, graph_ids, params):
    p = params
    src = edge_index[0].astype(jnp.int32)
    dst = edge_index[1].astype(jnp.int32)
    gid2 = graph_ids.astype(jnp.int32).reshape(N, 1)

    we1p = jnp.pad(p['ctx_We1'], ((0, 0), (0, DP - D)))
    be1p = jnp.pad(p['ctx_be1'], (0, DP - D)).reshape(1, DP)
    hv, xw1, t = k1(x, p['ctx_Wpn'], p['ctx_bpn'], we1p[:DN], be1p,
                    p['ctx_We2'][D:, :], p['ctx_be2'])
    eaw = k2(edge_attr, we1p[DN:])
    w2a = jnp.pad(p['ctx_We2'][:D, 0], (0, DP - D))

    zrows = jnp.zeros((ZB, DP), jnp.float32)
    u1 = _edge_pass1(xw1, eaw, t[:, 0], src, dst, w2a, zrows).reshape(N, DP)

    wab = jnp.concatenate([p['l1_We'][:D], p['l1_We'][D:]], axis=1)
    wpnp = jnp.pad(p['l1_Wpn'], ((0, 0), (0, DP - D)))
    bpnp = jnp.pad(p['l1_bpn'], (0, DP - D))
    node, la, lb, hvp = k3(u1, hv, p['ctx_Wet'], p['ctx_bet'],
                           p['gru_ctx_Wih'], p['gru_ctx_Whh'],
                           p['gru_ctx_bih'], p['gru_ctx_bhh'],
                           wab, p['l1_be'], wpnp, bpnp)

    u2 = _edge_pass2(hvp, la[:, 0], lb[:, 0], src, dst, zrows).reshape(N, DP)
    node2 = k4(u2, node, p['gru_l1_Wih'], p['gru_l1_Whh'],
               p['gru_l1_bih'], p['gru_l1_bhh'])

    g = k5a(node2, gid2)
    for name in ['r0', 'r1']:
        u3, s3 = k5b(g, node2, gid2, p[name + '_Wcl'][:D, 0],
                     p[name + '_Wcl'][D:, 0], p[name + '_bcl'],
                     p[name + '_Wprj'], p[name + '_bprj'])
        g = k5c(u3, s3, g, p['gru_' + name + '_Wih'],
                p['gru_' + name + '_Whh'], p['gru_' + name + '_bih'],
                p['gru_' + name + '_bhh'])
    return k6(g, p['out_W'], p['out_b'])

# --- scband reference (transcript-rebuilt; emitter-appended) ---
"""Pipeline reference for scband-dgl-attentive-fp-1692217114866 (READ-ONLY COPY).

The authoritative reference and input builder live on the scoring server;
editing this copy changes nothing except your own understanding.
"""

import jax, jax.numpy as jnp
import numpy as np

N = 10000; E = 320000; G = 512; DN = 128; DE = 16; D = 200; P = 1

def _leaky(x):
    return jnp.where(x >= 0, x, 0.01 * x)

def _gru(x, h, p, name):
    gi = x @ p[name + '_Wih'] + p[name + '_bih']
    gh = h @ p[name + '_Whh'] + p[name + '_bhh']
    ir, iz, inn = jnp.split(gi, 3, axis=-1)
    hr, hz, hn = jnp.split(gh, 3, axis=-1)
    r = jax.nn.sigmoid(ir + hr)
    z = jax.nn.sigmoid(iz + hz)
    n = jnp.tanh(inn + r * hn)
    return (1 - z) * n + z * h

def _seg_softmax(logits, seg, num):
    m = jax.ops.segment_max(logits, seg, num_segments=num)
    m = jnp.where(jnp.isfinite(m), m, 0.0)
    ex = jnp.exp(logits - m[seg])
    s = jax.ops.segment_sum(ex, seg, num_segments=num)
    return ex / (s[seg] + 1e-12)

def setup_inputs(seed: int = 0):
    key = jax.random.key(seed)
    ks = jax.random.split(key, 64)
    x = jax.random.normal(ks[0], (N, DN), dtype=jnp.float32)
    edge_attr = jax.random.normal(ks[1], (E, DE), dtype=jnp.float32)
    edge_index = jax.random.randint(ks[2], (2, E), 0, N)
    graph_ids = jnp.sort(jax.random.randint(ks[3], (N,), 0, G))
    def p(i, shape):
        return jax.random.normal(ks[i], shape, dtype=jnp.float32) * 0.05
    params = {}
    params['ctx_Wpn'] = p(4, (DN, D)); params['ctx_bpn'] = p(5, (D,))
    params['ctx_We1'] = p(6, (DN + DE, D)); params['ctx_be1'] = p(7, (D,))
    params['ctx_We2'] = p(8, (2 * D, 1)); params['ctx_be2'] = p(9, (1,))
    params['ctx_Wet'] = p(10, (D, D)); params['ctx_bet'] = p(11, (D,))
    for i, name in enumerate(['gru_ctx', 'gru_l1', 'gru_r0', 'gru_r1']):
        base = 12 + i * 4
        params[name + '_Wih'] = p(base, (D, 3 * D))
        params[name + '_Whh'] = p(base + 1, (D, 3 * D))
        params[name + '_bih'] = p(base + 2, (3 * D,))
        params[name + '_bhh'] = p(base + 3, (3 * D,))
    params['l1_We'] = p(28, (2 * D, 1)); params['l1_be'] = p(29, (1,))
    params['l1_Wpn'] = p(30, (D, D)); params['l1_bpn'] = p(31, (D,))
    for i, name in enumerate(['r0', 'r1']):
        base = 32 + i * 4
        params[name + '_Wcl'] = p(base, (2 * D, 1)); params[name + '_bcl'] = p(base + 1, (1,))
        params[name + '_Wprj'] = p(base + 2, (D, D)); params[name + '_bprj'] = p(base + 3, (D,))
    params['out_W'] = p(40, (D, P)); params['out_b'] = p(41, (P,))
    return {'x': x, 'edge_attr': edge_attr, 'edge_index': edge_index, 'graph_ids': graph_ids, 'params': params}

def _forward(x, edge_attr, params, edge_index, graph_ids):
    p = params
    src = edge_index[0]; dst = edge_index[1]
    # GetContext
    hv_new = _leaky(x @ p['ctx_Wpn'] + p['ctx_bpn'])
    he1 = _leaky(jnp.concatenate([x[src], edge_attr], axis=1) @ p['ctx_We1'] + p['ctx_be1'])
    logits = _leaky(jnp.concatenate([he1, hv_new[dst]], axis=1) @ p['ctx_We2'] + p['ctx_be2'])
    a = _seg_softmax(logits, dst, N)
    e = a * (he1 @ p['ctx_Wet'] + p['ctx_bet'])
    c = jax.ops.segment_sum(e, dst, num_segments=N)
    node = jax.nn.relu(_gru(jax.nn.elu(c), hv_new, p, 'gru_ctx'))
    # GNNLayer (num_layers - 1 = 1)
    logits = _leaky(jnp.concatenate([node[dst], node[src]], axis=1) @ p['l1_We'] + p['l1_be'])
    a = _seg_softmax(logits, dst, N)
    hvp = node @ p['l1_Wpn'] + p['l1_bpn']
    c = jax.ops.segment_sum(hvp[src] * a, dst, num_segments=N)
    node = jax.nn.relu(_gru(jax.nn.elu(c), node, p, 'gru_l1'))
    # AttentiveFPReadout (num_timesteps = 2)
    g_feats = jax.ops.segment_sum(node, graph_ids, num_segments=G)
    for name in ['r0', 'r1']:
        z = _leaky(jnp.concatenate([jax.nn.relu(g_feats)[graph_ids], node], axis=1) @ p[name + '_Wcl'] + p[name + '_bcl'])
        a = _seg_softmax(z, graph_ids, G)
        hvn = node @ p[name + '_Wprj'] + p[name + '_bprj']
        g_repr = jax.ops.segment_sum(a * hvn, graph_ids, num_segments=G)
        g_feats = jax.nn.relu(_gru(jax.nn.elu(g_repr), g_feats, p, 'gru_' + name))
    return g_feats @ p['out_W'] + p['out_b']

def reference(x, edge_attr, edge_index, graph_ids, params):
    return _forward(x, edge_attr, params, edge_index, graph_ids)

if __name__ == "__main__":
    import jax
    _d = setup_inputs()
    print(jax.jit(kernel)(*tuple(_d.values())))

</pallas_src>

<mosaic_0001>
#map = affine_map<(d0, d1) -> (0, 0)>
#map1 = affine_map<(d0, d1) -> (0)>
#map2 = affine_map<(d0, d1) -> (0, 0, 0)>
module attributes {stable_mosaic.version = 14 : i64} {
  func.func @_edge_pass1(%arg0: i32, %arg1: i32, %arg2: memref<10000x208xf32, #tpu.memory_space<hbm>>, %arg3: memref<320000x208xf32, #tpu.memory_space<hbm>>, %arg4: memref<10000xf32, #tpu.memory_space<hbm>>, %arg5: memref<320000xi32, #tpu.memory_space<hbm>>, %arg6: memref<320000xi32, #tpu.memory_space<hbm>>, %arg7: memref<208xf32, #tpu.memory_space<hbm>>, %arg8: memref<104x208xf32, #tpu.memory_space<hbm>>, %arg9: memref<2x5000x208xf32, #tpu.memory_space<hbm>>, %arg10: memref<80xi32, #tpu.memory_space<vmem>>, %arg11: memref<80xi32, #tpu.memory_space<vmem>>, %arg12: memref<80xi32, #tpu.memory_space<vmem>>, %arg13: memref<80x208xf32, #tpu.memory_space<vmem>>, %arg14: memref<80x208xf32, #tpu.memory_space<vmem>>, %arg15: memref<10000xf32, #tpu.memory_space<vmem>>, %arg16: memref<208xf32, #tpu.memory_space<vmem>>, %arg17: memref<96xf32, #tpu.memory_space<vmem>>, %arg18: memref<5008x208xf32, #tpu.memory_space<vmem_shared>>, %arg19: memref<!tpu.dma_semaphore, #tpu.memory_space<semaphore_mem>>) attributes {dimension_semantics = [#tpu.dimension_semantics<core_parallel>, #tpu.dimension_semantics<subcore_parallel>], iteration_bounds = array<i64: 2, 16>, scalar_prefetch = 0 : i64, scratch_operands = 10 : i64, tpu.core_type = #tpu.core_type<sc_vector_subcore>, window_params = [{transform_indices = #map}, {transform_indices = #map}, {transform_indices = #map1}, {transform_indices = #map1}, {transform_indices = #map1}, {transform_indices = #map1}, {transform_indices = #map}, {transform_indices = #map2}]} {
    %mul3A = arith.constant 312 : i32
    %mul3A_0 = arith.muli %arg1, %mul3A : i32
    %add3A = arith.constant 0 : i32
    %add3A_1 = arith.addi %mul3A_0, %add3A : i32
    "tpu.region"() ({
      %run_scoped3A = tpu.sem_alloc : memref<!tpu.dma_semaphore, #tpu.memory_space<semaphore_mem>>
      %dma_start3A = arith.constant 0 : i32
      %dma_start3A_35 = tpu.memref_slice %arg18[%add3A_1, %dma_start3A] : memref<5008x208xf32, #tpu.memory_space<vmem_shared>> -> memref<104x208xf32, #tpu.memory_space<vmem_shared>>
      tpu.enqueue_dma source(%arg8 : memref<104x208xf32, #tpu.memory_space<hbm>>) target(%dma_start3A_35 : memref<104x208xf32, #tpu.memory_space<vmem_shared>>) target_semaphore(%run_scoped3A : memref<!tpu.dma_semaphore, #tpu.memory_space<semaphore_mem>>)
      %dma_wait3A = arith.constant 0 : i32
      %dma_wait3A_36 = tpu.memref_slice %arg18[%add3A_1, %dma_wait3A] : memref<5008x208xf32, #tpu.memory_space<vmem_shared>> -> memref<104x208xf32, #tpu.memory_space<vmem_shared>>
      tpu.wait_dma2 semaphore(%run_scoped3A : memref<!tpu.dma_semaphore, #tpu.memory_space<semaphore_mem>>) src(%arg8 : memref<104x208xf32, #tpu.memory_space<hbm>>) dst(%dma_wait3A_36 : memref<104x208xf32, #tpu.memory_space<vmem_shared>>)
      tpu.yield
    }) : () -> ()
    %mul3A_2 = arith.constant 312 : i32
    %mul3A_3 = arith.muli %arg1, %mul3A_2 : i32
    %add3A_4 = arith.constant 104 : i32
    %add3A_5 = arith.addi %mul3A_3, %add3A_4 : i32
    "tpu.region"() ({
      %run_scoped3A = tpu.sem_alloc : memref<!tpu.dma_semaphore, #tpu.memory_space<semaphore_mem>>
      %dma_start3A = arith.constant 0 : i32
      %dma_start3A_35 = tpu.memref_slice %arg18[%add3A_5, %dma_start3A] : memref<5008x208xf32, #tpu.memory_space<vmem_shared>> -> memref<104x208xf32, #tpu.memory_space<vmem_shared>>
      tpu.enqueue_dma source(%arg8 : memref<104x208xf32, #tpu.memory_space<hbm>>) target(%dma_start3A_35 : memref<104x208xf32, #tpu.memory_space<vmem_shared>>) target_semaphore(%run_scoped3A : memref<!tpu.dma_semaphore, #tpu.memory_space<semaphore_mem>>)
      %dma_wait3A = arith.constant 0 : i32
      %dma_wait3A_36 = tpu.memref_slice %arg18[%add3A_5, %dma_wait3A] : memref<5008x208xf32, #tpu.memory_space<vmem_shared>> -> memref<104x208xf32, #tpu.memory_space<vmem_shared>>
      tpu.wait_dma2 semaphore(%run_scoped3A : memref<!tpu.dma_semaphore, #tpu.memory_space<semaphore_mem>>) src(%arg8 : memref<104x208xf32, #tpu.memory_space<hbm>>) dst(%dma_wait3A_36 : memref<104x208xf32, #tpu.memory_space<vmem_shared>>)
      tpu.yield
    }) : () -> ()
    %mul3A_6 = arith.constant 312 : i32
    %mul3A_7 = arith.muli %arg1, %mul3A_6 : i32
    %add3A_8 = arith.constant 208 : i32
    %add3A_9 = arith.addi %mul3A_7, %add3A_8 : i32
    "tpu.region"() ({
      %run_scoped3A = tpu.sem_alloc : memref<!tpu.dma_semaphore, #tpu.memory_space<semaphore_mem>>
      %dma_start3A = arith.constant 0 : i32
      %dma_start3A_35 = tpu.memref_slice %arg18[%add3A_9, %dma_start3A] : memref<5008x208xf32, #tpu.memory_space<vmem_shared>> -> memref<104x208xf32, #tpu.memory_space<vmem_shared>>
      tpu.enqueue_dma source(%arg8 : memref<104x208xf32, #tpu.memory_space<hbm>>) target(%dma_start3A_35 : memref<104x208xf32, #tpu.memory_space<vmem_shared>>) target_semaphore(%run_scoped3A : memref<!tpu.dma_semaphore, #tpu.memory_space<semaphore_mem>>)
      %dma_wait3A = arith.constant 0 : i32
      %dma_wait3A_36 = tpu.memref_slice %arg18[%add3A_9, %dma_wait3A] : memref<5008x208xf32, #tpu.memory_space<vmem_shared>> -> memref<104x208xf32, #tpu.memory_space<vmem_shared>>
      tpu.wait_dma2 semaphore(%run_scoped3A : memref<!tpu.dma_semaphore, #tpu.memory_space<semaphore_mem>>) src(%arg8 : memref<104x208xf32, #tpu.memory_space<hbm>>) dst(%dma_wait3A_36 : memref<104x208xf32, #tpu.memory_space<vmem_shared>>)
      tpu.yield
    }) : () -> ()
    %eq3A = arith.constant 15 : i32
    %eq3A_10 = arith.cmpi eq, %arg1, %eq3A : i32
    %convert_element_type3A = arith.extui %eq3A_10 : i1 to i32
    %cond3A = arith.constant 0 : i32
    %cond3A_11 = arith.cmpi ne, %convert_element_type3A, %cond3A : i32
    scf.if %cond3A_11 {
      "tpu.region"() ({
        %run_scoped3A = tpu.sem_alloc : memref<!tpu.dma_semaphore, #tpu.memory_space<semaphore_mem>>
        %dma_start3A = arith.constant 4992 : i32
        %dma_start3A_35 = arith.constant 0 : i32
        %dma_start3A_36 = tpu.memref_slice %arg18[%dma_start3A, %dma_start3A_35] : memref<5008x208xf32, #tpu.memory_space<vmem_shared>> -> memref<16x208xf32, #tpu.memory_space<vmem_shared>>
        %dma_start3A_37 = arith.constant 0 : i32
        %dma_start3A_38 = arith.constant 0 : i32
        %dma_start3A_39 = tpu.memref_slice %arg8[%dma_start3A_37, %dma_start3A_38] : memref<104x208xf32, #tpu.memory_space<hbm>> -> memref<16x208xf32, #tpu.memory_space<hbm>>
        tpu.enqueue_dma source(%dma_start3A_39 : memref<16x208xf32, #tpu.memory_space<hbm>>) target(%dma_start3A_36 : memref<16x208xf32, #tpu.memory_space<vmem_shared>>) target_semaphore(%run_scoped3A : memref<!tpu.dma_semaphore, #tpu.memory_space<semaphore_mem>>)
        %dma_wait3A = arith.constant 4992 : i32
        %dma_wait3A_40 = arith.constant 0 : i32
        %dma_wait3A_41 = tpu.memref_slice %arg18[%dma_wait3A, %dma_wait3A_40] : memref<5008x208xf32, #tpu.memory_space<vmem_shared>> -> memref<16x208xf32, #tpu.memory_space<vmem_shared>>
        %dma_wait3A_42 = arith.constant 0 : i32
        %dma_wait3A_43 = arith.constant 0 : i32
        %dma_wait3A_44 = tpu.memref_slice %arg8[%dma_wait3A_42, %dma_wait3A_43] : memref<104x208xf32, #tpu.memory_space<hbm>> -> memref<16x208xf32, #tpu.memory_space<hbm>>
        tpu.wait_dma2 semaphore(%run_scoped3A : memref<!tpu.dma_semaphore, #tpu.memory_space<semaphore_mem>>) src(%dma_wait3A_44 : memref<16x208xf32, #tpu.memory_space<hbm>>) dst(%dma_wait3A_41 : memref<16x208xf32, #tpu.memory_space<vmem_shared>>)
        tpu.yield
      }) : () -> ()
    } else {
    }
    "tpu.region"() ({
      %run_scoped3A = tpu.sem_alloc : memref<!tpu.dma_semaphore, #tpu.memory_space<semaphore_mem>>
      tpu.enqueue_dma source(%arg4 : memref<10000xf32, #tpu.memory_space<hbm>>) target(%arg15 : memref<10000xf32, #tpu.memory_space<vmem>>) target_semaphore(%run_scoped3A : memref<!tpu.dma_semaphore, #tpu.memory_space<semaphore_mem>>)
      tpu.wait_dma2 semaphore(%run_scoped3A : memref<!tpu.dma_semaphore, #tpu.memory_space<semaphore_mem>>) src(%arg4 : memref<10000xf32, #tpu.memory_space<hbm>>) dst(%arg15 : memref<10000xf32, #tpu.memory_space<vmem>>)
      tpu.yield
    }) : () -> ()
    "tpu.region"() ({
      %run_scoped3A = tpu.sem_alloc : memref<!tpu.dma_semaphore, #tpu.memory_space<semaphore_mem>>
      tpu.enqueue_dma source(%arg7 : memref<208xf32, #tpu.memory_space<hbm>>) target(%arg16 : memref<208xf32, #tpu.memory_space<vmem>>) target_semaphore(%run_scoped3A : memref<!tpu.dma_semaphore, #tpu.memory_space<semaphore_mem>>)
      tpu.wait_dma2 semaphore(%run_scoped3A : memref<!tpu.dma_semaphore, #tpu.memory_space<semaphore_mem>>) src(%arg7 : memref<208xf32, #tpu.memory_space<hbm>>) dst(%arg16 : memref<208xf32, #tpu.memory_space<vmem>>)
      tpu.yield
    }) : () -> ()
    %barrier3A = arith.constant 0 : index
    tpu.barrier barrier_id(%barrier3A)
    %scan3A = arith.constant 0 : i32
    %scan3A_12 = arith.constant 0 : i32
    %scan3A_13 = arith.constant 250 : i32
    %scan3A_14 = arith.addi %scan3A_12, %scan3A_13 : i32
    %scan3A_15 = arith.constant 1 : i32
    scf.for %scan3A_35 = %scan3A_12 to %scan3A_14 step %scan3A_15  : i32 {
      %mul3A_36 = arith.constant 20000 : i32
      %mul3A_37 = arith.muli %arg1, %mul3A_36 : i32
      %mul3A_38 = arith.constant 80 : i32
      %mul3A_39 = arith.muli %scan3A_35, %mul3A_38 : i32
      %add3A_40 = arith.addi %mul3A_37, %mul3A_39 : i32
      "tpu.region"() ({
        %run_scoped3A = tpu.sem_alloc : memref<!tpu.dma_semaphore, #tpu.memory_space<semaphore_mem>>
        %dma_start3A_146 = tpu.memref_slice %arg5[%add3A_40] : memref<320000xi32, #tpu.memory_space<hbm>> -> memref<80xi32, #tpu.memory_space<hbm>>
        %dma_start3A_147 = tpu.memref_slice %arg5[%add3A_40] : memref<320000xi32, #tpu.memory_space<hbm>> -> memref<80xi32, #tpu.memory_space<hbm>>
        tpu.enqueue_dma source(%dma_start3A_147 : memref<80xi32, #tpu.memory_space<hbm>>) target(%arg10 : memref<80xi32, #tpu.memory_space<vmem>>) target_semaphore(%run_scoped3A : memref<!tpu.dma_semaphore, #tpu.memory_space<semaphore_mem>>)
        %dma_wait3A_148 = tpu.memref_slice %arg5[%add3A_40] : memref<320000xi32, #tpu.memory_space<hbm>> -> memref<80xi32, #tpu.memory_space<hbm>>
        %dma_wait3A_149 = tpu.memref_slice %arg5[%add3A_40] : memref<320000xi32, #tpu.memory_space<hbm>> -> memref<80xi32, #tpu.memory_space<hbm>>
        tpu.wait_dma2 semaphore(%run_scoped3A : memref<!tpu.dma_semaphore, #tpu.memory_space<semaphore_mem>>) src(%dma_wait3A_149 : memref<80xi32, #tpu.memory_space<hbm>>) dst(%arg10 : memref<80xi32, #tpu.memory_space<vmem>>)
        tpu.yield
      }) : () -> ()
      "tpu.region"() ({
        %run_scoped3A = tpu.sem_alloc : memref<!tpu.dma_semaphore, #tpu.memory_space<semaphore_mem>>
        %dma_start3A_146 = tpu.memref_slice %arg6[%add3A_40] : memref<320000xi32, #tpu.memory_space<hbm>> -> memref<80xi32, #tpu.memory_space<hbm>>
        %dma_start3A_147 = tpu.memref_slice %arg6[%add3A_40] : memref<320000xi32, #tpu.memory_space<hbm>> -> memref<80xi32, #tpu.memory_space<hbm>>
        tpu.enqueue_dma source(%dma_start3A_147 : memref<80xi32, #tpu.memory_space<hbm>>) target(%arg11 : memref<80xi32, #tpu.memory_space<vmem>>) target_semaphore(%run_scoped3A : memref<!tpu.dma_semaphore, #tpu.memory_space<semaphore_mem>>)
        %dma_wait3A_148 = tpu.memref_slice %arg6[%add3A_40] : memref<320000xi32, #tpu.memory_space<hbm>> -> memref<80xi32, #tpu.memory_space<hbm>>
        %dma_wait3A_149 = tpu.memref_slice %arg6[%add3A_40] : memref<320000xi32, #tpu.memory_space<hbm>> -> memref<80xi32, #tpu.memory_space<hbm>>
        tpu.wait_dma2 semaphore(%run_scoped3A : memref<!tpu.dma_semaphore, #tpu.memory_space<semaphore_mem>>) src(%dma_wait3A_149 : memref<80xi32, #tpu.memory_space<hbm>>) dst(%arg11 : memref<80xi32, #tpu.memory_space<vmem>>)
        tpu.yield
      }) : () -> ()
      %dma_start3A = arith.constant 0 : i32
      %dma_start3A_41 = arith.constant 0 : i32
      %dma_start3A_42 = tpu.memref_slice %arg2[%dma_start3A, %dma_start3A_41] : memref<10000x208xf32, #tpu.memory_space<hbm>> -> memref<10000x208xf32, #tpu.memory_space<hbm>>
      tpu.enqueue_indirect_dma source(%dma_start3A_42 : memref<10000x208xf32, #tpu.memory_space<hbm>>) target(%arg13 : memref<80x208xf32, #tpu.memory_space<vmem>>) offsets(%arg10 : memref<80xi32, #tpu.memory_space<vmem>>) semaphore(%arg19 : memref<!tpu.dma_semaphore, #tpu.memory_space<semaphore_mem>>)
      %dma_wait3A = arith.constant 0 : i32
      %dma_wait3A_43 = arith.constant 0 : i32
      %dma_wait3A_44 = tpu.memref_slice %arg2[%dma_wait3A, %dma_wait3A_43] : memref<10000x208xf32, #tpu.memory_space<hbm>> -> memref<10000x208xf32, #tpu.memory_space<hbm>>
      tpu.wait_indirect_dma semaphore(%arg19 : memref<!tpu.dma_semaphore, #tpu.memory_space<semaphore_mem>>) src(%dma_wait3A_44 : memref<10000x208xf32, #tpu.memory_space<hbm>>) dst(%arg13 : memref<80x208xf32, #tpu.memory_space<vmem>>)
      "tpu.region"() ({
        %run_scoped3A = tpu.sem_alloc : memref<!tpu.dma_semaphore, #tpu.memory_space<semaphore_mem>>
        %dma_start3A_146 = arith.constant 0 : i32
        %dma_start3A_147 = tpu.memref_slice %arg3[%add3A_40, %dma_start3A_146] : memref<320000x208xf32, #tpu.memory_space<hbm>> -> memref<80x208xf32, #tpu.memory_space<hbm>>
        %dma_start3A_148 = arith.constant 0 : i32
        %dma_start3A_149 = tpu.memref_slice %arg3[%add3A_40, %dma_start3A_148] : memref<320000x208xf32, #tpu.memory_space<hbm>> -> memref<80x208xf32, #tpu.memory_space<hbm>>
        tpu.enqueue_dma source(%dma_start3A_149 : memref<80x208xf32, #tpu.memory_space<hbm>>) target(%arg14 : memref<80x208xf32, #tpu.memory_space<vmem>>) target_semaphore(%run_scoped3A : memref<!tpu.dma_semaphore, #tpu.memory_space<semaphore_mem>>)
        %dma_wait3A_150 = arith.constant 0 : i32
        %dma_wait3A_151 = tpu.memref_slice %arg3[%add3A_40, %dma_wait3A_150] : memref<320000x208xf32, #tpu.memory_space<hbm>> -> memref<80x208xf32, #tpu.memory_space<hbm>>
        %dma_wait3A_152 = arith.constant 0 : i32
        %dma_wait3A_153 = tpu.memref_slice %arg3[%add3A_40, %dma_wait3A_152] : memref<320000x208xf32, #tpu.memory_space<hbm>> -> memref<80x208xf32, #tpu.memory_space<hbm>>
        tpu.wait_dma2 semaphore(%run_scoped3A : memref<!tpu.dma_semaphore, #tpu.memory_space<semaphore_mem>>) src(%dma_wait3A_153 : memref<80x208xf32, #tpu.memory_space<hbm>>) dst(%arg14 : memref<80x208xf32, #tpu.memory_space<vmem>>)
        tpu.yield
      }) : () -> ()
      %get3A = arith.constant 0 : index
      %get3A_45 = tpu.vector_load %arg11[%get3A] {strides = array<i32>} : memref<80xi32, #tpu.memory_space<vmem>>, vector<16xi32>,
      %gather3A = tpu.vector_load_idx %arg15[%get3A_45] : memref<10000xf32, #tpu.memory_space<vmem>>[vector<16xi32>], vector<16xf32>,
      %swap3A = arith.constant 0 : index
      %swap3A_46 = tpu.vector_load %arg17[%swap3A] {strides = array<i32>} : memref<96xf32, #tpu.memory_space<vmem>>, vector<16xf32>,
      tpu.vector_store %arg17[%swap3A], %gather3A {strides = array<i32>} : memref<96xf32, #tpu.memory_space<vmem>>, vector<16xf32>,
      %mul3A_47 = arith.constant 5000 : i32
      %mul3A_48 = arith.muli %arg0, %mul3A_47 : i32
      %sub3A = vector.broadcast %mul3A_48 : i32 to vector<16xi32>
      %sub3A_49 = arith.subi %get3A_45, %sub3A : vector<16xi32>
      %ge3A = arith.constant 0 : i32
      %ge3A_50 = vector.broadcast %ge3A : i32 to vector<16xi32>
      %ge3A_51 = arith.cmpi sge, %sub3A_49, %ge3A_50 : vector<16xi32>
      %lt3A = arith.constant 5000 : i32
      %lt3A_52 = vector.broadcast %lt3A : i32 to vector<16xi32>
      %lt3A_53 = arith.cmpi slt, %sub3A_49, %lt3A_52 : vector<16xi32>
      %and3A = arith.andi %ge3A_51, %lt3A_53 : vector<16xi1>
      %jit3A = arith.constant 5000 : i32
      %broadcast_in_dim3A = vector.broadcast %jit3A : i32 to vector<16xi32>
      %select_n3A = arith.select %and3A, %sub3A_49, %broadcast_in_dim3A : vector<16xi1>, vector<16xi32>
      %swap3A_54 = arith.constant 0 : index
      %swap3A_55 = tpu.vector_load %arg12[%swap3A_54] {strides = array<i32>} : memref<80xi32, #tpu.memory_space<vmem>>, vector<16xi32>,
      tpu.vector_store %arg12[%swap3A_54], %select_n3A {strides = array<i32>} : memref<80xi32, #tpu.memory_space<vmem>>, vector<16xi32>,
      %get3A_56 = arith.constant 16 : index
      %get3A_57 = tpu.vector_load %arg11[%get3A_56] {strides = array<i32>} : memref<80xi32, #tpu.memory_space<vmem>>, vector<16xi32>,
      %gather3A_58 = tpu.vector_load_idx %arg15[%get3A_57] : memref<10000xf32, #tpu.memory_space<vmem>>[vector<16xi32>], vector<16xf32>,
      %swap3A_59 = arith.constant 16 : index
      %swap3A_60 = tpu.vector_load %arg17[%swap3A_59] {strides = array<i32>} : memref<96xf32, #tpu.memory_space<vmem>>, vector<16xf32>,
      tpu.vector_store %arg17[%swap3A_59], %gather3A_58 {strides = array<i32>} : memref<96xf32, #tpu.memory_space<vmem>>, vector<16xf32>,
      %mul3A_61 = arith.constant 5000 : i32
      %mul3A_62 = arith.muli %arg0, %mul3A_61 : i32
      %sub3A_63 = vector.broadcast %mul3A_62 : i32 to vector<16xi32>
      %sub3A_64 = arith.subi %get3A_57, %sub3A_63 : vector<16xi32>
      %ge3A_65 = arith.constant 0 : i32
      %ge3A_66 = vector.broadcast %ge3A_65 : i32 to vector<16xi32>
      %ge3A_67 = arith.cmpi sge, %sub3A_64, %ge3A_66 : vector<16xi32>
      %lt3A_68 = arith.constant 5000 : i32
      %lt3A_69 = vector.broadcast %lt3A_68 : i32 to vector<16xi32>
      %lt3A_70 = arith.cmpi slt, %sub3A_64, %lt3A_69 : vector<16xi32>
      %and3A_71 = arith.andi %ge3A_67, %lt3A_70 : vector<16xi1>
      %jit3A_72 = arith.constant 5000 : i32
      %broadcast_in_dim3A_73 = vector.broadcast %jit3A_72 : i32 to vector<16xi32>
      %select_n3A_74 = arith.select %and3A_71, %sub3A_64, %broadcast_in_dim3A_73 : vector<16xi1>, vector<16xi32>
      %swap3A_75 = arith.constant 16 : index
      %swap3A_76 = tpu.vector_load %arg12[%swap3A_75] {strides = array<i32>} : memref<80xi32, #tpu.memory_space<vmem>>, vector<16xi32>,
      tpu.vector_store %arg12[%swap3A_75], %select_n3A_74 {strides = array<i32>} : memref<80xi32, #tpu.memory_space<vmem>>, vector<16xi32>,
      %get3A_77 = arith.constant 32 : index
      %get3A_78 = tpu.vector_load %arg11[%get3A_77] {strides = array<i32>} : memref<80xi32, #tpu.memory_space<vmem>>, vector<16xi32>,
      %gather3A_79 = tpu.vector_load_idx %arg15[%get3A_78] : memref<10000xf32, #tpu.memory_space<vmem>>[vector<16xi32>], vector<16xf32>,
      %swap3A_80 = arith.constant 32 : index
      %swap3A_81 = tpu.vector_load %arg17[%swap3A_80] {strides = array<i32>} : memref<96xf32, #tpu.memory_space<vmem>>, vector<16xf32>,
      tpu.vector_store %arg17[%swap3A_80], %gather3A_79 {strides = array<i32>} : memref<96xf32, #tpu.memory_space<vmem>>, vector<16xf32>,
      %mul3A_82 = arith.constant 5000 : i32
      %mul3A_83 = arith.muli %arg0, %mul3A_82 : i32
      %sub3A_84 = vector.broadcast %mul3A_83 : i32 to vector<16xi32>
      %sub3A_85 = arith.subi %get3A_78, %sub3A_84 : vector<16xi32>
      %ge3A_86 = arith.constant 0 : i32
      %ge3A_87 = vector.broadcast %ge3A_86 : i32 to vector<16xi32>
      %ge3A_88 = arith.cmpi sge, %sub3A_85, %ge3A_87 : vector<16xi32>
      %lt3A_89 = arith.constant 5000 : i32
      %lt3A_90 = vector.broadcast %lt3A_89 : i32 to vector<16xi32>
      %lt3A_91 = arith.cmpi slt, %sub3A_85, %lt3A_90 : vector<16xi32>
      %and3A_92 = arith.andi %ge3A_88, %lt3A_91 : vector<16xi1>
      %jit3A_93 = arith.constant 5000 : i32
      %broadcast_in_dim3A_94 = vector.broadcast %jit3A_93 : i32 to vector<16xi32>
      %select_n3A_95 = arith.select %and3A_92, %sub3A_85, %broadcast_in_dim3A_94 : vector<16xi1>, vector<16xi32>
      %swap3A_96 = arith.constant 32 : index
      %swap3A_97 = tpu.vector_load %arg12[%swap3A_96] {strides = array<i32>} : memref<80xi32, #tpu.memory_space<vmem>>, vector<16xi32>,
      tpu.vector_store %arg12[%swap3A_96], %select_n3A_95 {strides = array<i32>} : memref<80xi32, #tpu.memory_space<vmem>>, vector<16xi32>,
      %get3A_98 = arith.constant 48 : index
      %get3A_99 = tpu.vector_load %arg11[%get3A_98] {strides = array<i32>} : memref<80xi32, #tpu.memory_space<vmem>>, vector<16xi32>,
      %gather3A_100 = tpu.vector_load_idx %arg15[%get3A_99] : memref<10000xf32, #tpu.memory_space<vmem>>[vector<16xi32>], vector<16xf32>,
      %swap3A_101 = arith.constant 48 : index
      %swap3A_102 = tpu.vector_load %arg17[%swap3A_101] {strides = array<i32>} : memref<96xf32, #tpu.memory_space<vmem>>, vector<16xf32>,
      tpu.vector_store %arg17[%swap3A_101], %gather3A_100 {strides = array<i32>} : memref<96xf32, #tpu.memory_space<vmem>>, vector<16xf32>,
      %mul3A_103 = arith.constant 5000 : i32
      %mul3A_104 = arith.muli %arg0, %mul3A_103 : i32
      %sub3A_105 = vector.broadcast %mul3A_104 : i32 to vector<16xi32>
      %sub3A_106 = arith.subi %get3A_99, %sub3A_105 : vector<16xi32>
      %ge3A_107 = arith.constant 0 : i32
      %ge3A_108 = vector.broadcast %ge3A_107 : i32 to vector<16xi32>
      %ge3A_109 = arith.cmpi sge, %sub3A_106, %ge3A_108 : vector<16xi32>
      %lt3A_110 = arith.constant 5000 : i32
      %lt3A_111 = vector.broadcast %lt3A_110 : i32 to vector<16xi32>
      %lt3A_112 = arith.cmpi slt, %sub3A_106, %lt3A_111 : vector<16xi32>
      %and3A_113 = arith.andi %ge3A_109, %lt3A_112 : vector<16xi1>
      %jit3A_114 = arith.constant 5000 : i32
      %broadcast_in_dim3A_115 = vector.broadcast %jit3A_114 : i32 to vector<16xi32>
      %select_n3A_116 = arith.select %and3A_113, %sub3A_106, %broadcast_in_dim3A_115 : vector<16xi1>, vector<16xi32>
      %swap3A_117 = arith.constant 48 : index
      %swap3A_118 = tpu.vector_load %arg12[%swap3A_117] {strides = array<i32>} : memref<80xi32, #tpu.memory_space<vmem>>, vector<16xi32>,
      tpu.vector_store %arg12[%swap3A_117], %select_n3A_116 {strides = array<i32>} : memref<80xi32, #tpu.memory_space<vmem>>, vector<16xi32>,
      %get3A_119 = arith.constant 64 : index
      %get3A_120 = tpu.vector_load %arg11[%get3A_119] {strides = array<i32>} : memref<80xi32, #tpu.memory_space<vmem>>, vector<16xi32>,
      %gather3A_121 = tpu.vector_load_idx %arg15[%get3A_120] : memref<10000xf32, #tpu.memory_space<vmem>>[vector<16xi32>], vector<16xf32>,
      %swap3A_122 = arith.constant 64 : index
      %swap3A_123 = tpu.vector_load %arg17[%swap3A_122] {strides = array<i32>} : memref<96xf32, #tpu.memory_space<vmem>>, vector<16xf32>,
      tpu.vector_store %arg17[%swap3A_122], %gather3A_121 {strides = array<i32>} : memref<96xf32, #tpu.memory_space<vmem>>, vector<16xf32>,
      %mul3A_124 = arith.constant 5000 : i32
      %mul3A_125 = arith.muli %arg0, %mul3A_124 : i32
      %sub3A_126 = vector.broadcast %mul3A_125 : i32 to vector<16xi32>
      %sub3A_127 = arith.subi %get3A_120, %sub3A_126 : vector<16xi32>
      %ge3A_128 = arith.constant 0 : i32
      %ge3A_129 = vector.broadcast %ge3A_128 : i32 to vector<16xi32>
      %ge3A_130 = arith.cmpi sge, %sub3A_127, %ge3A_129 : vector<16xi32>
      %lt3A_131 = arith.constant 5000 : i32
      %lt3A_132 = vector.broadcast %lt3A_131 : i32 to vector<16xi32>
      %lt3A_133 = arith.cmpi slt, %sub3A_127, %lt3A_132 : vector<16xi32>
      %and3A_134 = arith.andi %ge3A_130, %lt3A_133 : vector<16xi1>
      %jit3A_135 = arith.constant 5000 : i32
      %broadcast_in_dim3A_136 = vector.broadcast %jit3A_135 : i32 to vector<16xi32>
      %select_n3A_137 = arith.select %and3A_134, %sub3A_127, %broadcast_in_dim3A_136 : vector<16xi1>, vector<16xi32>
      %swap3A_138 = arith.constant 64 : index
      %swap3A_139 = tpu.vector_load %arg12[%swap3A_138] {strides = array<i32>} : memref<80xi32, #tpu.memory_space<vmem>>, vector<16xi32>,
      tpu.vector_store %arg12[%swap3A_138], %select_n3A_137 {strides = array<i32>} : memref<80xi32, #tpu.memory_space<vmem>>, vector<16xi32>,
      %scan3A_140 = arith.constant 0 : i32
      %scan3A_141 = arith.constant 0 : i32
      %scan3A_142 = arith.constant 80 : i32
      %scan3A_143 = arith.addi %scan3A_141, %scan3A_142 : i32
      %scan3A_144 = arith.constant 1 : i32
      scf.for %scan3A_146 = %scan3A_141 to %scan3A_143 step %scan3A_144  : i32 {
        %broadcast_in_dim3A_147 = arith.constant 0.000000e+00 : f32
        %broadcast_in_dim3A_148 = vector.broadcast %broadcast_in_dim3A_147 : f32 to vector<16xf32>
        %get3A_149 = arith.index_cast %scan3A_146 : i32 to index
        %get3A_150 = arith.constant 0 : index
        %get3A_151 = tpu.vector_load %arg13[%get3A_149, %get3A_150] {strides = array<i32>} : memref<80x208xf32, #tpu.memory_space<vmem>>, vector<16xf32>,
        %get3A_152 = arith.index_cast %scan3A_146 : i32 to index
        %get3A_153 = arith.constant 0 : index
        %get3A_154 = tpu.vector_load %arg14[%get3A_152, %get3A_153] {strides = array<i32>} : memref<80x208xf32, #tpu.memory_space<vmem>>, vector<16xf32>,
        %add3A_155 = arith.addf %get3A_151, %get3A_154 : vector<16xf32>
        %ge3A_156 = arith.constant 0.000000e+00 : f32
        %ge3A_157 = vector.broadcast %ge3A_156 : f32 to vector<16xf32>
        %ge3A_158 = arith.cmpf oge, %add3A_155, %ge3A_157 : vector<16xf32>
        %mul3A_159 = arith.constant 0.00999999977 : f32
        %mul3A_160 = vector.broadcast %mul3A_159 : f32 to vector<16xf32>
        %mul3A_161 = arith.mulf %mul3A_160, %add3A_155 : vector<16xf32>
        %select_n3A_162 = arith.select %ge3A_158, %add3A_155, %mul3A_161 : vector<16xi1>, vector<16xf32>
        %get3A_163 = arith.constant 0 : index
        %get3A_164 = tpu.vector_load %arg16[%get3A_163] {strides = array<i32>} : memref<208xf32, #tpu.memory_space<vmem>>, vector<16xf32>,
        %mul3A_165 = arith.mulf %select_n3A_162, %get3A_164 : vector<16xf32>
        %add3A_166 = arith.addf %broadcast_in_dim3A_148, %mul3A_165 : vector<16xf32>
        %get3A_167 = arith.index_cast %scan3A_146 : i32 to index
        %get3A_168 = arith.constant 16 : index
        %get3A_169 = tpu.vector_load %arg13[%get3A_167, %get3A_168] {strides = array<i32>} : memref<80x208xf32, #tpu.memory_space<vmem>>, vector<16xf32>,
        %get3A_170 = arith.index_cast %scan3A_146 : i32 to index
        %get3A_171 = arith.constant 16 : index
        %get3A_172 = tpu.vector_load %arg14[%get3A_170, %get3A_171] {strides = array<i32>} : memref<80x208xf32, #tpu.memory_space<vmem>>, vector<16xf32>,
        %add3A_173 = arith.addf %get3A_169, %get3A_172 : vector<16xf32>
        %ge3A_174 = arith.constant 0.000000e+00 : f32
        %ge3A_175 = vector.broadcast %ge3A_174 : f32 to vector<16xf32>
        %ge3A_176 = arith.cmpf oge, %add3A_173, %ge3A_175 : vector<16xf32>
        %mul3A_177 = arith.constant 0.00999999977 : f32
        %mul3A_178 = vector.broadcast %mul3A_177 : f32 to vector<16xf32>
        %mul3A_179 = arith.mulf %mul3A_178, %add3A_173 : vector<16xf32>
        %select_n3A_180 = arith.select %ge3A_176, %add3A_173, %mul3A_179 : vector<16xi1>, vector<16xf32>
        %get3A_181 = arith.constant 16 : index
        %get3A_182 = tpu.vector_load %arg16[%get3A_181] {strides = array<i32>} : memref<208xf32, #tpu.memory_space<vmem>>, vector<16xf32>,
        %mul3A_183 = arith.mulf %select_n3A_180, %get3A_182 : vector<16xf32>
        %add3A_184 = arith.addf %add3A_166, %mul3A_183 : vector<16xf32>
        %get3A_185 = arith.index_cast %scan3A_146 : i32 to index
        %get3A_186 = arith.constant 32 : index
        %get3A_187 = tpu.vector_load %arg13[%get3A_185, %get3A_186] {strides = array<i32>} : memref<80x208xf32, #tpu.memory_space<vmem>>, vector<16xf32>,
        %get3A_188 = arith.index_cast %scan3A_146 : i32 to index
        %get3A_189 = arith.constant 32 : index
        %get3A_190 = tpu.vector_load %arg14[%get3A_188, %get3A_189] {strides = array<i32>} : memref<80x208xf32, #tpu.memory_space<vmem>>, vector<16xf32>,
        %add3A_191 = arith.addf %get3A_187, %get3A_190 : vector<16xf32>
        %ge3A_192 = arith.constant 0.000000e+00 : f32
        %ge3A_193 = vector.broadcast %ge3A_192 : f32 to vector<16xf32>
        %ge3A_194 = arith.cmpf oge, %add3A_191, %ge3A_193 : vector<16xf32>
        %mul3A_195 = arith.constant 0.00999999977 : f32
        %mul3A_196 = vector.broadcast %mul3A_195 : f32 to vector<16xf32>
        %mul3A_197 = arith.mulf %mul3A_196, %add3A_191 : vector<16xf32>
        %select_n3A_198 = arith.select %ge3A_194, %add3A_191, %mul3A_197 : vector<16xi1>, vector<16xf32>
        %get3A_199 = arith.constant 32 : index
        %get3A_200 = tpu.vector_load %arg16[%get3A_199] {strides = array<i32>} : memref<208xf32, #tpu.memory_space<vmem>>, vector<16xf32>,
        %mul3A_201 = arith.mulf %select_n3A_198, %get3A_200 : vector<16xf32>
        %add3A_202 = arith.addf %add3A_184, %mul3A_201 : vector<16xf32>
        %get3A_203 = arith.index_cast %scan3A_146 : i32 to index
        %get3A_204 = arith.constant 48 : index
        %get3A_205 = tpu.vector_load %arg13[%get3A_203, %get3A_204] {strides = array<i32>} : memref<80x208xf32, #tpu.memory_space<vmem>>, vector<16xf32>,
        %get3A_206 = arith.index_cast %scan3A_146 : i32 to index
        %get3A_207 = arith.constant 48 : index
        %get3A_208 = tpu.vector_load %arg14[%get3A_206, %get3A_207] {strides = array<i32>} : memref<80x208xf32, #tpu.memory_space<vmem>>, vector<16xf32>,
        %add3A_209 = arith.addf %get3A_205, %get3A_208 : vector<16xf32>
        %ge3A_210 = arith.constant 0.000000e+00 : f32
        %ge3A_211 = vector.broadcast %ge3A_210 : f32 to vector<16xf32>
        %ge3A_212 = arith.cmpf oge, %add3A_209, %ge3A_211 : vector<16xf32>
        %mul3A_213 = arith.constant 0.00999999977 : f32
        %mul3A_214 = vector.broadcast %mul3A_213 : f32 to vector<16xf32>
        %mul3A_215 = arith.mulf %mul3A_214, %add3A_209 : vector<16xf32>
        %select_n3A_216 = arith.select %ge3A_212, %add3A_209, %mul3A_215 : vector<16xi1>, vector<16xf32>
        %get3A_217 = arith.constant 48 : index
        %get3A_218 = tpu.vector_load %arg16[%get3A_217] {strides = array<i32>} : memref<208xf32, #tpu.memory_space<vmem>>, vector<16xf32>,
        %mul3A_219 = arith.mulf %select_n3A_216, %get3A_218 : vector<16xf32>
        %add3A_220 = arith.addf %add3A_202, %mul3A_219 : vector<16xf32>
        %get3A_221 = arith.index_cast %scan3A_146 : i32 to index
        %get3A_222 = arith.constant 64 : index
        %get3A_223 = tpu.vector_load %arg13[%get3A_221, %get3A_222] {strides = array<i32>} : memref<80x208xf32, #tpu.memory_space<vmem>>, vector<16xf32>,
        %get3A_224 = arith.index_cast %scan3A_146 : i32 to index
        %get3A_225 = arith.constant 64 : index
        %get3A_226 = tpu.vector_load %arg14[%get3A_224, %get3A_225] {strides = array<i32>} : memref<80x208xf32, #tpu.memory_space<vmem>>, vector<16xf32>,
        %add3A_227 = arith.addf %get3A_223, %get3A_226 : vector<16xf32>
        %ge3A_228 = arith.constant 0.000000e+00 : f32
        %ge3A_229 = vector.broadcast %ge3A_228 : f32 to vector<16xf32>
        %ge3A_230 = arith.cmpf oge, %add3A_227, %ge3A_229 : vector<16xf32>
        %mul3A_231 = arith.constant 0.00999999977 : f32
        %mul3A_232 = vector.broadcast %mul3A_231 : f32 to vector<16xf32>
        %mul3A_233 = arith.mulf %mul3A_232, %add3A_227 : vector<16xf32>
        %select_n3A_234 = arith.select %ge3A_230, %add3A_227, %mul3A_233 : vector<16xi1>, vector<16xf32>
        %get3A_235 = arith.constant 64 : index
        %get3A_236 = tpu.vector_load %arg16[%get3A_235] {strides = array<i32>} : memref<208xf32, #tpu.memory_space<vmem>>, vector<16xf32>,
        %mul3A_237 = arith.mulf %select_n3A_234, %get3A_236 : vector<16xf32>
        %add3A_238 = arith.addf %add3A_220, %mul3A_237 : vector<16xf32>
        %get3A_239 = arith.index_cast %scan3A_146 : i32 to index
        %get3A_240 = arith.constant 80 : index
        %get3A_241 = tpu.vector_load %arg13[%get3A_239, %get3A_240] {strides = array<i32>} : memref<80x208xf32, #tpu.memory_space<vmem>>, vector<16xf32>,
        %get3A_242 = arith.index_cast %scan3A_146 : i32 to index
        %get3A_243 = arith.constant 80 : index
        %get3A_244 = tpu.vector_load %arg14[%get3A_242, %get3A_243] {strides = array<i32>} : memref<80x208xf32, #tpu.memory_space<vmem>>, vector<16xf32>,
        %add3A_245 = arith.addf %get3A_241, %get3A_244 : vector<16xf32>
        %ge3A_246 = arith.constant 0.000000e+00 : f32
        %ge3A_247 = vector.broadcast %ge3A_246 : f32 to vector<16xf32>
        %ge3A_248 = arith.cmpf oge, %add3A_245, %ge3A_247 : vector<16xf32>
        %mul3A_249 = arith.constant 0.00999999977 : f32
        %mul3A_250 = vector.broadcast %mul3A_249 : f32 to vector<16xf32>
        %mul3A_251 = arith.mulf %mul3A_250, %add3A_245 : vector<16xf32>
        %select_n3A_252 = arith.select %ge3A_248, %add3A_245, %mul3A_251 : vector<16xi1>, vector<16xf32>
        %get3A_253 = arith.constant 80 : index
        %get3A_254 = tpu.vector_load %arg16[%get3A_253] {strides = array<i32>} : memref<208xf32, #tpu.memory_space<vmem>>, vector<16xf32>,
        %mul3A_255 = arith.mulf %select_n3A_252, %get3A_254 : vector<16xf32>
        %add3A_256 = arith.addf %add3A_238, %mul3A_255 : vector<16xf32>
        %get3A_257 = arith.index_cast %scan3A_146 : i32 to index
        %get3A_258 = arith.constant 96 : index
        %get3A_259 = tpu.vector_load %arg13[%get3A_257, %get3A_258] {strides = array<i32>} : memref<80x208xf32, #tpu.memory_space<vmem>>, vector<16xf32>,
        %get3A_260 = arith.index_cast %scan3A_146 : i32 to index
        %get3A_261 = arith.constant 96 : index
        %get3A_262 = tpu.vector_load %arg14[%get3A_260, %get3A_261] {strides = array<i32>} : memref<80x208xf32, #tpu.memory_space<vmem>>, vector<16xf32>,
        %add3A_263 = arith.addf %get3A_259, %get3A_262 : vector<16xf32>
        %ge3A_264 = arith.constant 0.000000e+00 : f32
        %ge3A_265 = vector.broadcast %ge3A_264 : f32 to vector<16xf32>
        %ge3A_266 = arith.cmpf oge, %add3A_263, %ge3A_265 : vector<16xf32>
        %mul3A_267 = arith.constant 0.00999999977 : f32
        %mul3A_268 = vector.broadcast %mul3A_267 : f32 to vector<16xf32>
        %mul3A_269 = arith.mulf %mul3A_268, %add3A_263 : vector<16xf32>
        %select_n3A_270 = arith.select %ge3A_266, %add3A_263, %mul3A_269 : vector<16xi1>, vector<16xf32>
        %get3A_271 = arith.constant 96 : index
        %get3A_272 = tpu.vector_load %arg16[%get3A_271] {strides = array<i32>} : memref<208xf32, #tpu.memory_space<vmem>>, vector<16xf32>,
        %mul3A_273 = arith.mulf %select_n3A_270, %get3A_272 : vector<16xf32>
        %add3A_274 = arith.addf %add3A_256, %mul3A_273 : vector<16xf32>
        %get3A_275 = arith.index_cast %scan3A_146 : i32 to index
        %get3A_276 = arith.constant 112 : index
        %get3A_277 = tpu.vector_load %arg13[%get3A_275, %get3A_276] {strides = array<i32>} : memref<80x208xf32, #tpu.memory_space<vmem>>, vector<16xf32>,
        %get3A_278 = arith.index_cast %scan3A_146 : i32 to index
        %get3A_279 = arith.constant 112 : index
        %get3A_280 = tpu.vector_load %arg14[%get3A_278, %get3A_279] {strides = array<i32>} : memref<80x208xf32, #tpu.memory_space<vmem>>, vector<16xf32>,
        %add3A_281 = arith.addf %get3A_277, %get3A_280 : vector<16xf32>
        %ge3A_282 = arith.constant 0.000000e+00 : f32
        %ge3A_283 = vector.broadcast %ge3A_282 : f32 to vector<16xf32>
        %ge3A_284 = arith.cmpf oge, %add3A_281, %ge3A_283 : vector<16xf32>
        %mul3A_285 = arith.constant 0.00999999977 : f32
        %mul3A_286 = vector.broadcast %mul3A_285 : f32 to vector<16xf32>
        %mul3A_287 = arith.mulf %mul3A_286, %add3A_281 : vector<16xf32>
        %select_n3A_288 = arith.select %ge3A_284, %add3A_281, %mul3A_287 : vector<16xi1>, vector<16xf32>
        %get3A_289 = arith.constant 112 : index
        %get3A_290 = tpu.vector_load %arg16[%get3A_289] {strides = array<i32>} : memref<208xf32, #tpu.memory_space<vmem>>, vector<16xf32>,
        %mul3A_291 = arith.mulf %select_n3A_288, %get3A_290 : vector<16xf32>
        %add3A_292 = arith.addf %add3A_274, %mul3A_291 : vector<16xf32>
        %get3A_293 = arith.index_cast %scan3A_146 : i32 to index
        %get3A_294 = arith.constant 128 : index
        %get3A_295 = tpu.vector_load %arg13[%get3A_293, %get3A_294] {strides = array<i32>} : memref<80x208xf32, #tpu.memory_space<vmem>>, vector<16xf32>,
        %get3A_296 = arith.index_cast %scan3A_146 : i32 to index
        %get3A_297 = arith.constant 128 : index
        %get3A_298 = tpu.vector_load %arg14[%get3A_296, %get3A_297] {strides = array<i32>} : memref<80x208xf32, #tpu.memory_space<vmem>>, vector<16xf32>,
        %add3A_299 = arith.addf %get3A_295, %get3A_298 : vector<16xf32>
        %ge3A_300 = arith.constant 0.000000e+00 : f32
        %ge3A_301 = vector.broadcast %ge3A_300 : f32 to vector<16xf32>
        %ge3A_302 = arith.cmpf oge, %add3A_299, %ge3A_301 : vector<16xf32>
        %mul3A_303 = arith.constant 0.00999999977 : f32
        %mul3A_304 = vector.broadcast %mul3A_303 : f32 to vector<16xf32>
        %mul3A_305 = arith.mulf %mul3A_304, %add3A_299 : vector<16xf32>
        %select_n3A_306 = arith.select %ge3A_302, %add3A_299, %mul3A_305 : vector<16xi1>, vector<16xf32>
        %get3A_307 = arith.constant 128 : index
        %get3A_308 = tpu.vector_load %arg16[%get3A_307] {strides = array<i32>} : memref<208xf32, #tpu.memory_space<vmem>>, vector<16xf32>,
        %mul3A_309 = arith.mulf %select_n3A_306, %get3A_308 : vector<16xf32>
        %add3A_310 = arith.addf %add3A_292, %mul3A_309 : vector<16xf32>
        %get3A_311 = arith.index_cast %scan3A_146 : i32 to index
        %get3A_312 = arith.constant 144 : index
        %get3A_313 = tpu.vector_load %arg13[%get3A_311, %get3A_312] {strides = array<i32>} : memref<80x208xf32, #tpu.memory_space<vmem>>, vector<16xf32>,
        %get3A_314 = arith.index_cast %scan3A_146 : i32 to index
        %get3A_315 = arith.constant 144 : index
        %get3A_316 = tpu.vector_load %arg14[%get3A_314, %get3A_315] {strides = array<i32>} : memref<80x208xf32, #tpu.memory_space<vmem>>, vector<16xf32>,
        %add3A_317 = arith.addf %get3A_313, %get3A_316 : vector<16xf32>
        %ge3A_318 = arith.constant 0.000000e+00 : f32
        %ge3A_319 = vector.broadcast %ge3A_318 : f32 to vector<16xf32>
        %ge3A_320 = arith.cmpf oge, %add3A_317, %ge3A_319 : vector<16xf32>
        %mul3A_321 = arith.constant 0.00999999977 : f32
        %mul3A_322 = vector.broadcast %mul3A_321 : f32 to vector<16xf32>
        %mul3A_323 = arith.mulf %mul3A_322, %add3A_317 : vector<16xf32>
        %select_n3A_324 = arith.select %ge3A_320, %add3A_317, %mul3A_323 : vector<16xi1>, vector<16xf32>
        %get3A_325 = arith.constant 144 : index
        %get3A_326 = tpu.vector_load %arg16[%get3A_325] {strides = array<i32>} : memref<208xf32, #tpu.memory_space<vmem>>, vector<16xf32>,
        %mul3A_327 = arith.mulf %select_n3A_324, %get3A_326 : vector<16xf32>
        %add3A_328 = arith.addf %add3A_310, %mul3A_327 : vector<16xf32>
        %get3A_329 = arith.index_cast %scan3A_146 : i32 to index
        %get3A_330 = arith.constant 160 : index
        %get3A_331 = tpu.vector_load %arg13[%get3A_329, %get3A_330] {strides = array<i32>} : memref<80x208xf32, #tpu.memory_space<vmem>>, vector<16xf32>,
        %get3A_332 = arith.index_cast %scan3A_146 : i32 to index
        %get3A_333 = arith.constant 160 : index
        %get3A_334 = tpu.vector_load %arg14[%get3A_332, %get3A_333] {strides = array<i32>} : memref<80x208xf32, #tpu.memory_space<vmem>>, vector<16xf32>,
        %add3A_335 = arith.addf %get3A_331, %get3A_334 : vector<16xf32>
        %ge3A_336 = arith.constant 0.000000e+00 : f32
        %ge3A_337 = vector.broadcast %ge3A_336 : f32 to vector<16xf32>
        %ge3A_338 = arith.cmpf oge, %add3A_335, %ge3A_337 : vector<16xf32>
        %mul3A_339 = arith.constant 0.00999999977 : f32
        %mul3A_340 = vector.broadcast %mul3A_339 : f32 to vector<16xf32>
        %mul3A_341 = arith.mulf %mul3A_340, %add3A_335 : vector<16xf32>
        %select_n3A_342 = arith.select %ge3A_338, %add3A_335, %mul3A_341 : vector<16xi1>, vector<16xf32>
        %get3A_343 = arith.constant 160 : index
        %get3A_344 = tpu.vector_load %arg16[%get3A_343] {strides = array<i32>} : memref<208xf32, #tpu.memory_space<vmem>>, vector<16xf32>,
        %mul3A_345 = arith.mulf %select_n3A_342, %get3A_344 : vector<16xf32>
        %add3A_346 = arith.addf %add3A_328, %mul3A_345 : vector<16xf32>
        %get3A_347 = arith.index_cast %scan3A_146 : i32 to index
        %get3A_348 = arith.constant 176 : index
        %get3A_349 = tpu.vector_load %arg13[%get3A_347, %get3A_348] {strides = array<i32>} : memref<80x208xf32, #tpu.memory_space<vmem>>, vector<16xf32>,
        %get3A_350 = arith.index_cast %scan3A_146 : i32 to index
        %get3A_351 = arith.constant 176 : index
        %get3A_352 = tpu.vector_load %arg14[%get3A_350, %get3A_351] {strides = array<i32>} : memref<80x208xf32, #tpu.memory_space<vmem>>, vector<16xf32>,
        %add3A_353 = arith.addf %get3A_349, %get3A_352 : vector<16xf32>
        %ge3A_354 = arith.constant 0.000000e+00 : f32
        %ge3A_355 = vector.broadcast %ge3A_354 : f32 to vector<16xf32>
        %ge3A_356 = arith.cmpf oge, %add3A_353, %ge3A_355 : vector<16xf32>
        %mul3A_357 = arith.constant 0.00999999977 : f32
        %mul3A_358 = vector.broadcast %mul3A_357 : f32 to vector<16xf32>
        %mul3A_359 = arith.mulf %mul3A_358, %add3A_353 : vector<16xf32>
        %select_n3A_360 = arith.select %ge3A_356, %add3A_353, %mul3A_359 : vector<16xi1>, vector<16xf32>
        %get3A_361 = arith.constant 176 : index
        %get3A_362 = tpu.vector_load %arg16[%get3A_361] {strides = array<i32>} : memref<208xf32, #tpu.memory_space<vmem>>, vector<16xf32>,
        %mul3A_363 = arith.mulf %select_n3A_360, %get3A_362 : vector<16xf32>
        %add3A_364 = arith.addf %add3A_346, %mul3A_363 : vector<16xf32>
        %get3A_365 = arith.index_cast %scan3A_146 : i32 to index
        %get3A_366 = arith.constant 192 : index
        %get3A_367 = tpu.vector_load %arg13[%get3A_365, %get3A_366] {strides = array<i32>} : memref<80x208xf32, #tpu.memory_space<vmem>>, vector<16xf32>,
        %get3A_368 = arith.index_cast %scan3A_146 : i32 to index
        %get3A_369 = arith.constant 192 : index
        %get3A_370 = tpu.vector_load %arg14[%get3A_368, %get3A_369] {strides = array<i32>} : memref<80x208xf32, #tpu.memory_space<vmem>>, vector<16xf32>,
        %add3A_371 = arith.addf %get3A_367, %get3A_370 : vector<16xf32>
        %ge3A_372 = arith.constant 0.000000e+00 : f32
        %ge3A_373 = vector.broadcast %ge3A_372 : f32 to vector<16xf32>
        %ge3A_374 = arith.cmpf oge, %add3A_371, %ge3A_373 : vector<16xf32>
        %mul3A_375 = arith.constant 0.00999999977 : f32
        %mul3A_376 = vector.broadcast %mul3A_375 : f32 to vector<16xf32>
        %mul3A_377 = arith.mulf %mul3A_376, %add3A_371 : vector<16xf32>
        %select_n3A_378 = arith.select %ge3A_374, %add3A_371, %mul3A_377 : vector<16xi1>, vector<16xf32>
        %get3A_379 = arith.constant 192 : index
        %get3A_380 = tpu.vector_load %arg16[%get3A_379] {strides = array<i32>} : memref<208xf32, #tpu.memory_space<vmem>>, vector<16xf32>,
        %mul3A_381 = arith.mulf %select_n3A_378, %get3A_380 : vector<16xf32>
        %add3A_382 = arith.addf %add3A_364, %mul3A_381 : vector<16xf32>
        %reduce_sum3A = arith.constant true
        %reduce_sum3A_383 = vector.broadcast %reduce_sum3A : i1 to vector<16xi1>
        %reduce_sum3A_384 = tpu.scan <sum>, %add3A_382 masked %reduce_sum3A_383 : vector<16xf32>, vector<16xi1> -> vector<16xf32>
        %reduce_sum3A_385 = vector.extract %reduce_sum3A_384[15] : f32 from vector<16xf32>
        %get3A_386 = arith.index_cast %scan3A_146 : i32 to index
        %get3A_387 = tpu.vector_load %arg17[%get3A_386] {strides = array<i32>} : memref<96xf32, #tpu.memory_space<vmem>>, vector<16xf32>,
        %slice3A = vector.extract_strided_slice %get3A_387 {offsets = [0], sizes = [1], strides = [1]} : vector<16xf32> to vector<1xf32>
        %squeeze3A = vector.extract %slice3A[0] : f32 from vector<1xf32>
        %add3A_388 = arith.addf %reduce_sum3A_385, %squeeze3A : f32
        %ge3A_389 = arith.constant 0.000000e+00 : f32
        %ge3A_390 = arith.cmpf oge, %add3A_388, %ge3A_389 : f32
        %mul3A_391 = arith.constant 0.00999999977 : f32
        %mul3A_392 = arith.mulf %mul3A_391, %add3A_388 : f32
        %select_n3A_393 = arith.select %ge3A_390, %add3A_388, %mul3A_392 : f32
        %broadcast_in_dim3A_394 = vector.broadcast %select_n3A_393 : f32 to vector<16xf32>
        %exp3A = math.exp %broadcast_in_dim3A_394 : vector<16xf32>
        %mul3A_395 = arith.mulf %select_n3A_162, %exp3A : vector<16xf32>
        %swap3A_396 = arith.index_cast %scan3A_146 : i32 to index
        %swap3A_397 = arith.constant 0 : index
        %swap3A_398 = tpu.vector_load %arg13[%swap3A_396, %swap3A_397] {strides = array<i32>} : memref<80x208xf32, #tpu.memory_space<vmem>>, vector<16xf32>,
        tpu.vector_store %arg13[%swap3A_396, %swap3A_397], %mul3A_395 {strides = array<i32>} : memref<80x208xf32, #tpu.memory_space<vmem>>, vector<16xf32>,
        %mul3A_399 = arith.mulf %select_n3A_180, %exp3A : vector<16xf32>
        %swap3A_400 = arith.index_cast %scan3A_146 : i32 to index
        %swap3A_401 = arith.constant 16 : index
        %swap3A_402 = tpu.vector_load %arg13[%swap3A_400, %swap3A_401] {strides = array<i32>} : memref<80x208xf32, #tpu.memory_space<vmem>>, vector<16xf32>,
        tpu.vector_store %arg13[%swap3A_400, %swap3A_401], %mul3A_399 {strides = array<i32>} : memref<80x208xf32, #tpu.memory_space<vmem>>, vector<16xf32>,
        %mul3A_403 = arith.mulf %select_n3A_198, %exp3A : vector<16xf32>
        %swap3A_404 = arith.index_cast %scan3A_146 : i32 to index
        %swap3A_405 = arith.constant 32 : index
        %swap3A_406 = tpu.vector_load %arg13[%swap3A_404, %swap3A_405] {strides = array<i32>} : memref<80x208xf32, #tpu.memory_space<vmem>>, vector<16xf32>,
        tpu.vector_store %arg13[%swap3A_404, %swap3A_405], %mul3A_403 {strides = array<i32>} : memref<80x208xf32, #tpu.memory_space<vmem>>, vector<16xf32>,
        %mul3A_407 = arith.mulf %select_n3A_216, %exp3A : vector<16xf32>
        %swap3A_408 = arith.index_cast %scan3A_146 : i32 to index
        %swap3A_409 = arith.constant 48 : index
        %swap3A_410 = tpu.vector_load %arg13[%swap3A_408, %swap3A_409] {strides = array<i32>} : memref<80x208xf32, #tpu.memory_space<vmem>>, vector<16xf32>,
        tpu.vector_store %arg13[%swap3A_408, %swap3A_409], %mul3A_407 {strides = array<i32>} : memref<80x208xf32, #tpu.memory_space<vmem>>, vector<16xf32>,
        %mul3A_411 = arith.mulf %select_n3A_234, %exp3A : vector<16xf32>
        %swap3A_412 = arith.index_cast %scan3A_146 : i32 to index
        %swap3A_413 = arith.constant 64 : index
        %swap3A_414 = tpu.vector_load %arg13[%swap3A_412, %swap3A_413] {strides = array<i32>} : memref<80x208xf32, #tpu.memory_space<vmem>>, vector<16xf32>,
        tpu.vector_store %arg13[%swap3A_412, %swap3A_413], %mul3A_411 {strides = array<i32>} : memref<80x208xf32, #tpu.memory_space<vmem>>, vector<16xf32>,
        %mul3A_415 = arith.mulf %select_n3A_252, %exp3A : vector<16xf32>
        %swap3A_416 = arith.index_cast %scan3A_146 : i32 to index
        %swap3A_417 = arith.constant 80 : index
        %swap3A_418 = tpu.vector_load %arg13[%swap3A_416, %swap3A_417] {strides = array<i32>} : memref<80x208xf32, #tpu.memory_space<vmem>>, vector<16xf32>,
        tpu.vector_store %arg13[%swap3A_416, %swap3A_417], %mul3A_415 {strides = array<i32>} : memref<80x208xf32, #tpu.memory_space<vmem>>, vector<16xf32>,
        %mul3A_419 = arith.mulf %select_n3A_270, %exp3A : vector<16xf32>
        %swap3A_420 = arith.index_cast %scan3A_146 : i32 to index
        %swap3A_421 = arith.constant 96 : index
        %swap3A_422 = tpu.vector_load %arg13[%swap3A_420, %swap3A_421] {strides = array<i32>} : memref<80x208xf32, #tpu.memory_space<vmem>>, vector<16xf32>,
        tpu.vector_store %arg13[%swap3A_420, %swap3A_421], %mul3A_419 {strides = array<i32>} : memref<80x208xf32, #tpu.memory_space<vmem>>, vector<16xf32>,
        %mul3A_423 = arith.mulf %select_n3A_288, %exp3A : vector<16xf32>
        %swap3A_424 = arith.index_cast %scan3A_146 : i32 to index
        %swap3A_425 = arith.constant 112 : index
        %swap3A_426 = tpu.vector_load %arg13[%swap3A_424, %swap3A_425] {strides = array<i32>} : memref<80x208xf32, #tpu.memory_space<vmem>>, vector<16xf32>,
        tpu.vector_store %arg13[%swap3A_424, %swap3A_425], %mul3A_423 {strides = array<i32>} : memref<80x208xf32, #tpu.memory_space<vmem>>, vector<16xf32>,
        %mul3A_427 = arith.mulf %select_n3A_306, %exp3A : vector<16xf32>
        %swap3A_428 = arith.index_cast %scan3A_146 : i32 to index
        %swap3A_429 = arith.constant 128 : index
        %swap3A_430 = tpu.vector_load %arg13[%swap3A_428, %swap3A_429] {strides = array<i32>} : memref<80x208xf32, #tpu.memory_space<vmem>>, vector<16xf32>,
        tpu.vector_store %arg13[%swap3A_428, %swap3A_429], %mul3A_427 {strides = array<i32>} : memref<80x208xf32, #tpu.memory_space<vmem>>, vector<16xf32>,
        %mul3A_431 = arith.mulf %select_n3A_324, %exp3A : vector<16xf32>
        %swap3A_432 = arith.index_cast %scan3A_146 : i32 to index
        %swap3A_433 = arith.constant 144 : index
        %swap3A_434 = tpu.vector_load %arg13[%swap3A_432, %swap3A_433] {strides = array<i32>} : memref<80x208xf32, #tpu.memory_space<vmem>>, vector<16xf32>,
        tpu.vector_store %arg13[%swap3A_432, %swap3A_433], %mul3A_431 {strides = array<i32>} : memref<80x208xf32, #tpu.memory_space<vmem>>, vector<16xf32>,
        %mul3A_435 = arith.mulf %select_n3A_342, %exp3A : vector<16xf32>
        %swap3A_436 = arith.index_cast %scan3A_146 : i32 to index
        %swap3A_437 = arith.constant 160 : index
        %swap3A_438 = tpu.vector_load %arg13[%swap3A_436, %swap3A_437] {strides = array<i32>} : memref<80x208xf32, #tpu.memory_space<vmem>>, vector<16xf32>,
        tpu.vector_store %arg13[%swap3A_436, %swap3A_437], %mul3A_435 {strides = array<i32>} : memref<80x208xf32, #tpu.memory_space<vmem>>, vector<16xf32>,
        %mul3A_439 = arith.mulf %select_n3A_360, %exp3A : vector<16xf32>
        %swap3A_440 = arith.index_cast %scan3A_146 : i32 to index
        %swap3A_441 = arith.constant 176 : index
        %swap3A_442 = tpu.vector_load %arg13[%swap3A_440, %swap3A_441] {strides = array<i32>} : memref<80x208xf32, #tpu.memory_space<vmem>>, vector<16xf32>,
        tpu.vector_store %arg13[%swap3A_440, %swap3A_441], %mul3A_439 {strides = array<i32>} : memref<80x208xf32, #tpu.memory_space<vmem>>, vector<16xf32>,
        %iota3A = tpu.iota {dimensions = array<i32: 0>} : vector<16xi32>
        %eq3A_443 = arith.constant 8 : i32
        %eq3A_444 = vector.broadcast %eq3A_443 : i32 to vector<16xi32>
        %eq3A_445 = arith.cmpi eq, %iota3A, %eq3A_444 : vector<16xi32>
        %mul3A_446 = arith.mulf %select_n3A_378, %exp3A : vector<16xf32>
        %select_n3A_447 = arith.select %eq3A_445, %exp3A, %mul3A_446 : vector<16xi1>, vector<16xf32>
        %swap3A_448 = arith.index_cast %scan3A_146 : i32 to index
        %swap3A_449 = arith.constant 192 : index
        %swap3A_450 = tpu.vector_load %arg13[%swap3A_448, %swap3A_449] {strides = array<i32>} : memref<80x208xf32, #tpu.memory_space<vmem>>, vector<16xf32>,
        tpu.vector_store %arg13[%swap3A_448, %swap3A_449], %select_n3A_447 {strides = array<i32>} : memref<80x208xf32, #tpu.memory_space<vmem>>, vector<16xf32>,
      }
      %scan3A_145 = arith.constant 80 : i32
      "tpu.region"() ({
        %run_scoped3A = tpu.sem_alloc : memref<!tpu.dma_semaphore, #tpu.memory_space<semaphore_mem>>
        %dma_start3A_146 = arith.constant 0 : i32
        %dma_start3A_147 = arith.constant 0 : i32
        %dma_start3A_148 = tpu.memref_slice %arg18[%dma_start3A_146, %dma_start3A_147] : memref<5008x208xf32, #tpu.memory_space<vmem_shared>> -> memref<5008x208xf32, #tpu.memory_space<vmem_shared>>
        tpu.enqueue_indirect_dma source(%arg13 : memref<80x208xf32, #tpu.memory_space<vmem>>) target(%dma_start3A_148 : memref<5008x208xf32, #tpu.memory_space<vmem_shared>>) offsets(%arg12 : memref<80xi32, #tpu.memory_space<vmem>>) semaphore(%run_scoped3A : memref<!tpu.dma_semaphore, #tpu.memory_space<semaphore_mem>>) {add = true}
        %dma_wait3A_149 = arith.constant 0 : i32
        %dma_wait3A_150 = arith.constant 0 : i32
        %dma_wait3A_151 = tpu.memref_slice %arg18[%dma_wait3A_149, %dma_wait3A_150] : memref<5008x208xf32, #tpu.memory_space<vmem_shared>> -> memref<5008x208xf32, #tpu.memory_space<vmem_shared>>
        tpu.wait_indirect_dma semaphore(%run_scoped3A : memref<!tpu.dma_semaphore, #tpu.memory_space<semaphore_mem>>) src(%arg13 : memref<80x208xf32, #tpu.memory_space<vmem>>) dst(%dma_wait3A_151 : memref<5008x208xf32, #tpu.memory_space<vmem_shared>>)
        tpu.yield
      }) : () -> ()
    }
    %scan3A_16 = arith.constant 250 : i32
    %barrier3A_17 = arith.constant 0 : index
    tpu.barrier barrier_id(%barrier3A_17)
    %mul3A_18 = arith.constant 312 : i32
    %mul3A_19 = arith.muli %arg1, %mul3A_18 : i32
    %add3A_20 = arith.constant 0 : i32
    %add3A_21 = arith.addi %mul3A_19, %add3A_20 : i32
    "tpu.region"() ({
      %run_scoped3A = tpu.sem_alloc : memref<!tpu.dma_semaphore, #tpu.memory_space<semaphore_mem>>
      %dma_start3A = arith.constant 0 : i32
      %dma_start3A_35 = tpu.memref_slice %arg9[%arg0, %add3A_21, %dma_start3A] : memref<2x5000x208xf32, #tpu.memory_space<hbm>> -> memref<1x104x208xf32, #tpu.memory_space<hbm>>
      %dma_start3A_36 = tpu.memref_squeeze %dma_start3A_35 : memref<1x104x208xf32, #tpu.memory_space<hbm>> -> memref<104x208xf32, #tpu.memory_space<hbm>>
      %dma_start3A_37 = arith.constant 0 : i32
      %dma_start3A_38 = tpu.memref_slice %arg18[%add3A_21, %dma_start3A_37] : memref<5008x208xf32, #tpu.memory_space<vmem_shared>> -> memref<104x208xf32, #tpu.memory_space<vmem_shared>>
      tpu.enqueue_dma source(%dma_start3A_38 : memref<104x208xf32, #tpu.memory_space<vmem_shared>>) target(%dma_start3A_36 : memref<104x208xf32, #tpu.memory_space<hbm>>) target_semaphore(%run_scoped3A : memref<!tpu.dma_semaphore, #tpu.memory_space<semaphore_mem>>)
      %dma_wait3A = arith.constant 0 : i32
      %dma_wait3A_39 = tpu.memref_slice %arg9[%arg0, %add3A_21, %dma_wait3A] : memref<2x5000x208xf32, #tpu.memory_space<hbm>> -> memref<1x104x208xf32, #tpu.memory_space<hbm>>
      %dma_wait3A_40 = tpu.memref_squeeze %dma_wait3A_39 : memref<1x104x208xf32, #tpu.memory_space<hbm>> -> memref<104x208xf32, #tpu.memory_space<hbm>>
      %dma_wait3A_41 = arith.constant 0 : i32
      %dma_wait3A_42 = tpu.memref_slice %arg18[%add3A_21, %dma_wait3A_41] : memref<5008x208xf32, #tpu.memory_space<vmem_shared>> -> memref<104x208xf32, #tpu.memory_space<vmem_shared>>
      tpu.wait_dma2 semaphore(%run_scoped3A : memref<!tpu.dma_semaphore, #tpu.memory_space<semaphore_mem>>) src(%dma_wait3A_42 : memref<104x208xf32, #tpu.memory_space<vmem_shared>>) dst(%dma_wait3A_40 : memref<104x208xf32, #tpu.memory_space<hbm>>)
      tpu.yield
    }) : () -> ()
    %mul3A_22 = arith.constant 312 : i32
    %mul3A_23 = arith.muli %arg1, %mul3A_22 : i32
    %add3A_24 = arith.constant 104 : i32
    %add3A_25 = arith.addi %mul3A_23, %add3A_24 : i32
    "tpu.region"() ({
      %run_scoped3A = tpu.sem_alloc : memref<!tpu.dma_semaphore, #tpu.memory_space<semaphore_mem>>
      %dma_start3A = arith.constant 0 : i32
      %dma_start3A_35 = tpu.memref_slice %arg9[%arg0, %add3A_25, %dma_start3A] : memref<2x5000x208xf32, #tpu.memory_space<hbm>> -> memref<1x104x208xf32, #tpu.memory_space<hbm>>
      %dma_start3A_36 = tpu.memref_squeeze %dma_start3A_35 : memref<1x104x208xf32, #tpu.memory_space<hbm>> -> memref<104x208xf32, #tpu.memory_space<hbm>>
      %dma_start3A_37 = arith.constant 0 : i32
      %dma_start3A_38 = tpu.memref_slice %arg18[%add3A_25, %dma_start3A_37] : memref<5008x208xf32, #tpu.memory_space<vmem_shared>> -> memref<104x208xf32, #tpu.memory_space<vmem_shared>>
      tpu.enqueue_dma source(%dma_start3A_38 : memref<104x208xf32, #tpu.memory_space<vmem_shared>>) target(%dma_start3A_36 : memref<104x208xf32, #tpu.memory_space<hbm>>) target_semaphore(%run_scoped3A : memref<!tpu.dma_semaphore, #tpu.memory_space<semaphore_mem>>)
      %dma_wait3A = arith.constant 0 : i32
      %dma_wait3A_39 = tpu.memref_slice %arg9[%arg0, %add3A_25, %dma_wait3A] : memref<2x5000x208xf32, #tpu.memory_space<hbm>> -> memref<1x104x208xf32, #tpu.memory_space<hbm>>
      %dma_wait3A_40 = tpu.memref_squeeze %dma_wait3A_39 : memref<1x104x208xf32, #tpu.memory_space<hbm>> -> memref<104x208xf32, #tpu.memory_space<hbm>>
      %dma_wait3A_41 = arith.constant 0 : i32
      %dma_wait3A_42 = tpu.memref_slice %arg18[%add3A_25, %dma_wait3A_41] : memref<5008x208xf32, #tpu.memory_space<vmem_shared>> -> memref<104x208xf32, #tpu.memory_space<vmem_shared>>
      tpu.wait_dma2 semaphore(%run_scoped3A : memref<!tpu.dma_semaphore, #tpu.memory_space<semaphore_mem>>) src(%dma_wait3A_42 : memref<104x208xf32, #tpu.memory_space<vmem_shared>>) dst(%dma_wait3A_40 : memref<104x208xf32, #tpu.memory_space<hbm>>)
      tpu.yield
    }) : () -> ()
    %mul3A_26 = arith.constant 312 : i32
    %mul3A_27 = arith.muli %arg1, %mul3A_26 : i32
    %add3A_28 = arith.constant 208 : i32
    %add3A_29 = arith.addi %mul3A_27, %add3A_28 : i32
    "tpu.region"() ({
      %run_scoped3A = tpu.sem_alloc : memref<!tpu.dma_semaphore, #tpu.memory_space<semaphore_mem>>
      %dma_start3A = arith.constant 0 : i32
      %dma_start3A_35 = tpu.memref_slice %arg9[%arg0, %add3A_29, %dma_start3A] : memref<2x5000x208xf32, #tpu.memory_space<hbm>> -> memref<1x104x208xf32, #tpu.memory_space<hbm>>
      %dma_start3A_36 = tpu.memref_squeeze %dma_start3A_35 : memref<1x104x208xf32, #tpu.memory_space<hbm>> -> memref<104x208xf32, #tpu.memory_space<hbm>>
      %dma_start3A_37 = arith.constant 0 : i32
      %dma_start3A_38 = tpu.memref_slice %arg18[%add3A_29, %dma_start3A_37] : memref<5008x208xf32, #tpu.memory_space<vmem_shared>> -> memref<104x208xf32, #tpu.memory_space<vmem_shared>>
      tpu.enqueue_dma source(%dma_start3A_38 : memref<104x208xf32, #tpu.memory_space<vmem_shared>>) target(%dma_start3A_36 : memref<104x208xf32, #tpu.memory_space<hbm>>) target_semaphore(%run_scoped3A : memref<!tpu.dma_semaphore, #tpu.memory_space<semaphore_mem>>)
      %dma_wait3A = arith.constant 0 : i32
      %dma_wait3A_39 = tpu.memref_slice %arg9[%arg0, %add3A_29, %dma_wait3A] : memref<2x5000x208xf32, #tpu.memory_space<hbm>> -> memref<1x104x208xf32, #tpu.memory_space<hbm>>
      %dma_wait3A_40 = tpu.memref_squeeze %dma_wait3A_39 : memref<1x104x208xf32, #tpu.memory_space<hbm>> -> memref<104x208xf32, #tpu.memory_space<hbm>>
      %dma_wait3A_41 = arith.constant 0 : i32
      %dma_wait3A_42 = tpu.memref_slice %arg18[%add3A_29, %dma_wait3A_41] : memref<5008x208xf32, #tpu.memory_space<vmem_shared>> -> memref<104x208xf32, #tpu.memory_space<vmem_shared>>
      tpu.wait_dma2 semaphore(%run_scoped3A : memref<!tpu.dma_semaphore, #tpu.memory_space<semaphore_mem>>) src(%dma_wait3A_42 : memref<104x208xf32, #tpu.memory_space<vmem_shared>>) dst(%dma_wait3A_40 : memref<104x208xf32, #tpu.memory_space<hbm>>)
      tpu.yield
    }) : () -> ()
    %eq3A_30 = arith.constant 15 : i32
    %eq3A_31 = arith.cmpi eq, %arg1, %eq3A_30 : i32
    %convert_element_type3A_32 = arith.extui %eq3A_31 : i1 to i32
    %cond3A_33 = arith.constant 0 : i32
    %cond3A_34 = arith.cmpi ne, %convert_element_type3A_32, %cond3A_33 : i32
    scf.if %cond3A_34 {
      "tpu.region"() ({
        %run_scoped3A = tpu.sem_alloc : memref<!tpu.dma_semaphore, #tpu.memory_space<semaphore_mem>>
        %dma_start3A = arith.constant 4992 : i32
        %dma_start3A_35 = arith.constant 0 : i32
        %dma_start3A_36 = tpu.memref_slice %arg9[%arg0, %dma_start3A, %dma_start3A_35] : memref<2x5000x208xf32, #tpu.memory_space<hbm>> -> memref<1x8x208xf32, #tpu.memory_space<hbm>>
        %dma_start3A_37 = tpu.memref_squeeze %dma_start3A_36 : memref<1x8x208xf32, #tpu.memory_space<hbm>> -> memref<8x208xf32, #tpu.memory_space<hbm>>
        %dma_start3A_38 = arith.constant 4992 : i32
        %dma_start3A_39 = arith.constant 0 : i32
        %dma_start3A_40 = tpu.memref_slice %arg18[%dma_start3A_38, %dma_start3A_39] : memref<5008x208xf32, #tpu.memory_space<vmem_shared>> -> memref<8x208xf32, #tpu.memory_space<vmem_shared>>
        tpu.enqueue_dma source(%dma_start3A_40 : memref<8x208xf32, #tpu.memory_space<vmem_shared>>) target(%dma_start3A_37 : memref<8x208xf32, #tpu.memory_space<hbm>>) target_semaphore(%run_scoped3A : memref<!tpu.dma_semaphore, #tpu.memory_space<semaphore_mem>>)
        %dma_wait3A = arith.constant 4992 : i32
        %dma_wait3A_41 = arith.constant 0 : i32
        %dma_wait3A_42 = tpu.memref_slice %arg9[%arg0, %dma_wait3A, %dma_wait3A_41] : memref<2x5000x208xf32, #tpu.memory_space<hbm>> -> memref<1x8x208xf32, #tpu.memory_space<hbm>>
        %dma_wait3A_43 = tpu.memref_squeeze %dma_wait3A_42 : memref<1x8x208xf32, #tpu.memory_space<hbm>> -> memref<8x208xf32, #tpu.memory_space<hbm>>
        %dma_wait3A_44 = arith.constant 4992 : i32
        %dma_wait3A_45 = arith.constant 0 : i32
        %dma_wait3A_46 = tpu.memref_slice %arg18[%dma_wait3A_44, %dma_wait3A_45] : memref<5008x208xf32, #tpu.memory_space<vmem_shared>> -> memref<8x208xf32, #tpu.memory_space<vmem_shared>>
        tpu.wait_dma2 semaphore(%run_scoped3A : memref<!tpu.dma_semaphore, #tpu.memory_space<semaphore_mem>>) src(%dma_wait3A_46 : memref<8x208xf32, #tpu.memory_space<vmem_shared>>) dst(%dma_wait3A_43 : memref<8x208xf32, #tpu.memory_space<hbm>>)
        tpu.yield
      }) : () -> ()
    } else {
    }
    return
  }
}

#map = affine_map<(d0, d1) -> (0, 0)>
#map1 = affine_map<(d0, d1) -> (0)>
#map2 = affine_map<(d0, d1) -> (0, 0, 0)>
module attributes {stable_mosaic.version = 14 : i64} {
  func.func @_edge_pass2(%arg0: i32, %arg1: i32, %arg2: memref<10000x208xf32, #tpu.memory_space<hbm>>, %arg3: memref<10000xf32, #tpu.memory_space<hbm>>, %arg4: memref<10000xf32, #tpu.memory_space<hbm>>, %arg5: memref<320000xi32, #tpu.memory_space<hbm>>, %arg6: memref<320000xi32, #tpu.memory_space<hbm>>, %arg7: memref<104x208xf32, #tpu.memory_space<hbm>>, %arg8: memref<2x5000x208xf32, #tpu.memory_space<hbm>>, %arg9: memref<80xi32, #tpu.memory_space<vmem>>, %arg10: memref<80xi32, #tpu.memory_space<vmem>>, %arg11: memref<80xi32, #tpu.memory_space<vmem>>, %arg12: memref<80x208xf32, #tpu.memory_space<vmem>>, %arg13: memref<96xf32, #tpu.memory_space<vmem>>, %arg14: memref<10000xf32, #tpu.memory_space<vmem>>, %arg15: memref<10000xf32, #tpu.memory_space<vmem>>, %arg16: memref<5008x208xf32, #tpu.memory_space<vmem_shared>>, %arg17: memref<!tpu.dma_semaphore, #tpu.memory_space<semaphore_mem>>) attributes {dimension_semantics = [#tpu.dimension_semantics<core_parallel>, #tpu.dimension_semantics<subcore_parallel>], iteration_bounds = array<i64: 2, 16>, scalar_prefetch = 0 : i64, scratch_operands = 9 : i64, tpu.core_type = #tpu.core_type<sc_vector_subcore>, window_params = [{transform_indices = #map}, {transform_indices = #map1}, {transform_indices = #map1}, {transform_indices = #map1}, {transform_indices = #map1}, {transform_indices = #map}, {transform_indices = #map2}]} {
    %mul3A = arith.constant 312 : i32
    %mul3A_0 = arith.muli %arg1, %mul3A : i32
    %add3A = arith.constant 0 : i32
    %add3A_1 = arith.addi %mul3A_0, %add3A : i32
    "tpu.region"() ({
      %run_scoped3A = tpu.sem_alloc : memref<!tpu.dma_semaphore, #tpu.memory_space<semaphore_mem>>
      %dma_start3A = arith.constant 0 : i32
      %dma_start3A_35 = tpu.memref_slice %arg16[%add3A_1, %dma_start3A] : memref<5008x208xf32, #tpu.memory_space<vmem_shared>> -> memref<104x208xf32, #tpu.memory_space<vmem_shared>>
      tpu.enqueue_dma source(%arg7 : memref<104x208xf32, #tpu.memory_space<hbm>>) target(%dma_start3A_35 : memref<104x208xf32, #tpu.memory_space<vmem_shared>>) target_semaphore(%run_scoped3A : memref<!tpu.dma_semaphore, #tpu.memory_space<semaphore_mem>>)
      %dma_wait3A = arith.constant 0 : i32
      %dma_wait3A_36 = tpu.memref_slice %arg16[%add3A_1, %dma_wait3A] : memref<5008x208xf32, #tpu.memory_space<vmem_shared>> -> memref<104x208xf32, #tpu.memory_space<vmem_shared>>
      tpu.wait_dma2 semaphore(%run_scoped3A : memref<!tpu.dma_semaphore, #tpu.memory_space<semaphore_mem>>) src(%arg7 : memref<104x208xf32, #tpu.memory_space<hbm>>) dst(%dma_wait3A_36 : memref<104x208xf32, #tpu.memory_space<vmem_shared>>)
      tpu.yield
    }) : () -> ()
    %mul3A_2 = arith.constant 312 : i32
    %mul3A_3 = arith.muli %arg1, %mul3A_2 : i32
    %add3A_4 = arith.constant 104 : i32
    %add3A_5 = arith.addi %mul3A_3, %add3A_4 : i32
    "tpu.region"() ({
      %run_scoped3A = tpu.sem_alloc : memref<!tpu.dma_semaphore, #tpu.memory_space<semaphore_mem>>
      %dma_start3A = arith.constant 0 : i32
      %dma_start3A_35 = tpu.memref_slice %arg16[%add3A_5, %dma_start3A] : memref<5008x208xf32, #tpu.memory_space<vmem_shared>> -> memref<104x208xf32, #tpu.memory_space<vmem_shared>>
      tpu.enqueue_dma source(%arg7 : memref<104x208xf32, #tpu.memory_space<hbm>>) target(%dma_start3A_35 : memref<104x208xf32, #tpu.memory_space<vmem_shared>>) target_semaphore(%run_scoped3A : memref<!tpu.dma_semaphore, #tpu.memory_space<semaphore_mem>>)
      %dma_wait3A = arith.constant 0 : i32
      %dma_wait3A_36 = tpu.memref_slice %arg16[%add3A_5, %dma_wait3A] : memref<5008x208xf32, #tpu.memory_space<vmem_shared>> -> memref<104x208xf32, #tpu.memory_space<vmem_shared>>
      tpu.wait_dma2 semaphore(%run_scoped3A : memref<!tpu.dma_semaphore, #tpu.memory_space<semaphore_mem>>) src(%arg7 : memref<104x208xf32, #tpu.memory_space<hbm>>) dst(%dma_wait3A_36 : memref<104x208xf32, #tpu.memory_space<vmem_shared>>)
      tpu.yield
    }) : () -> ()
    %mul3A_6 = arith.constant 312 : i32
    %mul3A_7 = arith.muli %arg1, %mul3A_6 : i32
    %add3A_8 = arith.constant 208 : i32
    %add3A_9 = arith.addi %mul3A_7, %add3A_8 : i32
    "tpu.region"() ({
      %run_scoped3A = tpu.sem_alloc : memref<!tpu.dma_semaphore, #tpu.memory_space<semaphore_mem>>
      %dma_start3A = arith.constant 0 : i32
      %dma_start3A_35 = tpu.memref_slice %arg16[%add3A_9, %dma_start3A] : memref<5008x208xf32, #tpu.memory_space<vmem_shared>> -> memref<104x208xf32, #tpu.memory_space<vmem_shared>>
      tpu.enqueue_dma source(%arg7 : memref<104x208xf32, #tpu.memory_space<hbm>>) target(%dma_start3A_35 : memref<104x208xf32, #tpu.memory_space<vmem_shared>>) target_semaphore(%run_scoped3A : memref<!tpu.dma_semaphore, #tpu.memory_space<semaphore_mem>>)
      %dma_wait3A = arith.constant 0 : i32
      %dma_wait3A_36 = tpu.memref_slice %arg16[%add3A_9, %dma_wait3A] : memref<5008x208xf32, #tpu.memory_space<vmem_shared>> -> memref<104x208xf32, #tpu.memory_space<vmem_shared>>
      tpu.wait_dma2 semaphore(%run_scoped3A : memref<!tpu.dma_semaphore, #tpu.memory_space<semaphore_mem>>) src(%arg7 : memref<104x208xf32, #tpu.memory_space<hbm>>) dst(%dma_wait3A_36 : memref<104x208xf32, #tpu.memory_space<vmem_shared>>)
      tpu.yield
    }) : () -> ()
    %eq3A = arith.constant 15 : i32
    %eq3A_10 = arith.cmpi eq, %arg1, %eq3A : i32
    %convert_element_type3A = arith.extui %eq3A_10 : i1 to i32
    %cond3A = arith.constant 0 : i32
    %cond3A_11 = arith.cmpi ne, %convert_element_type3A, %cond3A : i32
    scf.if %cond3A_11 {
      "tpu.region"() ({
        %run_scoped3A = tpu.sem_alloc : memref<!tpu.dma_semaphore, #tpu.memory_space<semaphore_mem>>
        %dma_start3A = arith.constant 4992 : i32
        %dma_start3A_35 = arith.constant 0 : i32
        %dma_start3A_36 = tpu.memref_slice %arg16[%dma_start3A, %dma_start3A_35] : memref<5008x208xf32, #tpu.memory_space<vmem_shared>> -> memref<16x208xf32, #tpu.memory_space<vmem_shared>>
        %dma_start3A_37 = arith.constant 0 : i32
        %dma_start3A_38 = arith.constant 0 : i32
        %dma_start3A_39 = tpu.memref_slice %arg7[%dma_start3A_37, %dma_start3A_38] : memref<104x208xf32, #tpu.memory_space<hbm>> -> memref<16x208xf32, #tpu.memory_space<hbm>>
        tpu.enqueue_dma source(%dma_start3A_39 : memref<16x208xf32, #tpu.memory_space<hbm>>) target(%dma_start3A_36 : memref<16x208xf32, #tpu.memory_space<vmem_shared>>) target_semaphore(%run_scoped3A : memref<!tpu.dma_semaphore, #tpu.memory_space<semaphore_mem>>)
        %dma_wait3A = arith.constant 4992 : i32
        %dma_wait3A_40 = arith.constant 0 : i32
        %dma_wait3A_41 = tpu.memref_slice %arg16[%dma_wait3A, %dma_wait3A_40] : memref<5008x208xf32, #tpu.memory_space<vmem_shared>> -> memref<16x208xf32, #tpu.memory_space<vmem_shared>>
        %dma_wait3A_42 = arith.constant 0 : i32
        %dma_wait3A_43 = arith.constant 0 : i32
        %dma_wait3A_44 = tpu.memref_slice %arg7[%dma_wait3A_42, %dma_wait3A_43] : memref<104x208xf32, #tpu.memory_space<hbm>> -> memref<16x208xf32, #tpu.memory_space<hbm>>
        tpu.wait_dma2 semaphore(%run_scoped3A : memref<!tpu.dma_semaphore, #tpu.memory_space<semaphore_mem>>) src(%dma_wait3A_44 : memref<16x208xf32, #tpu.memory_space<hbm>>) dst(%dma_wait3A_41 : memref<16x208xf32, #tpu.memory_space<vmem_shared>>)
        tpu.yield
      }) : () -> ()
    } else {
    }
    "tpu.region"() ({
      %run_scoped3A = tpu.sem_alloc : memref<!tpu.dma_semaphore, #tpu.memory_space<semaphore_mem>>
      tpu.enqueue_dma source(%arg3 : memref<10000xf32, #tpu.memory_space<hbm>>) target(%arg14 : memref<10000xf32, #tpu.memory_space<vmem>>) target_semaphore(%run_scoped3A : memref<!tpu.dma_semaphore, #tpu.memory_space<semaphore_mem>>)
      tpu.wait_dma2 semaphore(%run_scoped3A : memref<!tpu.dma_semaphore, #tpu.memory_space<semaphore_mem>>) src(%arg3 : memref<10000xf32, #tpu.memory_space<hbm>>) dst(%arg14 : memref<10000xf32, #tpu.memory_space<vmem>>)
      tpu.yield
    }) : () -> ()
    "tpu.region"() ({
      %run_scoped3A = tpu.sem_alloc : memref<!tpu.dma_semaphore, #tpu.memory_space<semaphore_mem>>
      tpu.enqueue_dma source(%arg4 : memref<10000xf32, #tpu.memory_space<hbm>>) target(%arg15 : memref<10000xf32, #tpu.memory_space<vmem>>) target_semaphore(%run_scoped3A : memref<!tpu.dma_semaphore, #tpu.memory_space<semaphore_mem>>)
      tpu.wait_dma2 semaphore(%run_scoped3A : memref<!tpu.dma_semaphore, #tpu.memory_space<semaphore_mem>>) src(%arg4 : memref<10000xf32, #tpu.memory_space<hbm>>) dst(%arg15 : memref<10000xf32, #tpu.memory_space<vmem>>)
      tpu.yield
    }) : () -> ()
    %barrier3A = arith.constant 0 : index
    tpu.barrier barrier_id(%barrier3A)
    %scan3A = arith.constant 0 : i32
    %scan3A_12 = arith.constant 0 : i32
    %scan3A_13 = arith.constant 250 : i32
    %scan3A_14 = arith.addi %scan3A_12, %scan3A_13 : i32
    %scan3A_15 = arith.constant 1 : i32
    scf.for %scan3A_35 = %scan3A_12 to %scan3A_14 step %scan3A_15  : i32 {
      %mul3A_36 = arith.constant 20000 : i32
      %mul3A_37 = arith.muli %arg1, %mul3A_36 : i32
      %mul3A_38 = arith.constant 80 : i32
      %mul3A_39 = arith.muli %scan3A_35, %mul3A_38 : i32
      %add3A_40 = arith.addi %mul3A_37, %mul3A_39 : i32
      "tpu.region"() ({
        %run_scoped3A = tpu.sem_alloc : memref<!tpu.dma_semaphore, #tpu.memory_space<semaphore_mem>>
        %dma_start3A_205 = tpu.memref_slice %arg5[%add3A_40] : memref<320000xi32, #tpu.memory_space<hbm>> -> memref<80xi32, #tpu.memory_space<hbm>>
        %dma_start3A_206 = tpu.memref_slice %arg5[%add3A_40] : memref<320000xi32, #tpu.memory_space<hbm>> -> memref<80xi32, #tpu.memory_space<hbm>>
        tpu.enqueue_dma source(%dma_start3A_206 : memref<80xi32, #tpu.memory_space<hbm>>) target(%arg9 : memref<80xi32, #tpu.memory_space<vmem>>) target_semaphore(%run_scoped3A : memref<!tpu.dma_semaphore, #tpu.memory_space<semaphore_mem>>)
        %dma_wait3A_207 = tpu.memref_slice %arg5[%add3A_40] : memref<320000xi32, #tpu.memory_space<hbm>> -> memref<80xi32, #tpu.memory_space<hbm>>
        %dma_wait3A_208 = tpu.memref_slice %arg5[%add3A_40] : memref<320000xi32, #tpu.memory_space<hbm>> -> memref<80xi32, #tpu.memory_space<hbm>>
        tpu.wait_dma2 semaphore(%run_scoped3A : memref<!tpu.dma_semaphore, #tpu.memory_space<semaphore_mem>>) src(%dma_wait3A_208 : memref<80xi32, #tpu.memory_space<hbm>>) dst(%arg9 : memref<80xi32, #tpu.memory_space<vmem>>)
        tpu.yield
      }) : () -> ()
      "tpu.region"() ({
        %run_scoped3A = tpu.sem_alloc : memref<!tpu.dma_semaphore, #tpu.memory_space<semaphore_mem>>
        %dma_start3A_205 = tpu.memref_slice %arg6[%add3A_40] : memref<320000xi32, #tpu.memory_space<hbm>> -> memref<80xi32, #tpu.memory_space<hbm>>
        %dma_start3A_206 = tpu.memref_slice %arg6[%add3A_40] : memref<320000xi32, #tpu.memory_space<hbm>> -> memref<80xi32, #tpu.memory_space<hbm>>
        tpu.enqueue_dma source(%dma_start3A_206 : memref<80xi32, #tpu.memory_space<hbm>>) target(%arg10 : memref<80xi32, #tpu.memory_space<vmem>>) target_semaphore(%run_scoped3A : memref<!tpu.dma_semaphore, #tpu.memory_space<semaphore_mem>>)
        %dma_wait3A_207 = tpu.memref_slice %arg6[%add3A_40] : memref<320000xi32, #tpu.memory_space<hbm>> -> memref<80xi32, #tpu.memory_space<hbm>>
        %dma_wait3A_208 = tpu.memref_slice %arg6[%add3A_40] : memref<320000xi32, #tpu.memory_space<hbm>> -> memref<80xi32, #tpu.memory_space<hbm>>
        tpu.wait_dma2 semaphore(%run_scoped3A : memref<!tpu.dma_semaphore, #tpu.memory_space<semaphore_mem>>) src(%dma_wait3A_208 : memref<80xi32, #tpu.memory_space<hbm>>) dst(%arg10 : memref<80xi32, #tpu.memory_space<vmem>>)
        tpu.yield
      }) : () -> ()
      %dma_start3A = arith.constant 0 : i32
      %dma_start3A_41 = arith.constant 0 : i32
      %dma_start3A_42 = tpu.memref_slice %arg2[%dma_start3A, %dma_start3A_41] : memref<10000x208xf32, #tpu.memory_space<hbm>> -> memref<10000x208xf32, #tpu.memory_space<hbm>>
      tpu.enqueue_indirect_dma source(%dma_start3A_42 : memref<10000x208xf32, #tpu.memory_space<hbm>>) target(%arg12 : memref<80x208xf32, #tpu.memory_space<vmem>>) offsets(%arg9 : memref<80xi32, #tpu.memory_space<vmem>>) semaphore(%arg17 : memref<!tpu.dma_semaphore, #tpu.memory_space<semaphore_mem>>)
      %dma_wait3A = arith.constant 0 : i32
      %dma_wait3A_43 = arith.constant 0 : i32
      %dma_wait3A_44 = tpu.memref_slice %arg2[%dma_wait3A, %dma_wait3A_43] : memref<10000x208xf32, #tpu.memory_space<hbm>> -> memref<10000x208xf32, #tpu.memory_space<hbm>>
      tpu.wait_indirect_dma semaphore(%arg17 : memref<!tpu.dma_semaphore, #tpu.memory_space<semaphore_mem>>) src(%dma_wait3A_44 : memref<10000x208xf32, #tpu.memory_space<hbm>>) dst(%arg12 : memref<80x208xf32, #tpu.memory_space<vmem>>)
      %get3A = arith.constant 0 : index
      %get3A_45 = tpu.vector_load %arg9[%get3A] {strides = array<i32>} : memref<80xi32, #tpu.memory_space<vmem>>, vector<16xi32>,
      %get3A_46 = arith.constant 0 : index
      %get3A_47 = tpu.vector_load %arg10[%get3A_46] {strides = array<i32>} : memref<80xi32, #tpu.memory_space<vmem>>, vector<16xi32>,
      %gather3A = tpu.vector_load_idx %arg14[%get3A_47] : memref<10000xf32, #tpu.memory_space<vmem>>[vector<16xi32>], vector<16xf32>,
      %gather3A_48 = tpu.vector_load_idx %arg15[%get3A_45] : memref<10000xf32, #tpu.memory_space<vmem>>[vector<16xi32>], vector<16xf32>,
      %add3A_49 = arith.addf %gather3A, %gather3A_48 : vector<16xf32>
      %ge3A = arith.constant 0.000000e+00 : f32
      %ge3A_50 = vector.broadcast %ge3A : f32 to vector<16xf32>
      %ge3A_51 = arith.cmpf oge, %add3A_49, %ge3A_50 : vector<16xf32>
      %mul3A_52 = arith.constant 0.00999999977 : f32
      %mul3A_53 = vector.broadcast %mul3A_52 : f32 to vector<16xf32>
      %mul3A_54 = arith.mulf %mul3A_53, %add3A_49 : vector<16xf32>
      %select_n3A = arith.select %ge3A_51, %add3A_49, %mul3A_54 : vector<16xi1>, vector<16xf32>
      %exp3A = math.exp %select_n3A : vector<16xf32>
      %swap3A = arith.constant 0 : index
      %swap3A_55 = tpu.vector_load %arg13[%swap3A] {strides = array<i32>} : memref<96xf32, #tpu.memory_space<vmem>>, vector<16xf32>,
      tpu.vector_store %arg13[%swap3A], %exp3A {strides = array<i32>} : memref<96xf32, #tpu.memory_space<vmem>>, vector<16xf32>,
      %mul3A_56 = arith.constant 5000 : i32
      %mul3A_57 = arith.muli %arg0, %mul3A_56 : i32
      %sub3A = vector.broadcast %mul3A_57 : i32 to vector<16xi32>
      %sub3A_58 = arith.subi %get3A_47, %sub3A : vector<16xi32>
      %ge3A_59 = arith.constant 0 : i32
      %ge3A_60 = vector.broadcast %ge3A_59 : i32 to vector<16xi32>
      %ge3A_61 = arith.cmpi sge, %sub3A_58, %ge3A_60 : vector<16xi32>
      %lt3A = arith.constant 5000 : i32
      %lt3A_62 = vector.broadcast %lt3A : i32 to vector<16xi32>
      %lt3A_63 = arith.cmpi slt, %sub3A_58, %lt3A_62 : vector<16xi32>
      %and3A = arith.andi %ge3A_61, %lt3A_63 : vector<16xi1>
      %jit3A = arith.constant 5000 : i32
      %broadcast_in_dim3A = vector.broadcast %jit3A : i32 to vector<16xi32>
      %select_n3A_64 = arith.select %and3A, %sub3A_58, %broadcast_in_dim3A : vector<16xi1>, vector<16xi32>
      %swap3A_65 = arith.constant 0 : index
      %swap3A_66 = tpu.vector_load %arg11[%swap3A_65] {strides = array<i32>} : memref<80xi32, #tpu.memory_space<vmem>>, vector<16xi32>,
      tpu.vector_store %arg11[%swap3A_65], %select_n3A_64 {strides = array<i32>} : memref<80xi32, #tpu.memory_space<vmem>>, vector<16xi32>,
      %get3A_67 = arith.constant 16 : index
      %get3A_68 = tpu.vector_load %arg9[%get3A_67] {strides = array<i32>} : memref<80xi32, #tpu.memory_space<vmem>>, vector<16xi32>,
      %get3A_69 = arith.constant 16 : index
      %get3A_70 = tpu.vector_load %arg10[%get3A_69] {strides = array<i32>} : memref<80xi32, #tpu.memory_space<vmem>>, vector<16xi32>,
      %gather3A_71 = tpu.vector_load_idx %arg14[%get3A_70] : memref<10000xf32, #tpu.memory_space<vmem>>[vector<16xi32>], vector<16xf32>,
      %gather3A_72 = tpu.vector_load_idx %arg15[%get3A_68] : memref<10000xf32, #tpu.memory_space<vmem>>[vector<16xi32>], vector<16xf32>,
      %add3A_73 = arith.addf %gather3A_71, %gather3A_72 : vector<16xf32>
      %ge3A_74 = arith.constant 0.000000e+00 : f32
      %ge3A_75 = vector.broadcast %ge3A_74 : f32 to vector<16xf32>
      %ge3A_76 = arith.cmpf oge, %add3A_73, %ge3A_75 : vector<16xf32>
      %mul3A_77 = arith.constant 0.00999999977 : f32
      %mul3A_78 = vector.broadcast %mul3A_77 : f32 to vector<16xf32>
      %mul3A_79 = arith.mulf %mul3A_78, %add3A_73 : vector<16xf32>
      %select_n3A_80 = arith.select %ge3A_76, %add3A_73, %mul3A_79 : vector<16xi1>, vector<16xf32>
      %exp3A_81 = math.exp %select_n3A_80 : vector<16xf32>
      %swap3A_82 = arith.constant 16 : index
      %swap3A_83 = tpu.vector_load %arg13[%swap3A_82] {strides = array<i32>} : memref<96xf32, #tpu.memory_space<vmem>>, vector<16xf32>,
      tpu.vector_store %arg13[%swap3A_82], %exp3A_81 {strides = array<i32>} : memref<96xf32, #tpu.memory_space<vmem>>, vector<16xf32>,
      %mul3A_84 = arith.constant 5000 : i32
      %mul3A_85 = arith.muli %arg0, %mul3A_84 : i32
      %sub3A_86 = vector.broadcast %mul3A_85 : i32 to vector<16xi32>
      %sub3A_87 = arith.subi %get3A_70, %sub3A_86 : vector<16xi32>
      %ge3A_88 = arith.constant 0 : i32
      %ge3A_89 = vector.broadcast %ge3A_88 : i32 to vector<16xi32>
      %ge3A_90 = arith.cmpi sge, %sub3A_87, %ge3A_89 : vector<16xi32>
      %lt3A_91 = arith.constant 5000 : i32
      %lt3A_92 = vector.broadcast %lt3A_91 : i32 to vector<16xi32>
      %lt3A_93 = arith.cmpi slt, %sub3A_87, %lt3A_92 : vector<16xi32>
      %and3A_94 = arith.andi %ge3A_90, %lt3A_93 : vector<16xi1>
      %jit3A_95 = arith.constant 5000 : i32
      %broadcast_in_dim3A_96 = vector.broadcast %jit3A_95 : i32 to vector<16xi32>
      %select_n3A_97 = arith.select %and3A_94, %sub3A_87, %broadcast_in_dim3A_96 : vector<16xi1>, vector<16xi32>
      %swap3A_98 = arith.constant 16 : index
      %swap3A_99 = tpu.vector_load %arg11[%swap3A_98] {strides = array<i32>} : memref<80xi32, #tpu.memory_space<vmem>>, vector<16xi32>,
      tpu.vector_store %arg11[%swap3A_98], %select_n3A_97 {strides = array<i32>} : memref<80xi32, #tpu.memory_space<vmem>>, vector<16xi32>,
      %get3A_100 = arith.constant 32 : index
      %get3A_101 = tpu.vector_load %arg9[%get3A_100] {strides = array<i32>} : memref<80xi32, #tpu.memory_space<vmem>>, vector<16xi32>,
      %get3A_102 = arith.constant 32 : index
      %get3A_103 = tpu.vector_load %arg10[%get3A_102] {strides = array<i32>} : memref<80xi32, #tpu.memory_space<vmem>>, vector<16xi32>,
      %gather3A_104 = tpu.vector_load_idx %arg14[%get3A_103] : memref<10000xf32, #tpu.memory_space<vmem>>[vector<16xi32>], vector<16xf32>,
      %gather3A_105 = tpu.vector_load_idx %arg15[%get3A_101] : memref<10000xf32, #tpu.memory_space<vmem>>[vector<16xi32>], vector<16xf32>,
      %add3A_106 = arith.addf %gather3A_104, %gather3A_105 : vector<16xf32>
      %ge3A_107 = arith.constant 0.000000e+00 : f32
      %ge3A_108 = vector.broadcast %ge3A_107 : f32 to vector<16xf32>
      %ge3A_109 = arith.cmpf oge, %add3A_106, %ge3A_108 : vector<16xf32>
      %mul3A_110 = arith.constant 0.00999999977 : f32
      %mul3A_111 = vector.broadcast %mul3A_110 : f32 to vector<16xf32>
      %mul3A_112 = arith.mulf %mul3A_111, %add3A_106 : vector<16xf32>
      %select_n3A_113 = arith.select %ge3A_109, %add3A_106, %mul3A_112 : vector<16xi1>, vector<16xf32>
      %exp3A_114 = math.exp %select_n3A_113 : vector<16xf32>
      %swap3A_115 = arith.constant 32 : index
      %swap3A_116 = tpu.vector_load %arg13[%swap3A_115] {strides = array<i32>} : memref<96xf32, #tpu.memory_space<vmem>>, vector<16xf32>,
      tpu.vector_store %arg13[%swap3A_115], %exp3A_114 {strides = array<i32>} : memref<96xf32, #tpu.memory_space<vmem>>, vector<16xf32>,
      %mul3A_117 = arith.constant 5000 : i32
      %mul3A_118 = arith.muli %arg0, %mul3A_117 : i32
      %sub3A_119 = vector.broadcast %mul3A_118 : i32 to vector<16xi32>
      %sub3A_120 = arith.subi %get3A_103, %sub3A_119 : vector<16xi32>
      %ge3A_121 = arith.constant 0 : i32
      %ge3A_122 = vector.broadcast %ge3A_121 : i32 to vector<16xi32>
      %ge3A_123 = arith.cmpi sge, %sub3A_120, %ge3A_122 : vector<16xi32>
      %lt3A_124 = arith.constant 5000 : i32
      %lt3A_125 = vector.broadcast %lt3A_124 : i32 to vector<16xi32>
      %lt3A_126 = arith.cmpi slt, %sub3A_120, %lt3A_125 : vector<16xi32>
      %and3A_127 = arith.andi %ge3A_123, %lt3A_126 : vector<16xi1>
      %jit3A_128 = arith.constant 5000 : i32
      %broadcast_in_dim3A_129 = vector.broadcast %jit3A_128 : i32 to vector<16xi32>
      %select_n3A_130 = arith.select %and3A_127, %sub3A_120, %broadcast_in_dim3A_129 : vector<16xi1>, vector<16xi32>
      %swap3A_131 = arith.constant 32 : index
      %swap3A_132 = tpu.vector_load %arg11[%swap3A_131] {strides = array<i32>} : memref<80xi32, #tpu.memory_space<vmem>>, vector<16xi32>,
      tpu.vector_store %arg11[%swap3A_131], %select_n3A_130 {strides = array<i32>} : memref<80xi32, #tpu.memory_space<vmem>>, vector<16xi32>,
      %get3A_133 = arith.constant 48 : index
      %get3A_134 = tpu.vector_load %arg9[%get3A_133] {strides = array<i32>} : memref<80xi32, #tpu.memory_space<vmem>>, vector<16xi32>,
      %get3A_135 = arith.constant 48 : index
      %get3A_136 = tpu.vector_load %arg10[%get3A_135] {strides = array<i32>} : memref<80xi32, #tpu.memory_space<vmem>>, vector<16xi32>,
      %gather3A_137 = tpu.vector_load_idx %arg14[%get3A_136] : memref<10000xf32, #tpu.memory_space<vmem>>[vector<16xi32>], vector<16xf32>,
      %gather3A_138 = tpu.vector_load_idx %arg15[%get3A_134] : memref<10000xf32, #tpu.memory_space<vmem>>[vector<16xi32>], vector<16xf32>,
      %add3A_139 = arith.addf %gather3A_137, %gather3A_138 : vector<16xf32>
      %ge3A_140 = arith.constant 0.000000e+00 : f32
      %ge3A_141 = vector.broadcast %ge3A_140 : f32 to vector<16xf32>
      %ge3A_142 = arith.cmpf oge, %add3A_139, %ge3A_141 : vector<16xf32>
      %mul3A_143 = arith.constant 0.00999999977 : f32
      %mul3A_144 = vector.broadcast %mul3A_143 : f32 to vector<16xf32>
      %mul3A_145 = arith.mulf %mul3A_144, %add3A_139 : vector<16xf32>
      %select_n3A_146 = arith.select %ge3A_142, %add3A_139, %mul3A_145 : vector<16xi1>, vector<16xf32>
      %exp3A_147 = math.exp %select_n3A_146 : vector<16xf32>
      %swap3A_148 = arith.constant 48 : index
      %swap3A_149 = tpu.vector_load %arg13[%swap3A_148] {strides = array<i32>} : memref<96xf32, #tpu.memory_space<vmem>>, vector<16xf32>,
      tpu.vector_store %arg13[%swap3A_148], %exp3A_147 {strides = array<i32>} : memref<96xf32, #tpu.memory_space<vmem>>, vector<16xf32>,
      %mul3A_150 = arith.constant 5000 : i32
      %mul3A_151 = arith.muli %arg0, %mul3A_150 : i32
      %sub3A_152 = vector.broadcast %mul3A_151 : i32 to vector<16xi32>
      %sub3A_153 = arith.subi %get3A_136, %sub3A_152 : vector<16xi32>
      %ge3A_154 = arith.constant 0 : i32
      %ge3A_155 = vector.broadcast %ge3A_154 : i32 to vector<16xi32>
      %ge3A_156 = arith.cmpi sge, %sub3A_153, %ge3A_155 : vector<16xi32>
      %lt3A_157 = arith.constant 5000 : i32
      %lt3A_158 = vector.broadcast %lt3A_157 : i32 to vector<16xi32>
      %lt3A_159 = arith.cmpi slt, %sub3A_153, %lt3A_158 : vector<16xi32>
      %and3A_160 = arith.andi %ge3A_156, %lt3A_159 : vector<16xi1>
      %jit3A_161 = arith.constant 5000 : i32
      %broadcast_in_dim3A_162 = vector.broadcast %jit3A_161 : i32 to vector<16xi32>
      %select_n3A_163 = arith.select %and3A_160, %sub3A_153, %broadcast_in_dim3A_162 : vector<16xi1>, vector<16xi32>
      %swap3A_164 = arith.constant 48 : index
      %swap3A_165 = tpu.vector_load %arg11[%swap3A_164] {strides = array<i32>} : memref<80xi32, #tpu.memory_space<vmem>>, vector<16xi32>,
      tpu.vector_store %arg11[%swap3A_164], %select_n3A_163 {strides = array<i32>} : memref<80xi32, #tpu.memory_space<vmem>>, vector<16xi32>,
      %get3A_166 = arith.constant 64 : index
      %get3A_167 = tpu.vector_load %arg9[%get3A_166] {strides = array<i32>} : memref<80xi32, #tpu.memory_space<vmem>>, vector<16xi32>,
      %get3A_168 = arith.constant 64 : index
      %get3A_169 = tpu.vector_load %arg10[%get3A_168] {strides = array<i32>} : memref<80xi32, #tpu.memory_space<vmem>>, vector<16xi32>,
      %gather3A_170 = tpu.vector_load_idx %arg14[%get3A_169] : memref<10000xf32, #tpu.memory_space<vmem>>[vector<16xi32>], vector<16xf32>,
      %gather3A_171 = tpu.vector_load_idx %arg15[%get3A_167] : memref<10000xf32, #tpu.memory_space<vmem>>[vector<16xi32>], vector<16xf32>,
      %add3A_172 = arith.addf %gather3A_170, %gather3A_171 : vector<16xf32>
      %ge3A_173 = arith.constant 0.000000e+00 : f32
      %ge3A_174 = vector.broadcast %ge3A_173 : f32 to vector<16xf32>
      %ge3A_175 = arith.cmpf oge, %add3A_172, %ge3A_174 : vector<16xf32>
      %mul3A_176 = arith.constant 0.00999999977 : f32
      %mul3A_177 = vector.broadcast %mul3A_176 : f32 to vector<16xf32>
      %mul3A_178 = arith.mulf %mul3A_177, %add3A_172 : vector<16xf32>
      %select_n3A_179 = arith.select %ge3A_175, %add3A_172, %mul3A_178 : vector<16xi1>, vector<16xf32>
      %exp3A_180 = math.exp %select_n3A_179 : vector<16xf32>
      %swap3A_181 = arith.constant 64 : index
      %swap3A_182 = tpu.vector_load %arg13[%swap3A_181] {strides = array<i32>} : memref<96xf32, #tpu.memory_space<vmem>>, vector<16xf32>,
      tpu.vector_store %arg13[%swap3A_181], %exp3A_180 {strides = array<i32>} : memref<96xf32, #tpu.memory_space<vmem>>, vector<16xf32>,
      %mul3A_183 = arith.constant 5000 : i32
      %mul3A_184 = arith.muli %arg0, %mul3A_183 : i32
      %sub3A_185 = vector.broadcast %mul3A_184 : i32 to vector<16xi32>
      %sub3A_186 = arith.subi %get3A_169, %sub3A_185 : vector<16xi32>
      %ge3A_187 = arith.constant 0 : i32
      %ge3A_188 = vector.broadcast %ge3A_187 : i32 to vector<16xi32>
      %ge3A_189 = arith.cmpi sge, %sub3A_186, %ge3A_188 : vector<16xi32>
      %lt3A_190 = arith.constant 5000 : i32
      %lt3A_191 = vector.broadcast %lt3A_190 : i32 to vector<16xi32>
      %lt3A_192 = arith.cmpi slt, %sub3A_186, %lt3A_191 : vector<16xi32>
      %and3A_193 = arith.andi %ge3A_189, %lt3A_192 : vector<16xi1>
      %jit3A_194 = arith.constant 5000 : i32
      %broadcast_in_dim3A_195 = vector.broadcast %jit3A_194 : i32 to vector<16xi32>
      %select_n3A_196 = arith.select %and3A_193, %sub3A_186, %broadcast_in_dim3A_195 : vector<16xi1>, vector<16xi32>
      %swap3A_197 = arith.constant 64 : index
      %swap3A_198 = tpu.vector_load %arg11[%swap3A_197] {strides = array<i32>} : memref<80xi32, #tpu.memory_space<vmem>>, vector<16xi32>,
      tpu.vector_store %arg11[%swap3A_197], %select_n3A_196 {strides = array<i32>} : memref<80xi32, #tpu.memory_space<vmem>>, vector<16xi32>,
      %scan3A_199 = arith.constant 0 : i32
      %scan3A_200 = arith.constant 0 : i32
      %scan3A_201 = arith.constant 80 : i32
      %scan3A_202 = arith.addi %scan3A_200, %scan3A_201 : i32
      %scan3A_203 = arith.constant 1 : i32
      scf.for %scan3A_205 = %scan3A_200 to %scan3A_202 step %scan3A_203  : i32 {
        %get3A_206 = arith.index_cast %scan3A_205 : i32 to index
        %get3A_207 = tpu.vector_load %arg13[%get3A_206] {strides = array<i32>} : memref<96xf32, #tpu.memory_space<vmem>>, vector<16xf32>,
        %slice3A = vector.extract_strided_slice %get3A_207 {offsets = [0], sizes = [1], strides = [1]} : vector<16xf32> to vector<1xf32>
        %squeeze3A = vector.extract %slice3A[0] : f32 from vector<1xf32>
        %get3A_208 = arith.index_cast %scan3A_205 : i32 to index
        %get3A_209 = arith.constant 0 : index
        %get3A_210 = tpu.vector_load %arg12[%get3A_208, %get3A_209] {strides = array<i32>} : memref<80x208xf32, #tpu.memory_space<vmem>>, vector<16xf32>,
        %mul3A_211 = vector.broadcast %squeeze3A : f32 to vector<16xf32>
        %mul3A_212 = arith.mulf %get3A_210, %mul3A_211 : vector<16xf32>
        %swap3A_213 = arith.index_cast %scan3A_205 : i32 to index
        %swap3A_214 = arith.constant 0 : index
        %swap3A_215 = tpu.vector_load %arg12[%swap3A_213, %swap3A_214] {strides = array<i32>} : memref<80x208xf32, #tpu.memory_space<vmem>>, vector<16xf32>,
        tpu.vector_store %arg12[%swap3A_213, %swap3A_214], %mul3A_212 {strides = array<i32>} : memref<80x208xf32, #tpu.memory_space<vmem>>, vector<16xf32>,
        %get3A_216 = arith.index_cast %scan3A_205 : i32 to index
        %get3A_217 = arith.constant 16 : index
        %get3A_218 = tpu.vector_load %arg12[%get3A_216, %get3A_217] {strides = array<i32>} : memref<80x208xf32, #tpu.memory_space<vmem>>, vector<16xf32>,
        %mul3A_219 = vector.broadcast %squeeze3A : f32 to vector<16xf32>
        %mul3A_220 = arith.mulf %get3A_218, %mul3A_219 : vector<16xf32>
        %swap3A_221 = arith.index_cast %scan3A_205 : i32 to index
        %swap3A_222 = arith.constant 16 : index
        %swap3A_223 = tpu.vector_load %arg12[%swap3A_221, %swap3A_222] {strides = array<i32>} : memref<80x208xf32, #tpu.memory_space<vmem>>, vector<16xf32>,
        tpu.vector_store %arg12[%swap3A_221, %swap3A_222], %mul3A_220 {strides = array<i32>} : memref<80x208xf32, #tpu.memory_space<vmem>>, vector<16xf32>,
        %get3A_224 = arith.index_cast %scan3A_205 : i32 to index
        %get3A_225 = arith.constant 32 : index
        %get3A_226 = tpu.vector_load %arg12[%get3A_224, %get3A_225] {strides = array<i32>} : memref<80x208xf32, #tpu.memory_space<vmem>>, vector<16xf32>,
        %mul3A_227 = vector.broadcast %squeeze3A : f32 to vector<16xf32>
        %mul3A_228 = arith.mulf %get3A_226, %mul3A_227 : vector<16xf32>
        %swap3A_229 = arith.index_cast %scan3A_205 : i32 to index
        %swap3A_230 = arith.constant 32 : index
        %swap3A_231 = tpu.vector_load %arg12[%swap3A_229, %swap3A_230] {strides = array<i32>} : memref<80x208xf32, #tpu.memory_space<vmem>>, vector<16xf32>,
        tpu.vector_store %arg12[%swap3A_229, %swap3A_230], %mul3A_228 {strides = array<i32>} : memref<80x208xf32, #tpu.memory_space<vmem>>, vector<16xf32>,
        %get3A_232 = arith.index_cast %scan3A_205 : i32 to index
        %get3A_233 = arith.constant 48 : index
        %get3A_234 = tpu.vector_load %arg12[%get3A_232, %get3A_233] {strides = array<i32>} : memref<80x208xf32, #tpu.memory_space<vmem>>, vector<16xf32>,
        %mul3A_235 = vector.broadcast %squeeze3A : f32 to vector<16xf32>
        %mul3A_236 = arith.mulf %get3A_234, %mul3A_235 : vector<16xf32>
        %swap3A_237 = arith.index_cast %scan3A_205 : i32 to index
        %swap3A_238 = arith.constant 48 : index
        %swap3A_239 = tpu.vector_load %arg12[%swap3A_237, %swap3A_238] {strides = array<i32>} : memref<80x208xf32, #tpu.memory_space<vmem>>, vector<16xf32>,
        tpu.vector_store %arg12[%swap3A_237, %swap3A_238], %mul3A_236 {strides = array<i32>} : memref<80x208xf32, #tpu.memory_space<vmem>>, vector<16xf32>,
        %get3A_240 = arith.index_cast %scan3A_205 : i32 to index
        %get3A_241 = arith.constant 64 : index
        %get3A_242 = tpu.vector_load %arg12[%get3A_240, %get3A_241] {strides = array<i32>} : memref<80x208xf32, #tpu.memory_space<vmem>>, vector<16xf32>,
        %mul3A_243 = vector.broadcast %squeeze3A : f32 to vector<16xf32>
        %mul3A_244 = arith.mulf %get3A_242, %mul3A_243 : vector<16xf32>
        %swap3A_245 = arith.index_cast %scan3A_205 : i32 to index
        %swap3A_246 = arith.constant 64 : index
        %swap3A_247 = tpu.vector_load %arg12[%swap3A_245, %swap3A_246] {strides = array<i32>} : memref<80x208xf32, #tpu.memory_space<vmem>>, vector<16xf32>,
        tpu.vector_store %arg12[%swap3A_245, %swap3A_246], %mul3A_244 {strides = array<i32>} : memref<80x208xf32, #tpu.memory_space<vmem>>, vector<16xf32>,
        %get3A_248 = arith.index_cast %scan3A_205 : i32 to index
        %get3A_249 = arith.constant 80 : index
        %get3A_250 = tpu.vector_load %arg12[%get3A_248, %get3A_249] {strides = array<i32>} : memref<80x208xf32, #tpu.memory_space<vmem>>, vector<16xf32>,
        %mul3A_251 = vector.broadcast %squeeze3A : f32 to vector<16xf32>
        %mul3A_252 = arith.mulf %get3A_250, %mul3A_251 : vector<16xf32>
        %swap3A_253 = arith.index_cast %scan3A_205 : i32 to index
        %swap3A_254 = arith.constant 80 : index
        %swap3A_255 = tpu.vector_load %arg12[%swap3A_253, %swap3A_254] {strides = array<i32>} : memref<80x208xf32, #tpu.memory_space<vmem>>, vector<16xf32>,
        tpu.vector_store %arg12[%swap3A_253, %swap3A_254], %mul3A_252 {strides = array<i32>} : memref<80x208xf32, #tpu.memory_space<vmem>>, vector<16xf32>,
        %get3A_256 = arith.index_cast %scan3A_205 : i32 to index
        %get3A_257 = arith.constant 96 : index
        %get3A_258 = tpu.vector_load %arg12[%get3A_256, %get3A_257] {strides = array<i32>} : memref<80x208xf32, #tpu.memory_space<vmem>>, vector<16xf32>,
        %mul3A_259 = vector.broadcast %squeeze3A : f32 to vector<16xf32>
        %mul3A_260 = arith.mulf %get3A_258, %mul3A_259 : vector<16xf32>
        %swap3A_261 = arith.index_cast %scan3A_205 : i32 to index
        %swap3A_262 = arith.constant 96 : index
        %swap3A_263 = tpu.vector_load %arg12[%swap3A_261, %swap3A_262] {strides = array<i32>} : memref<80x208xf32, #tpu.memory_space<vmem>>, vector<16xf32>,
        tpu.vector_store %arg12[%swap3A_261, %swap3A_262], %mul3A_260 {strides = array<i32>} : memref<80x208xf32, #tpu.memory_space<vmem>>, vector<16xf32>,
        %get3A_264 = arith.index_cast %scan3A_205 : i32 to index
        %get3A_265 = arith.constant 112 : index
        %get3A_266 = tpu.vector_load %arg12[%get3A_264, %get3A_265] {strides = array<i32>} : memref<80x208xf32, #tpu.memory_space<vmem>>, vector<16xf32>,
        %mul3A_267 = vector.broadcast %squeeze3A : f32 to vector<16xf32>
        %mul3A_268 = arith.mulf %get3A_266, %mul3A_267 : vector<16xf32>
        %swap3A_269 = arith.index_cast %scan3A_205 : i32 to index
        %swap3A_270 = arith.constant 112 : index
        %swap3A_271 = tpu.vector_load %arg12[%swap3A_269, %swap3A_270] {strides = array<i32>} : memref<80x208xf32, #tpu.memory_space<vmem>>, vector<16xf32>,
        tpu.vector_store %arg12[%swap3A_269, %swap3A_270], %mul3A_268 {strides = array<i32>} : memref<80x208xf32, #tpu.memory_space<vmem>>, vector<16xf32>,
        %get3A_272 = arith.index_cast %scan3A_205 : i32 to index
        %get3A_273 = arith.constant 128 : index
        %get3A_274 = tpu.vector_load %arg12[%get3A_272, %get3A_273] {strides = array<i32>} : memref<80x208xf32, #tpu.memory_space<vmem>>, vector<16xf32>,
        %mul3A_275 = vector.broadcast %squeeze3A : f32 to vector<16xf32>
        %mul3A_276 = arith.mulf %get3A_274, %mul3A_275 : vector<16xf32>
        %swap3A_277 = arith.index_cast %scan3A_205 : i32 to index
        %swap3A_278 = arith.constant 128 : index
        %swap3A_279 = tpu.vector_load %arg12[%swap3A_277, %swap3A_278] {strides = array<i32>} : memref<80x208xf32, #tpu.memory_space<vmem>>, vector<16xf32>,
        tpu.vector_store %arg12[%swap3A_277, %swap3A_278], %mul3A_276 {strides = array<i32>} : memref<80x208xf32, #tpu.memory_space<vmem>>, vector<16xf32>,
        %get3A_280 = arith.index_cast %scan3A_205 : i32 to index
        %get3A_281 = arith.constant 144 : index
        %get3A_282 = tpu.vector_load %arg12[%get3A_280, %get3A_281] {strides = array<i32>} : memref<80x208xf32, #tpu.memory_space<vmem>>, vector<16xf32>,
        %mul3A_283 = vector.broadcast %squeeze3A : f32 to vector<16xf32>
        %mul3A_284 = arith.mulf %get3A_282, %mul3A_283 : vector<16xf32>
        %swap3A_285 = arith.index_cast %scan3A_205 : i32 to index
        %swap3A_286 = arith.constant 144 : index
        %swap3A_287 = tpu.vector_load %arg12[%swap3A_285, %swap3A_286] {strides = array<i32>} : memref<80x208xf32, #tpu.memory_space<vmem>>, vector<16xf32>,
        tpu.vector_store %arg12[%swap3A_285, %swap3A_286], %mul3A_284 {strides = array<i32>} : memref<80x208xf32, #tpu.memory_space<vmem>>, vector<16xf32>,
        %get3A_288 = arith.index_cast %scan3A_205 : i32 to index
        %get3A_289 = arith.constant 160 : index
        %get3A_290 = tpu.vector_load %arg12[%get3A_288, %get3A_289] {strides = array<i32>} : memref<80x208xf32, #tpu.memory_space<vmem>>, vector<16xf32>,
        %mul3A_291 = vector.broadcast %squeeze3A : f32 to vector<16xf32>
        %mul3A_292 = arith.mulf %get3A_290, %mul3A_291 : vector<16xf32>
        %swap3A_293 = arith.index_cast %scan3A_205 : i32 to index
        %swap3A_294 = arith.constant 160 : index
        %swap3A_295 = tpu.vector_load %arg12[%swap3A_293, %swap3A_294] {strides = array<i32>} : memref<80x208xf32, #tpu.memory_space<vmem>>, vector<16xf32>,
        tpu.vector_store %arg12[%swap3A_293, %swap3A_294], %mul3A_292 {strides = array<i32>} : memref<80x208xf32, #tpu.memory_space<vmem>>, vector<16xf32>,
        %get3A_296 = arith.index_cast %scan3A_205 : i32 to index
        %get3A_297 = arith.constant 176 : index
        %get3A_298 = tpu.vector_load %arg12[%get3A_296, %get3A_297] {strides = array<i32>} : memref<80x208xf32, #tpu.memory_space<vmem>>, vector<16xf32>,
        %mul3A_299 = vector.broadcast %squeeze3A : f32 to vector<16xf32>
        %mul3A_300 = arith.mulf %get3A_298, %mul3A_299 : vector<16xf32>
        %swap3A_301 = arith.index_cast %scan3A_205 : i32 to index
        %swap3A_302 = arith.constant 176 : index
        %swap3A_303 = tpu.vector_load %arg12[%swap3A_301, %swap3A_302] {strides = array<i32>} : memref<80x208xf32, #tpu.memory_space<vmem>>, vector<16xf32>,
        tpu.vector_store %arg12[%swap3A_301, %swap3A_302], %mul3A_300 {strides = array<i32>} : memref<80x208xf32, #tpu.memory_space<vmem>>, vector<16xf32>,
        %iota3A = tpu.iota {dimensions = array<i32: 0>} : vector<16xi32>
        %eq3A_304 = arith.constant 8 : i32
        %eq3A_305 = vector.broadcast %eq3A_304 : i32 to vector<16xi32>
        %eq3A_306 = arith.cmpi eq, %iota3A, %eq3A_305 : vector<16xi32>
        %get3A_307 = arith.index_cast %scan3A_205 : i32 to index
        %get3A_308 = arith.constant 192 : index
        %get3A_309 = tpu.vector_load %arg12[%get3A_307, %get3A_308] {strides = array<i32>} : memref<80x208xf32, #tpu.memory_space<vmem>>, vector<16xf32>,
        %mul3A_310 = vector.broadcast %squeeze3A : f32 to vector<16xf32>
        %mul3A_311 = arith.mulf %get3A_309, %mul3A_310 : vector<16xf32>
        %broadcast_in_dim3A_312 = vector.broadcast %squeeze3A : f32 to vector<16xf32>
        %select_n3A_313 = arith.select %eq3A_306, %broadcast_in_dim3A_312, %mul3A_311 : vector<16xi1>, vector<16xf32>
        %swap3A_314 = arith.index_cast %scan3A_205 : i32 to index
        %swap3A_315 = arith.constant 192 : index
        %swap3A_316 = tpu.vector_load %arg12[%swap3A_314, %swap3A_315] {strides = array<i32>} : memref<80x208xf32, #tpu.memory_space<vmem>>, vector<16xf32>,
        tpu.vector_store %arg12[%swap3A_314, %swap3A_315], %select_n3A_313 {strides = array<i32>} : memref<80x208xf32, #tpu.memory_space<vmem>>, vector<16xf32>,
      }
      %scan3A_204 = arith.constant 80 : i32
      "tpu.region"() ({
        %run_scoped3A = tpu.sem_alloc : memref<!tpu.dma_semaphore, #tpu.memory_space<semaphore_mem>>
        %dma_start3A_205 = arith.constant 0 : i32
        %dma_start3A_206 = arith.constant 0 : i32
        %dma_start3A_207 = tpu.memref_slice %arg16[%dma_start3A_205, %dma_start3A_206] : memref<5008x208xf32, #tpu.memory_space<vmem_shared>> -> memref<5008x208xf32, #tpu.memory_space<vmem_shared>>
        tpu.enqueue_indirect_dma source(%arg12 : memref<80x208xf32, #tpu.memory_space<vmem>>) target(%dma_start3A_207 : memref<5008x208xf32, #tpu.memory_space<vmem_shared>>) offsets(%arg11 : memref<80xi32, #tpu.memory_space<vmem>>) semaphore(%run_scoped3A : memref<!tpu.dma_semaphore, #tpu.memory_space<semaphore_mem>>) {add = true}
        %dma_wait3A_208 = arith.constant 0 : i32
        %dma_wait3A_209 = arith.constant 0 : i32
        %dma_wait3A_210 = tpu.memref_slice %arg16[%dma_wait3A_208, %dma_wait3A_209] : memref<5008x208xf32, #tpu.memory_space<vmem_shared>> -> memref<5008x208xf32, #tpu.memory_space<vmem_shared>>
        tpu.wait_indirect_dma semaphore(%run_scoped3A : memref<!tpu.dma_semaphore, #tpu.memory_space<semaphore_mem>>) src(%arg12 : memref<80x208xf32, #tpu.memory_space<vmem>>) dst(%dma_wait3A_210 : memref<5008x208xf32, #tpu.memory_space<vmem_shared>>)
        tpu.yield
      }) : () -> ()
    }
    %scan3A_16 = arith.constant 250 : i32
    %barrier3A_17 = arith.constant 0 : index
    tpu.barrier barrier_id(%barrier3A_17)
    %mul3A_18 = arith.constant 312 : i32
    %mul3A_19 = arith.muli %arg1, %mul3A_18 : i32
    %add3A_20 = arith.constant 0 : i32
    %add3A_21 = arith.addi %mul3A_19, %add3A_20 : i32
    "tpu.region"() ({
      %run_scoped3A = tpu.sem_alloc : memref<!tpu.dma_semaphore, #tpu.memory_space<semaphore_mem>>
      %dma_start3A = arith.constant 0 : i32
      %dma_start3A_35 = tpu.memref_slice %arg8[%arg0, %add3A_21, %dma_start3A] : memref<2x5000x208xf32, #tpu.memory_space<hbm>> -> memref<1x104x208xf32, #tpu.memory_space<hbm>>
      %dma_start3A_36 = tpu.memref_squeeze %dma_start3A_35 : memref<1x104x208xf32, #tpu.memory_space<hbm>> -> memref<104x208xf32, #tpu.memory_space<hbm>>
      %dma_start3A_37 = arith.constant 0 : i32
      %dma_start3A_38 = tpu.memref_slice %arg16[%add3A_21, %dma_start3A_37] : memref<5008x208xf32, #tpu.memory_space<vmem_shared>> -> memref<104x208xf32, #tpu.memory_space<vmem_shared>>
      tpu.enqueue_dma source(%dma_start3A_38 : memref<104x208xf32, #tpu.memory_space<vmem_shared>>) target(%dma_start3A_36 : memref<104x208xf32, #tpu.memory_space<hbm>>) target_semaphore(%run_scoped3A : memref<!tpu.dma_semaphore, #tpu.memory_space<semaphore_mem>>)
      %dma_wait3A = arith.constant 0 : i32
      %dma_wait3A_39 = tpu.memref_slice %arg8[%arg0, %add3A_21, %dma_wait3A] : memref<2x5000x208xf32, #tpu.memory_space<hbm>> -> memref<1x104x208xf32, #tpu.memory_space<hbm>>
      %dma_wait3A_40 = tpu.memref_squeeze %dma_wait3A_39 : memref<1x104x208xf32, #tpu.memory_space<hbm>> -> memref<104x208xf32, #tpu.memory_space<hbm>>
      %dma_wait3A_41 = arith.constant 0 : i32
      %dma_wait3A_42 = tpu.memref_slice %arg16[%add3A_21, %dma_wait3A_41] : memref<5008x208xf32, #tpu.memory_space<vmem_shared>> -> memref<104x208xf32, #tpu.memory_space<vmem_shared>>
      tpu.wait_dma2 semaphore(%run_scoped3A : memref<!tpu.dma_semaphore, #tpu.memory_space<semaphore_mem>>) src(%dma_wait3A_42 : memref<104x208xf32, #tpu.memory_space<vmem_shared>>) dst(%dma_wait3A_40 : memref<104x208xf32, #tpu.memory_space<hbm>>)
      tpu.yield
    }) : () -> ()
    %mul3A_22 = arith.constant 312 : i32
    %mul3A_23 = arith.muli %arg1, %mul3A_22 : i32
    %add3A_24 = arith.constant 104 : i32
    %add3A_25 = arith.addi %mul3A_23, %add3A_24 : i32
    "tpu.region"() ({
      %run_scoped3A = tpu.sem_alloc : memref<!tpu.dma_semaphore, #tpu.memory_space<semaphore_mem>>
      %dma_start3A = arith.constant 0 : i32
      %dma_start3A_35 = tpu.memref_slice %arg8[%arg0, %add3A_25, %dma_start3A] : memref<2x5000x208xf32, #tpu.memory_space<hbm>> -> memref<1x104x208xf32, #tpu.memory_space<hbm>>
      %dma_start3A_36 = tpu.memref_squeeze %dma_start3A_35 : memref<1x104x208xf32, #tpu.memory_space<hbm>> -> memref<104x208xf32, #tpu.memory_space<hbm>>
      %dma_start3A_37 = arith.constant 0 : i32
      %dma_start3A_38 = tpu.memref_slice %arg16[%add3A_25, %dma_start3A_37] : memref<5008x208xf32, #tpu.memory_space<vmem_shared>> -> memref<104x208xf32, #tpu.memory_space<vmem_shared>>
      tpu.enqueue_dma source(%dma_start3A_38 : memref<104x208xf32, #tpu.memory_space<vmem_shared>>) target(%dma_start3A_36 : memref<104x208xf32, #tpu.memory_space<hbm>>) target_semaphore(%run_scoped3A : memref<!tpu.dma_semaphore, #tpu.memory_space<semaphore_mem>>)
      %dma_wait3A = arith.constant 0 : i32
      %dma_wait3A_39 = tpu.memref_slice %arg8[%arg0, %add3A_25, %dma_wait3A] : memref<2x5000x208xf32, #tpu.memory_space<hbm>> -> memref<1x104x208xf32, #tpu.memory_space<hbm>>
      %dma_wait3A_40 = tpu.memref_squeeze %dma_wait3A_39 : memref<1x104x208xf32, #tpu.memory_space<hbm>> -> memref<104x208xf32, #tpu.memory_space<hbm>>
      %dma_wait3A_41 = arith.constant 0 : i32
      %dma_wait3A_42 = tpu.memref_slice %arg16[%add3A_25, %dma_wait3A_41] : memref<5008x208xf32, #tpu.memory_space<vmem_shared>> -> memref<104x208xf32, #tpu.memory_space<vmem_shared>>
      tpu.wait_dma2 semaphore(%run_scoped3A : memref<!tpu.dma_semaphore, #tpu.memory_space<semaphore_mem>>) src(%dma_wait3A_42 : memref<104x208xf32, #tpu.memory_space<vmem_shared>>) dst(%dma_wait3A_40 : memref<104x208xf32, #tpu.memory_space<hbm>>)
      tpu.yield
    }) : () -> ()
    %mul3A_26 = arith.constant 312 : i32
    %mul3A_27 = arith.muli %arg1, %mul3A_26 : i32
    %add3A_28 = arith.constant 208 : i32
    %add3A_29 = arith.addi %mul3A_27, %add3A_28 : i32
    "tpu.region"() ({
      %run_scoped3A = tpu.sem_alloc : memref<!tpu.dma_semaphore, #tpu.memory_space<semaphore_mem>>
      %dma_start3A = arith.constant 0 : i32
      %dma_start3A_35 = tpu.memref_slice %arg8[%arg0, %add3A_29, %dma_start3A] : memref<2x5000x208xf32, #tpu.memory_space<hbm>> -> memref<1x104x208xf32, #tpu.memory_space<hbm>>
      %dma_start3A_36 = tpu.memref_squeeze %dma_start3A_35 : memref<1x104x208xf32, #tpu.memory_space<hbm>> -> memref<104x208xf32, #tpu.memory_space<hbm>>
      %dma_start3A_37 = arith.constant 0 : i32
      %dma_start3A_38 = tpu.memref_slice %arg16[%add3A_29, %dma_start3A_37] : memref<5008x208xf32, #tpu.memory_space<vmem_shared>> -> memref<104x208xf32, #tpu.memory_space<vmem_shared>>
      tpu.enqueue_dma source(%dma_start3A_38 : memref<104x208xf32, #tpu.memory_space<vmem_shared>>) target(%dma_start3A_36 : memref<104x208xf32, #tpu.memory_space<hbm>>) target_semaphore(%run_scoped3A : memref<!tpu.dma_semaphore, #tpu.memory_space<semaphore_mem>>)
      %dma_wait3A = arith.constant 0 : i32
      %dma_wait3A_39 = tpu.memref_slice %arg8[%arg0, %add3A_29, %dma_wait3A] : memref<2x5000x208xf32, #tpu.memory_space<hbm>> -> memref<1x104x208xf32, #tpu.memory_space<hbm>>
      %dma_wait3A_40 = tpu.memref_squeeze %dma_wait3A_39 : memref<1x104x208xf32, #tpu.memory_space<hbm>> -> memref<104x208xf32, #tpu.memory_space<hbm>>
      %dma_wait3A_41 = arith.constant 0 : i32
      %dma_wait3A_42 = tpu.memref_slice %arg16[%add3A_29, %dma_wait3A_41] : memref<5008x208xf32, #tpu.memory_space<vmem_shared>> -> memref<104x208xf32, #tpu.memory_space<vmem_shared>>
      tpu.wait_dma2 semaphore(%run_scoped3A : memref<!tpu.dma_semaphore, #tpu.memory_space<semaphore_mem>>) src(%dma_wait3A_42 : memref<104x208xf32, #tpu.memory_space<vmem_shared>>) dst(%dma_wait3A_40 : memref<104x208xf32, #tpu.memory_space<hbm>>)
      tpu.yield
    }) : () -> ()
    %eq3A_30 = arith.constant 15 : i32
    %eq3A_31 = arith.cmpi eq, %arg1, %eq3A_30 : i32
    %convert_element_type3A_32 = arith.extui %eq3A_31 : i1 to i32
    %cond3A_33 = arith.constant 0 : i32
    %cond3A_34 = arith.cmpi ne, %convert_element_type3A_32, %cond3A_33 : i32
    scf.if %cond3A_34 {
      "tpu.region"() ({
        %run_scoped3A = tpu.sem_alloc : memref<!tpu.dma_semaphore, #tpu.memory_space<semaphore_mem>>
        %dma_start3A = arith.constant 4992 : i32
        %dma_start3A_35 = arith.constant 0 : i32
        %dma_start3A_36 = tpu.memref_slice %arg8[%arg0, %dma_start3A, %dma_start3A_35] : memref<2x5000x208xf32, #tpu.memory_space<hbm>> -> memref<1x8x208xf32, #tpu.memory_space<hbm>>
        %dma_start3A_37 = tpu.memref_squeeze %dma_start3A_36 : memref<1x8x208xf32, #tpu.memory_space<hbm>> -> memref<8x208xf32, #tpu.memory_space<hbm>>
        %dma_start3A_38 = arith.constant 4992 : i32
        %dma_start3A_39 = arith.constant 0 : i32
        %dma_start3A_40 = tpu.memref_slice %arg16[%dma_start3A_38, %dma_start3A_39] : memref<5008x208xf32, #tpu.memory_space<vmem_shared>> -> memref<8x208xf32, #tpu.memory_space<vmem_shared>>
        tpu.enqueue_dma source(%dma_start3A_40 : memref<8x208xf32, #tpu.memory_space<vmem_shared>>) target(%dma_start3A_37 : memref<8x208xf32, #tpu.memory_space<hbm>>) target_semaphore(%run_scoped3A : memref<!tpu.dma_semaphore, #tpu.memory_space<semaphore_mem>>)
        %dma_wait3A = arith.constant 4992 : i32
        %dma_wait3A_41 = arith.constant 0 : i32
        %dma_wait3A_42 = tpu.memref_slice %arg8[%arg0, %dma_wait3A, %dma_wait3A_41] : memref<2x5000x208xf32, #tpu.memory_space<hbm>> -> memref<1x8x208xf32, #tpu.memory_space<hbm>>
        %dma_wait3A_43 = tpu.memref_squeeze %dma_wait3A_42 : memref<1x8x208xf32, #tpu.memory_space<hbm>> -> memref<8x208xf32, #tpu.memory_space<hbm>>
        %dma_wait3A_44 = arith.constant 4992 : i32
        %dma_wait3A_45 = arith.constant 0 : i32
        %dma_wait3A_46 = tpu.memref_slice %arg16[%dma_wait3A_44, %dma_wait3A_45] : memref<5008x208xf32, #tpu.memory_space<vmem_shared>> -> memref<8x208xf32, #tpu.memory_space<vmem_shared>>
        tpu.wait_dma2 semaphore(%run_scoped3A : memref<!tpu.dma_semaphore, #tpu.memory_space<semaphore_mem>>) src(%dma_wait3A_46 : memref<8x208xf32, #tpu.memory_space<vmem_shared>>) dst(%dma_wait3A_43 : memref<8x208xf32, #tpu.memory_space<hbm>>)
        tpu.yield
      }) : () -> ()
    } else {
    }
    return
  }
}

module attributes {stable_mosaic.version = 14 : i64} {
  func.func @_k1_body(%arg0: i32, %arg1: memref<400x128xf32, #tpu.memory_space<vmem>>, %arg2: memref<128x200xf32, #tpu.memory_space<vmem>>, %arg3: memref<1x200xf32, #tpu.memory_space<vmem>>, %arg4: memref<128x208xf32, #tpu.memory_space<vmem>>, %arg5: memref<1x208xf32, #tpu.memory_space<vmem>>, %arg6: memref<200x1xf32, #tpu.memory_space<vmem>>, %arg7: memref<1x1xf32, #tpu.memory_space<vmem>>, %arg8: memref<400x200xf32, #tpu.memory_space<vmem>>, %arg9: memref<400x208xf32, #tpu.memory_space<vmem>>, %arg10: memref<400x1xf32, #tpu.memory_space<vmem>>) attributes {dimension_semantics = [#tpu.dimension_semantics<arbitrary>], iteration_bounds = array<i64: 25>, scalar_prefetch = 0 : i64, scratch_operands = 0 : i64, tpu.core_type = #tpu.core_type<tc>, window_params = [{transform_indices = @transform_0, window_bounds = array<i64: 400, 128>}, {pipeline_mode = #tpu.pipeline_mode<synchronous>, transform_indices = @transform_1, window_bounds = array<i64: 128, 200>}, {pipeline_mode = #tpu.pipeline_mode<synchronous>, transform_indices = @transform_2, window_bounds = array<i64: 1, 200>}, {pipeline_mode = #tpu.pipeline_mode<synchronous>, transform_indices = @transform_3, window_bounds = array<i64: 128, 208>}, {pipeline_mode = #tpu.pipeline_mode<synchronous>, transform_indices = @transform_4, window_bounds = array<i64: 1, 208>}, {pipeline_mode = #tpu.pipeline_mode<synchronous>, transform_indices = @transform_5, window_bounds = array<i64: 200, 1>}, {pipeline_mode = #tpu.pipeline_mode<synchronous>, transform_indices = @transform_6, window_bounds = array<i64: 1, 1>}, {transform_indices = @transform_7, window_bounds = array<i64: 400, 200>}, {transform_indices = @transform_8, window_bounds = array<i64: 400, 208>}, {transform_indices = @transform_9, window_bounds = array<i64: 400, 1>}]} {
    %get3A = arith.constant 0 : index
    %get3A_0 = arith.constant 0 : index
    %get3A_1 = vector.load %arg1[%get3A, %get3A_0] : memref<400x128xf32, #tpu.memory_space<vmem>>, vector<400x128xf32>
    %get3A_2 = arith.constant 0 : index
    %get3A_3 = arith.constant 0 : index
    %get3A_4 = vector.load %arg2[%get3A_2, %get3A_3] : memref<128x200xf32, #tpu.memory_space<vmem>>, vector<128x200xf32>
    %dot_general3A = arith.constant dense<0.000000e+00> : vector<400x200xf32>
    %dot_general3A_5 = tpu.matmul %get3A_1, %get3A_4, %dot_general3A {dimension_numbers = #tpu.dot_dimension_numbers<[1], [0], [0], [1], [0, 0, 1, 1], [], []>, precision = #tpu.contract_precision<fp32>, transpose_lhs_hint = false} : vector<400x128xf32>, vector<128x200xf32>, vector<400x200xf32> -> vector<400x200xf32>
    %get3A_6 = arith.constant 0 : index
    %get3A_7 = arith.constant 0 : index
    %get3A_8 = vector.load %arg3[%get3A_6, %get3A_7] : memref<1x200xf32, #tpu.memory_space<vmem>>, vector<1x200xf32>
    %add3A = vector.broadcast %get3A_8 : vector<1x200xf32> to vector<400x200xf32>
    %add3A_9 = arith.addf %dot_general3A_5, %add3A : vector<400x200xf32>
    %ge3A = arith.constant 0.000000e+00 : f32
    %ge3A_10 = vector.broadcast %ge3A : f32 to vector<400x200xf32>
    %ge3A_11 = arith.cmpf oge, %add3A_9, %ge3A_10 : vector<400x200xf32>
    %mul3A = arith.constant 0.00999999977 : f32
    %mul3A_12 = vector.broadcast %mul3A : f32 to vector<400x200xf32>
    %mul3A_13 = arith.mulf %mul3A_12, %add3A_9 : vector<400x200xf32>
    %select_n3A = arith.select %ge3A_11, %add3A_9, %mul3A_13 : vector<400x200xi1>, vector<400x200xf32>
    %swap3A = arith.constant 0 : index
    %swap3A_14 = arith.constant 0 : index
    %swap3A_15 = vector.load %arg8[%swap3A, %swap3A_14] : memref<400x200xf32, #tpu.memory_space<vmem>>, vector<400x200xf32>
    tpu.vector_store %arg8[%swap3A, %swap3A_14], %select_n3A {strides = array<i32>} : memref<400x200xf32, #tpu.memory_space<vmem>>, vector<400x200xf32>,
    %get3A_16 = arith.constant 0 : index
    %get3A_17 = arith.constant 0 : index
    %get3A_18 = vector.load %arg4[%get3A_16, %get3A_17] : memref<128x208xf32, #tpu.memory_space<vmem>>, vector<128x208xf32>
    %dot_general3A_19 = arith.constant dense<0.000000e+00> : vector<400x208xf32>
    %dot_general3A_20 = tpu.matmul %get3A_1, %get3A_18, %dot_general3A_19 {dimension_numbers = #tpu.dot_dimension_numbers<[1], [0], [0], [1], [0, 0, 1, 1], [], []>, precision = #tpu.contract_precision<fp32>, transpose_lhs_hint = false} : vector<400x128xf32>, vector<128x208xf32>, vector<400x208xf32> -> vector<400x208xf32>
    %get3A_21 = arith.constant 0 : index
    %get3A_22 = arith.constant 0 : index
    %get3A_23 = vector.load %arg5[%get3A_21, %get3A_22] : memref<1x208xf32, #tpu.memory_space<vmem>>, vector<1x208xf32>
    %add3A_24 = vector.broadcast %get3A_23 : vector<1x208xf32> to vector<400x208xf32>
    %add3A_25 = arith.addf %dot_general3A_20, %add3A_24 : vector<400x208xf32>
    %swap3A_26 = arith.constant 0 : index
    %swap3A_27 = arith.constant 0 : index
    %swap3A_28 = vector.load %arg9[%swap3A_26, %swap3A_27] : memref<400x208xf32, #tpu.memory_space<vmem>>, vector<400x208xf32>
    tpu.vector_store %arg9[%swap3A_26, %swap3A_27], %add3A_25 {strides = array<i32>} : memref<400x208xf32, #tpu.memory_space<vmem>>, vector<400x208xf32>,
    %get3A_29 = arith.constant 0 : index
    %get3A_30 = arith.constant 0 : index
    %get3A_31 = vector.load %arg6[%get3A_29, %get3A_30] : memref<200x1xf32, #tpu.memory_space<vmem>>, vector<200x1xf32>
    %dot_general3A_32 = arith.constant dense<0.000000e+00> : vector<400x1xf32>
    %dot_general3A_33 = tpu.matmul %select_n3A, %get3A_31, %dot_general3A_32 {dimension_numbers = #tpu.dot_dimension_numbers<[1], [0], [0], [1], [0, 0, 1, 1], [], []>, precision = #tpu.contract_precision<fp32>, transpose_lhs_hint = false} : vector<400x200xf32>, vector<200x1xf32>, vector<400x1xf32> -> vector<400x1xf32>
    %get3A_34 = arith.constant 0 : index
    %get3A_35 = arith.constant 0 : index
    %get3A_36 = vector.load %arg7[%get3A_34, %get3A_35] : memref<1x1xf32, #tpu.memory_space<vmem>>, vector<1x1xf32>
    %get3A_37 = vector.extract %get3A_36[0, 0] : f32 from vector<1x1xf32>
    %add3A_38 = vector.broadcast %get3A_37 : f32 to vector<400x1xf32>
    %add3A_39 = arith.addf %dot_general3A_33, %add3A_38 : vector<400x1xf32>
    %swap3A_40 = arith.constant 0 : index
    %swap3A_41 = arith.constant 0 : index
    %swap3A_42 = vector.load %arg10[%swap3A_40, %swap3A_41] : memref<400x1xf32, #tpu.memory_space<vmem>>, vector<400x1xf32>
    tpu.vector_store %arg10[%swap3A_40, %swap3A_41], %add3A_39 {strides = array<i32>} : memref<400x1xf32, #tpu.memory_space<vmem>>, vector<400x1xf32>,
    return
  }
  func.func @transform_0(%arg0: i32) -> (i32, i32) {
    %c0_i32 = arith.constant 0 : i32
    %c0_i32_0 = arith.constant 0 : i32
    return %arg0, %c0_i32 : i32, i32
  }
  func.func @transform_1(%arg0: i32) -> (i32, i32) {
    %c0_i32 = arith.constant 0 : i32
    %c0_i32_0 = arith.constant 0 : i32
    %c0_i32_1 = arith.constant 0 : i32
    return %c0_i32, %c0_i32_0 : i32, i32
  }
  func.func @transform_2(%arg0: i32) -> (i32, i32) {
    %c0_i32 = arith.constant 0 : i32
    %c0_i32_0 = arith.constant 0 : i32
    %c0_i32_1 = arith.constant 0 : i32
    return %c0_i32, %c0_i32_0 : i32, i32
  }
  func.func @transform_3(%arg0: i32) -> (i32, i32) {
    %c0_i32 = arith.constant 0 : i32
    %c0_i32_0 = arith.constant 0 : i32
    %c0_i32_1 = arith.constant 0 : i32
    return %c0_i32, %c0_i32_0 : i32, i32
  }
  func.func @transform_4(%arg0: i32) -> (i32, i32) {
    %c0_i32 = arith.constant 0 : i32
    %c0_i32_0 = arith.constant 0 : i32
    %c0_i32_1 = arith.constant 0 : i32
    return %c0_i32, %c0_i32_0 : i32, i32
  }
  func.func @transform_5(%arg0: i32) -> (i32, i32) {
    %c0_i32 = arith.constant 0 : i32
    %c0_i32_0 = arith.constant 0 : i32
    %c0_i32_1 = arith.constant 0 : i32
    return %c0_i32, %c0_i32_0 : i32, i32
  }
  func.func @transform_6(%arg0: i32) -> (i32, i32) {
    %c0_i32 = arith.constant 0 : i32
    %c0_i32_0 = arith.constant 0 : i32
    %c0_i32_1 = arith.constant 0 : i32
    return %c0_i32, %c0_i32_0 : i32, i32
  }
  func.func @transform_7(%arg0: i32) -> (i32, i32) {
    %c0_i32 = arith.constant 0 : i32
    %c0_i32_0 = arith.constant 0 : i32
    return %arg0, %c0_i32 : i32, i32
  }
  func.func @transform_8(%arg0: i32) -> (i32, i32) {
    %c0_i32 = arith.constant 0 : i32
    %c0_i32_0 = arith.constant 0 : i32
    return %arg0, %c0_i32 : i32, i32
  }
  func.func @transform_9(%arg0: i32) -> (i32, i32) {
    %c0_i32 = arith.constant 0 : i32
    %c0_i32_0 = arith.constant 0 : i32
    return %arg0, %c0_i32 : i32, i32
  }
}

module attributes {stable_mosaic.version = 14 : i64} {
  func.func @_k2_body(%arg0: i32, %arg1: memref<4000x16xf32, #tpu.memory_space<vmem>>, %arg2: memref<16x208xf32, #tpu.memory_space<vmem>>, %arg3: memref<4000x208xf32, #tpu.memory_space<vmem>>) attributes {dimension_semantics = [#tpu.dimension_semantics<arbitrary>], iteration_bounds = array<i64: 80>, scalar_prefetch = 0 : i64, scratch_operands = 0 : i64, tpu.core_type = #tpu.core_type<tc>, window_params = [{transform_indices = @transform_0, window_bounds = array<i64: 4000, 16>}, {pipeline_mode = #tpu.pipeline_mode<synchronous>, transform_indices = @transform_1, window_bounds = array<i64: 16, 208>}, {transform_indices = @transform_2, window_bounds = array<i64: 4000, 208>}]} {
    %get3A = arith.constant 0 : index
    %get3A_0 = arith.constant 0 : index
    %get3A_1 = vector.load %arg1[%get3A, %get3A_0] : memref<4000x16xf32, #tpu.memory_space<vmem>>, vector<4000x16xf32>
    %get3A_2 = arith.constant 0 : index
    %get3A_3 = arith.constant 0 : index
    %get3A_4 = vector.load %arg2[%get3A_2, %get3A_3] : memref<16x208xf32, #tpu.memory_space<vmem>>, vector<16x208xf32>
    %dot_general3A = arith.constant dense<0.000000e+00> : vector<4000x208xf32>
    %dot_general3A_5 = tpu.matmul %get3A_1, %get3A_4, %dot_general3A {dimension_numbers = #tpu.dot_dimension_numbers<[1], [0], [0], [1], [0, 0, 1, 1], [], []>, precision = #tpu.contract_precision<fp32>, transpose_lhs_hint = false} : vector<4000x16xf32>, vector<16x208xf32>, vector<4000x208xf32> -> vector<4000x208xf32>
    %swap3A = arith.constant 0 : index
    %swap3A_6 = arith.constant 0 : index
    %swap3A_7 = vector.load %arg3[%swap3A, %swap3A_6] : memref<4000x208xf32, #tpu.memory_space<vmem>>, vector<4000x208xf32>
    tpu.vector_store %arg3[%swap3A, %swap3A_6], %dot_general3A_5 {strides = array<i32>} : memref<4000x208xf32, #tpu.memory_space<vmem>>, vector<4000x208xf32>,
    return
  }
  func.func @transform_0(%arg0: i32) -> (i32, i32) {
    %c0_i32 = arith.constant 0 : i32
    %c0_i32_0 = arith.constant 0 : i32
    return %arg0, %c0_i32 : i32, i32
  }
  func.func @transform_1(%arg0: i32) -> (i32, i32) {
    %c0_i32 = arith.constant 0 : i32
    %c0_i32_0 = arith.constant 0 : i32
    %c0_i32_1 = arith.constant 0 : i32
    return %c0_i32, %c0_i32_0 : i32, i32
  }
  func.func @transform_2(%arg0: i32) -> (i32, i32) {
    %c0_i32 = arith.constant 0 : i32
    %c0_i32_0 = arith.constant 0 : i32
    return %arg0, %c0_i32 : i32, i32
  }
}

module attributes {stable_mosaic.version = 14 : i64} {
  func.func @_k3_body(%arg0: i32, %arg1: memref<400x208xf32, #tpu.memory_space<vmem>>, %arg2: memref<400x200xf32, #tpu.memory_space<vmem>>, %arg3: memref<200x200xf32, #tpu.memory_space<vmem>>, %arg4: memref<1x200xf32, #tpu.memory_space<vmem>>, %arg5: memref<200x600xf32, #tpu.memory_space<vmem>>, %arg6: memref<200x600xf32, #tpu.memory_space<vmem>>, %arg7: memref<1x600xf32, #tpu.memory_space<vmem>>, %arg8: memref<1x600xf32, #tpu.memory_space<vmem>>, %arg9: memref<200x2xf32, #tpu.memory_space<vmem>>, %arg10: memref<1x1xf32, #tpu.memory_space<vmem>>, %arg11: memref<200x208xf32, #tpu.memory_space<vmem>>, %arg12: memref<1x208xf32, #tpu.memory_space<vmem>>, %arg13: memref<400x200xf32, #tpu.memory_space<vmem>>, %arg14: memref<400x1xf32, #tpu.memory_space<vmem>>, %arg15: memref<400x1xf32, #tpu.memory_space<vmem>>, %arg16: memref<400x208xf32, #tpu.memory_space<vmem>>) attributes {dimension_semantics = [#tpu.dimension_semantics<arbitrary>], iteration_bounds = array<i64: 25>, scalar_prefetch = 0 : i64, scratch_operands = 0 : i64, tpu.core_type = #tpu.core_type<tc>, window_params = [{transform_indices = @transform_0, window_bounds = array<i64: 400, 208>}, {transform_indices = @transform_1, window_bounds = array<i64: 400, 200>}, {pipeline_mode = #tpu.pipeline_mode<synchronous>, transform_indices = @transform_2, window_bounds = array<i64: 200, 200>}, {pipeline_mode = #tpu.pipeline_mode<synchronous>, transform_indices = @transform_3, window_bounds = array<i64: 1, 200>}, {pipeline_mode = #tpu.pipeline_mode<synchronous>, transform_indices = @transform_4, window_bounds = array<i64: 200, 600>}, {pipeline_mode = #tpu.pipeline_mode<synchronous>, transform_indices = @transform_5, window_bounds = array<i64: 200, 600>}, {pipeline_mode = #tpu.pipeline_mode<synchronous>, transform_indices = @transform_6, window_bounds = array<i64: 1, 600>}, {pipeline_mode = #tpu.pipeline_mode<synchronous>, transform_indices = @transform_7, window_bounds = array<i64: 1, 600>}, {pipeline_mode = #tpu.pipeline_mode<synchronous>, transform_indices = @transform_8, window_bounds = array<i64: 200, 2>}, {pipeline_mode = #tpu.pipeline_mode<synchronous>, transform_indices = @transform_9, window_bounds = array<i64: 1, 1>}, {pipeline_mode = #tpu.pipeline_mode<synchronous>, transform_indices = @transform_10, window_bounds = array<i64: 200, 208>}, {pipeline_mode = #tpu.pipeline_mode<synchronous>, transform_indices = @transform_11, window_bounds = array<i64: 1, 208>}, {transform_indices = @transform_12, window_bounds = array<i64: 400, 200>}, {transform_indices = @transform_13, window_bounds = array<i64: 400, 1>}, {transform_indices = @transform_14, window_bounds = array<i64: 400, 1>}, {transform_indices = @transform_15, window_bounds = array<i64: 400, 208>}]} {
    %get3A = arith.constant 0 : index
    %get3A_0 = arith.constant 0 : index
    %get3A_1 = vector.load %arg1[%get3A, %get3A_0] : memref<400x208xf32, #tpu.memory_space<vmem>>, vector<400x208xf32>
    %slice3A = vector.extract_strided_slice %get3A_1 {offsets = [0, 0], sizes = [400, 200], strides = [1, 1]} : vector<400x208xf32> to vector<400x200xf32>
    %slice3A_2 = vector.extract_strided_slice %get3A_1 {offsets = [0, 200], sizes = [400, 1], strides = [1, 1]} : vector<400x208xf32> to vector<400x1xf32>
    %add3A = arith.constant 9.99999996E-13 : f32
    %add3A_3 = vector.broadcast %add3A : f32 to vector<400x1xf32>
    %add3A_4 = arith.addf %slice3A_2, %add3A_3 : vector<400x1xf32>
    %div3A = arith.constant 1.000000e+00 : f32
    %div3A_5 = vector.broadcast %div3A : f32 to vector<400x1xf32>
    %div3A_6 = arith.divf %div3A_5, %add3A_4 : vector<400x1xf32>
    %mul3A = vector.broadcast %div3A_6 : vector<400x1xf32> to vector<400x200xf32>
    %mul3A_7 = arith.mulf %slice3A, %mul3A : vector<400x200xf32>
    %get3A_8 = arith.constant 0 : index
    %get3A_9 = arith.constant 0 : index
    %get3A_10 = vector.load %arg3[%get3A_8, %get3A_9] : memref<200x200xf32, #tpu.memory_space<vmem>>, vector<200x200xf32>
    %dot_general3A = arith.constant dense<0.000000e+00> : vector<400x200xf32>
    %dot_general3A_11 = tpu.matmul %mul3A_7, %get3A_10, %dot_general3A {dimension_numbers = #tpu.dot_dimension_numbers<[1], [0], [0], [1], [0, 0, 1, 1], [], []>, precision = #tpu.contract_precision<fp32>, transpose_lhs_hint = false} : vector<400x200xf32>, vector<200x200xf32>, vector<400x200xf32> -> vector<400x200xf32>
    %mul3A_12 = arith.mulf %slice3A_2, %div3A_6 : vector<400x1xf32>
    %get3A_13 = arith.constant 0 : index
    %get3A_14 = arith.constant 0 : index
    %get3A_15 = vector.load %arg4[%get3A_13, %get3A_14] : memref<1x200xf32, #tpu.memory_space<vmem>>, vector<1x200xf32>
    %mul3A_16 = vector.broadcast %mul3A_12 : vector<400x1xf32> to vector<400x200xf32>
    %mul3A_17 = vector.broadcast %get3A_15 : vector<1x200xf32> to vector<400x200xf32>
    %mul3A_18 = arith.mulf %mul3A_16, %mul3A_17 : vector<400x200xf32>
    %add3A_19 = arith.addf %dot_general3A_11, %mul3A_18 : vector<400x200xf32>
    %get3A_20 = arith.constant 0 : index
    %get3A_21 = arith.constant 0 : index
    %get3A_22 = vector.load %arg2[%get3A_20, %get3A_21] : memref<400x200xf32, #tpu.memory_space<vmem>>, vector<400x200xf32>
    %get3A_23 = arith.constant 0 : index
    %get3A_24 = arith.constant 0 : index
    %get3A_25 = vector.load %arg5[%get3A_23, %get3A_24] : memref<200x600xf32, #tpu.memory_space<vmem>>, vector<200x600xf32>
    %get3A_26 = arith.constant 0 : index
    %get3A_27 = arith.constant 0 : index
    %get3A_28 = vector.load %arg6[%get3A_26, %get3A_27] : memref<200x600xf32, #tpu.memory_space<vmem>>, vector<200x600xf32>
    %get3A_29 = arith.constant 0 : index
    %get3A_30 = arith.constant 0 : index
    %get3A_31 = vector.load %arg7[%get3A_29, %get3A_30] : memref<1x600xf32, #tpu.memory_space<vmem>>, vector<1x600xf32>
    %get3A_32 = arith.constant 0 : index
    %get3A_33 = arith.constant 0 : index
    %get3A_34 = vector.load %arg8[%get3A_32, %get3A_33] : memref<1x600xf32, #tpu.memory_space<vmem>>, vector<1x600xf32>
    %gt3A = arith.constant 0.000000e+00 : f32
    %gt3A_35 = vector.broadcast %gt3A : f32 to vector<400x200xf32>
    %gt3A_36 = arith.cmpf ogt, %add3A_19, %gt3A_35 : vector<400x200xf32>
    %exp3A = math.exp %add3A_19 : vector<400x200xf32>
    %sub3A = arith.constant 1.000000e+00 : f32
    %sub3A_37 = vector.broadcast %sub3A : f32 to vector<400x200xf32>
    %sub3A_38 = arith.subf %exp3A, %sub3A_37 : vector<400x200xf32>
    %select_n3A = arith.select %gt3A_36, %add3A_19, %sub3A_38 : vector<400x200xi1>, vector<400x200xf32>
    %dot_general3A_39 = arith.constant dense<0.000000e+00> : vector<400x600xf32>
    %dot_general3A_40 = tpu.matmul %select_n3A, %get3A_25, %dot_general3A_39 {dimension_numbers = #tpu.dot_dimension_numbers<[1], [0], [0], [1], [0, 0, 1, 1], [], []>, precision = #tpu.contract_precision<fp32>, transpose_lhs_hint = false} : vector<400x200xf32>, vector<200x600xf32>, vector<400x600xf32> -> vector<400x600xf32>
    %add3A_41 = vector.broadcast %get3A_31 : vector<1x600xf32> to vector<400x600xf32>
    %add3A_42 = arith.addf %dot_general3A_40, %add3A_41 : vector<400x600xf32>
    %dot_general3A_43 = arith.constant dense<0.000000e+00> : vector<400x600xf32>
    %dot_general3A_44 = tpu.matmul %get3A_22, %get3A_28, %dot_general3A_43 {dimension_numbers = #tpu.dot_dimension_numbers<[1], [0], [0], [1], [0, 0, 1, 1], [], []>, precision = #tpu.contract_precision<fp32>, transpose_lhs_hint = false} : vector<400x200xf32>, vector<200x600xf32>, vector<400x600xf32> -> vector<400x600xf32>
    %add3A_45 = vector.broadcast %get3A_34 : vector<1x600xf32> to vector<400x600xf32>
    %add3A_46 = arith.addf %dot_general3A_44, %add3A_45 : vector<400x600xf32>
    %slice3A_47 = vector.extract_strided_slice %add3A_42 {offsets = [0, 0], sizes = [400, 200], strides = [1, 1]} : vector<400x600xf32> to vector<400x200xf32>
    %slice3A_48 = vector.extract_strided_slice %add3A_42 {offsets = [0, 200], sizes = [400, 200], strides = [1, 1]} : vector<400x600xf32> to vector<400x200xf32>
    %slice3A_49 = vector.extract_strided_slice %add3A_42 {offsets = [0, 400], sizes = [400, 200], strides = [1, 1]} : vector<400x600xf32> to vector<400x200xf32>
    %slice3A_50 = vector.extract_strided_slice %add3A_46 {offsets = [0, 0], sizes = [400, 200], strides = [1, 1]} : vector<400x600xf32> to vector<400x200xf32>
    %slice3A_51 = vector.extract_strided_slice %add3A_46 {offsets = [0, 200], sizes = [400, 200], strides = [1, 1]} : vector<400x600xf32> to vector<400x200xf32>
    %slice3A_52 = vector.extract_strided_slice %add3A_46 {offsets = [0, 400], sizes = [400, 200], strides = [1, 1]} : vector<400x600xf32> to vector<400x200xf32>
    %add3A_53 = arith.addf %slice3A_47, %slice3A_50 : vector<400x200xf32>
    %logistic3A = arith.negf %add3A_53 : vector<400x200xf32>
    %logistic3A_54 = math.exp %logistic3A : vector<400x200xf32>
    %logistic3A_55 = arith.constant 1.000000e+00 : f32
    %logistic3A_56 = vector.broadcast %logistic3A_55 : f32 to vector<400x200xf32>
    %logistic3A_57 = arith.addf %logistic3A_56, %logistic3A_54 : vector<400x200xf32>
    %logistic3A_58 = arith.divf %logistic3A_56, %logistic3A_57 : vector<400x200xf32>
    %add3A_59 = arith.addf %slice3A_48, %slice3A_51 : vector<400x200xf32>
    %logistic3A_60 = arith.negf %add3A_59 : vector<400x200xf32>
    %logistic3A_61 = math.exp %logistic3A_60 : vector<400x200xf32>
    %logistic3A_62 = arith.constant 1.000000e+00 : f32
    %logistic3A_63 = vector.broadcast %logistic3A_62 : f32 to vector<400x200xf32>
    %logistic3A_64 = arith.addf %logistic3A_63, %logistic3A_61 : vector<400x200xf32>
    %logistic3A_65 = arith.divf %logistic3A_63, %logistic3A_64 : vector<400x200xf32>
    %mul3A_66 = arith.mulf %logistic3A_58, %slice3A_52 : vector<400x200xf32>
    %add3A_67 = arith.addf %slice3A_49, %mul3A_66 : vector<400x200xf32>
    %tanh3A = math.tanh %add3A_67 : vector<400x200xf32>
    %sub3A_68 = arith.constant 1.000000e+00 : f32
    %sub3A_69 = vector.broadcast %sub3A_68 : f32 to vector<400x200xf32>
    %sub3A_70 = arith.subf %sub3A_69, %logistic3A_65 : vector<400x200xf32>
    %mul3A_71 = arith.mulf %sub3A_70, %tanh3A : vector<400x200xf32>
    %mul3A_72 = arith.mulf %logistic3A_65, %get3A_22 : vector<400x200xf32>
    %add3A_73 = arith.addf %mul3A_71, %mul3A_72 : vector<400x200xf32>
    %max3A = arith.constant 0.000000e+00 : f32
    %max3A_74 = vector.broadcast %max3A : f32 to vector<400x200xf32>
    %max3A_75 = arith.maximumf %add3A_73, %max3A_74 : vector<400x200xf32>
    %swap3A = arith.constant 0 : index
    %swap3A_76 = arith.constant 0 : index
    %swap3A_77 = vector.load %arg13[%swap3A, %swap3A_76] : memref<400x200xf32, #tpu.memory_space<vmem>>, vector<400x200xf32>
    tpu.vector_store %arg13[%swap3A, %swap3A_76], %max3A_75 {strides = array<i32>} : memref<400x200xf32, #tpu.memory_space<vmem>>, vector<400x200xf32>,
    %get3A_78 = arith.constant 0 : index
    %get3A_79 = arith.constant 0 : index
    %get3A_80 = vector.load %arg9[%get3A_78, %get3A_79] : memref<200x2xf32, #tpu.memory_space<vmem>>, vector<200x2xf32>
    %dot_general3A_81 = arith.constant dense<0.000000e+00> : vector<400x2xf32>
    %dot_general3A_82 = tpu.matmul %max3A_75, %get3A_80, %dot_general3A_81 {dimension_numbers = #tpu.dot_dimension_numbers<[1], [0], [0], [1], [0, 0, 1, 1], [], []>, precision = #tpu.contract_precision<fp32>, transpose_lhs_hint = false} : vector<400x200xf32>, vector<200x2xf32>, vector<400x2xf32> -> vector<400x2xf32>
    %slice3A_83 = vector.extract_strided_slice %dot_general3A_82 {offsets = [0, 0], sizes = [400, 1], strides = [1, 1]} : vector<400x2xf32> to vector<400x1xf32>
    %get3A_84 = arith.constant 0 : index
    %get3A_85 = arith.constant 0 : index
    %get3A_86 = vector.load %arg10[%get3A_84, %get3A_85] : memref<1x1xf32, #tpu.memory_space<vmem>>, vector<1x1xf32>
    %get3A_87 = vector.extract %get3A_86[0, 0] : f32 from vector<1x1xf32>
    %add3A_88 = vector.broadcast %get3A_87 : f32 to vector<400x1xf32>
    %add3A_89 = arith.addf %slice3A_83, %add3A_88 : vector<400x1xf32>
    %swap3A_90 = arith.constant 0 : index
    %swap3A_91 = arith.constant 0 : index
    %swap3A_92 = vector.load %arg14[%swap3A_90, %swap3A_91] : memref<400x1xf32, #tpu.memory_space<vmem>>, vector<400x1xf32>
    tpu.vector_store %arg14[%swap3A_90, %swap3A_91], %add3A_89 {strides = array<i32>} : memref<400x1xf32, #tpu.memory_space<vmem>>, vector<400x1xf32>,
    %slice3A_93 = vector.extract_strided_slice %dot_general3A_82 {offsets = [0, 1], sizes = [400, 1], strides = [1, 1]} : vector<400x2xf32> to vector<400x1xf32>
    %swap3A_94 = arith.constant 0 : index
    %swap3A_95 = arith.constant 0 : index
    %swap3A_96 = vector.load %arg15[%swap3A_94, %swap3A_95] : memref<400x1xf32, #tpu.memory_space<vmem>>, vector<400x1xf32>
    tpu.vector_store %arg15[%swap3A_94, %swap3A_95], %slice3A_93 {strides = array<i32>} : memref<400x1xf32, #tpu.memory_space<vmem>>, vector<400x1xf32>,
    %get3A_97 = arith.constant 0 : index
    %get3A_98 = arith.constant 0 : index
    %get3A_99 = vector.load %arg11[%get3A_97, %get3A_98] : memref<200x208xf32, #tpu.memory_space<vmem>>, vector<200x208xf32>
    %dot_general3A_100 = arith.constant dense<0.000000e+00> : vector<400x208xf32>
    %dot_general3A_101 = tpu.matmul %max3A_75, %get3A_99, %dot_general3A_100 {dimension_numbers = #tpu.dot_dimension_numbers<[1], [0], [0], [1], [0, 0, 1, 1], [], []>, precision = #tpu.contract_precision<fp32>, transpose_lhs_hint = false} : vector<400x200xf32>, vector<200x208xf32>, vector<400x208xf32> -> vector<400x208xf32>
    %get3A_102 = arith.constant 0 : index
    %get3A_103 = arith.constant 0 : index
    %get3A_104 = vector.load %arg12[%get3A_102, %get3A_103] : memref<1x208xf32, #tpu.memory_space<vmem>>, vector<1x208xf32>
    %add3A_105 = vector.broadcast %get3A_104 : vector<1x208xf32> to vector<400x208xf32>
    %add3A_106 = arith.addf %dot_general3A_101, %add3A_105 : vector<400x208xf32>
    %swap3A_107 = arith.constant 0 : index
    %swap3A_108 = arith.constant 0 : index
    %swap3A_109 = vector.load %arg16[%swap3A_107, %swap3A_108] : memref<400x208xf32, #tpu.memory_space<vmem>>, vector<400x208xf32>
    tpu.vector_store %arg16[%swap3A_107, %swap3A_108], %add3A_106 {strides = array<i32>} : memref<400x208xf32, #tpu.memory_space<vmem>>, vector<400x208xf32>,
    return
  }
  func.func @transform_0(%arg0: i32) -> (i32, i32) {
    %c0_i32 = arith.constant 0 : i32
    %c0_i32_0 = arith.constant 0 : i32
    return %arg0, %c0_i32 : i32, i32
  }
  func.func @transform_1(%arg0: i32) -> (i32, i32) {
    %c0_i32 = arith.constant 0 : i32
    %c0_i32_0 = arith.constant 0 : i32
    return %arg0, %c0_i32 : i32, i32
  }
  func.func @transform_2(%arg0: i32) -> (i32, i32) {
    %c0_i32 = arith.constant 0 : i32
    %c0_i32_0 = arith.constant 0 : i32
    %c0_i32_1 = arith.constant 0 : i32
    return %c0_i32, %c0_i32_0 : i32, i32
  }
  func.func @transform_3(%arg0: i32) -> (i32, i32) {
    %c0_i32 = arith.constant 0 : i32
    %c0_i32_0 = arith.constant 0 : i32
    %c0_i32_1 = arith.constant 0 : i32
    return %c0_i32, %c0_i32_0 : i32, i32
  }
  func.func @transform_4(%arg0: i32) -> (i32, i32) {
    %c0_i32 = arith.constant 0 : i32
    %c0_i32_0 = arith.constant 0 : i32
    %c0_i32_1 = arith.constant 0 : i32
    return %c0_i32, %c0_i32_0 : i32, i32
  }
  func.func @transform_5(%arg0: i32) -> (i32, i32) {
    %c0_i32 = arith.constant 0 : i32
    %c0_i32_0 = arith.constant 0 : i32
    %c0_i32_1 = arith.constant 0 : i32
    return %c0_i32, %c0_i32_0 : i32, i32
  }
  func.func @transform_6(%arg0: i32) -> (i32, i32) {
    %c0_i32 = arith.constant 0 : i32
    %c0_i32_0 = arith.constant 0 : i32
    %c0_i32_1 = arith.constant 0 : i32
    return %c0_i32, %c0_i32_0 : i32, i32
  }
  func.func @transform_7(%arg0: i32) -> (i32, i32) {
    %c0_i32 = arith.constant 0 : i32
    %c0_i32_0 = arith.constant 0 : i32
    %c0_i32_1 = arith.constant 0 : i32
    return %c0_i32, %c0_i32_0 : i32, i32
  }
  func.func @transform_8(%arg0: i32) -> (i32, i32) {
    %c0_i32 = arith.constant 0 : i32
    %c0_i32_0 = arith.constant 0 : i32
    %c0_i32_1 = arith.constant 0 : i32
    return %c0_i32, %c0_i32_0 : i32, i32
  }
  func.func @transform_9(%arg0: i32) -> (i32, i32) {
    %c0_i32 = arith.constant 0 : i32
    %c0_i32_0 = arith.constant 0 : i32
    %c0_i32_1 = arith.constant 0 : i32
    return %c0_i32, %c0_i32_0 : i32, i32
  }
  func.func @transform_10(%arg0: i32) -> (i32, i32) {
    %c0_i32 = arith.constant 0 : i32
    %c0_i32_0 = arith.constant 0 : i32
    %c0_i32_1 = arith.constant 0 : i32
    return %c0_i32, %c0_i32_0 : i32, i32
  }
  func.func @transform_11(%arg0: i32) -> (i32, i32) {
    %c0_i32 = arith.constant 0 : i32
    %c0_i32_0 = arith.constant 0 : i32
    %c0_i32_1 = arith.constant 0 : i32
    return %c0_i32, %c0_i32_0 : i32, i32
  }
  func.func @transform_12(%arg0: i32) -> (i32, i32) {
    %c0_i32 = arith.constant 0 : i32
    %c0_i32_0 = arith.constant 0 : i32
    return %arg0, %c0_i32 : i32, i32
  }
  func.func @transform_13(%arg0: i32) -> (i32, i32) {
    %c0_i32 = arith.constant 0 : i32
    %c0_i32_0 = arith.constant 0 : i32
    return %arg0, %c0_i32 : i32, i32
  }
  func.func @transform_14(%arg0: i32) -> (i32, i32) {
    %c0_i32 = arith.constant 0 : i32
    %c0_i32_0 = arith.constant 0 : i32
    return %arg0, %c0_i32 : i32, i32
  }
  func.func @transform_15(%arg0: i32) -> (i32, i32) {
    %c0_i32 = arith.constant 0 : i32
    %c0_i32_0 = arith.constant 0 : i32
    return %arg0, %c0_i32 : i32, i32
  }
}

module attributes {stable_mosaic.version = 14 : i64} {
  func.func @_k4_body(%arg0: i32, %arg1: memref<400x208xf32, #tpu.memory_space<vmem>>, %arg2: memref<400x200xf32, #tpu.memory_space<vmem>>, %arg3: memref<200x600xf32, #tpu.memory_space<vmem>>, %arg4: memref<200x600xf32, #tpu.memory_space<vmem>>, %arg5: memref<1x600xf32, #tpu.memory_space<vmem>>, %arg6: memref<1x600xf32, #tpu.memory_space<vmem>>, %arg7: memref<400x200xf32, #tpu.memory_space<vmem>>) attributes {dimension_semantics = [#tpu.dimension_semantics<arbitrary>], iteration_bounds = array<i64: 25>, scalar_prefetch = 0 : i64, scratch_operands = 0 : i64, tpu.core_type = #tpu.core_type<tc>, window_params = [{transform_indices = @transform_0, window_bounds = array<i64: 400, 208>}, {transform_indices = @transform_1, window_bounds = array<i64: 400, 200>}, {pipeline_mode = #tpu.pipeline_mode<synchronous>, transform_indices = @transform_2, window_bounds = array<i64: 200, 600>}, {pipeline_mode = #tpu.pipeline_mode<synchronous>, transform_indices = @transform_3, window_bounds = array<i64: 200, 600>}, {pipeline_mode = #tpu.pipeline_mode<synchronous>, transform_indices = @transform_4, window_bounds = array<i64: 1, 600>}, {pipeline_mode = #tpu.pipeline_mode<synchronous>, transform_indices = @transform_5, window_bounds = array<i64: 1, 600>}, {transform_indices = @transform_6, window_bounds = array<i64: 400, 200>}]} {
    %get3A = arith.constant 0 : index
    %get3A_0 = arith.constant 0 : index
    %get3A_1 = vector.load %arg1[%get3A, %get3A_0] : memref<400x208xf32, #tpu.memory_space<vmem>>, vector<400x208xf32>
    %slice3A = vector.extract_strided_slice %get3A_1 {offsets = [0, 0], sizes = [400, 200], strides = [1, 1]} : vector<400x208xf32> to vector<400x200xf32>
    %slice3A_2 = vector.extract_strided_slice %get3A_1 {offsets = [0, 200], sizes = [400, 1], strides = [1, 1]} : vector<400x208xf32> to vector<400x1xf32>
    %add3A = arith.constant 9.99999996E-13 : f32
    %add3A_3 = vector.broadcast %add3A : f32 to vector<400x1xf32>
    %add3A_4 = arith.addf %slice3A_2, %add3A_3 : vector<400x1xf32>
    %div3A = vector.broadcast %add3A_4 : vector<400x1xf32> to vector<400x200xf32>
    %div3A_5 = arith.divf %slice3A, %div3A : vector<400x200xf32>
    %get3A_6 = arith.constant 0 : index
    %get3A_7 = arith.constant 0 : index
    %get3A_8 = vector.load %arg2[%get3A_6, %get3A_7] : memref<400x200xf32, #tpu.memory_space<vmem>>, vector<400x200xf32>
    %get3A_9 = arith.constant 0 : index
    %get3A_10 = arith.constant 0 : index
    %get3A_11 = vector.load %arg3[%get3A_9, %get3A_10] : memref<200x600xf32, #tpu.memory_space<vmem>>, vector<200x600xf32>
    %get3A_12 = arith.constant 0 : index
    %get3A_13 = arith.constant 0 : index
    %get3A_14 = vector.load %arg4[%get3A_12, %get3A_13] : memref<200x600xf32, #tpu.memory_space<vmem>>, vector<200x600xf32>
    %get3A_15 = arith.constant 0 : index
    %get3A_16 = arith.constant 0 : index
    %get3A_17 = vector.load %arg5[%get3A_15, %get3A_16] : memref<1x600xf32, #tpu.memory_space<vmem>>, vector<1x600xf32>
    %get3A_18 = arith.constant 0 : index
    %get3A_19 = arith.constant 0 : index
    %get3A_20 = vector.load %arg6[%get3A_18, %get3A_19] : memref<1x600xf32, #tpu.memory_space<vmem>>, vector<1x600xf32>
    %gt3A = arith.constant 0.000000e+00 : f32
    %gt3A_21 = vector.broadcast %gt3A : f32 to vector<400x200xf32>
    %gt3A_22 = arith.cmpf ogt, %div3A_5, %gt3A_21 : vector<400x200xf32>
    %exp3A = math.exp %div3A_5 : vector<400x200xf32>
    %sub3A = arith.constant 1.000000e+00 : f32
    %sub3A_23 = vector.broadcast %sub3A : f32 to vector<400x200xf32>
    %sub3A_24 = arith.subf %exp3A, %sub3A_23 : vector<400x200xf32>
    %select_n3A = arith.select %gt3A_22, %div3A_5, %sub3A_24 : vector<400x200xi1>, vector<400x200xf32>
    %dot_general3A = arith.constant dense<0.000000e+00> : vector<400x600xf32>
    %dot_general3A_25 = tpu.matmul %select_n3A, %get3A_11, %dot_general3A {dimension_numbers = #tpu.dot_dimension_numbers<[1], [0], [0], [1], [0, 0, 1, 1], [], []>, precision = #tpu.contract_precision<fp32>, transpose_lhs_hint = false} : vector<400x200xf32>, vector<200x600xf32>, vector<400x600xf32> -> vector<400x600xf32>
    %add3A_26 = vector.broadcast %get3A_17 : vector<1x600xf32> to vector<400x600xf32>
    %add3A_27 = arith.addf %dot_general3A_25, %add3A_26 : vector<400x600xf32>
    %dot_general3A_28 = arith.constant dense<0.000000e+00> : vector<400x600xf32>
    %dot_general3A_29 = tpu.matmul %get3A_8, %get3A_14, %dot_general3A_28 {dimension_numbers = #tpu.dot_dimension_numbers<[1], [0], [0], [1], [0, 0, 1, 1], [], []>, precision = #tpu.contract_precision<fp32>, transpose_lhs_hint = false} : vector<400x200xf32>, vector<200x600xf32>, vector<400x600xf32> -> vector<400x600xf32>
    %add3A_30 = vector.broadcast %get3A_20 : vector<1x600xf32> to vector<400x600xf32>
    %add3A_31 = arith.addf %dot_general3A_29, %add3A_30 : vector<400x600xf32>
    %slice3A_32 = vector.extract_strided_slice %add3A_27 {offsets = [0, 0], sizes = [400, 200], strides = [1, 1]} : vector<400x600xf32> to vector<400x200xf32>
    %slice3A_33 = vector.extract_strided_slice %add3A_27 {offsets = [0, 200], sizes = [400, 200], strides = [1, 1]} : vector<400x600xf32> to vector<400x200xf32>
    %slice3A_34 = vector.extract_strided_slice %add3A_27 {offsets = [0, 400], sizes = [400, 200], strides = [1, 1]} : vector<400x600xf32> to vector<400x200xf32>
    %slice3A_35 = vector.extract_strided_slice %add3A_31 {offsets = [0, 0], sizes = [400, 200], strides = [1, 1]} : vector<400x600xf32> to vector<400x200xf32>
    %slice3A_36 = vector.extract_strided_slice %add3A_31 {offsets = [0, 200], sizes = [400, 200], strides = [1, 1]} : vector<400x600xf32> to vector<400x200xf32>
    %slice3A_37 = vector.extract_strided_slice %add3A_31 {offsets = [0, 400], sizes = [400, 200], strides = [1, 1]} : vector<400x600xf32> to vector<400x200xf32>
    %add3A_38 = arith.addf %slice3A_32, %slice3A_35 : vector<400x200xf32>
    %logistic3A = arith.negf %add3A_38 : vector<400x200xf32>
    %logistic3A_39 = math.exp %logistic3A : vector<400x200xf32>
    %logistic3A_40 = arith.constant 1.000000e+00 : f32
    %logistic3A_41 = vector.broadcast %logistic3A_40 : f32 to vector<400x200xf32>
    %logistic3A_42 = arith.addf %logistic3A_41, %logistic3A_39 : vector<400x200xf32>
    %logistic3A_43 = arith.divf %logistic3A_41, %logistic3A_42 : vector<400x200xf32>
    %add3A_44 = arith.addf %slice3A_33, %slice3A_36 : vector<400x200xf32>
    %logistic3A_45 = arith.negf %add3A_44 : vector<400x200xf32>
    %logistic3A_46 = math.exp %logistic3A_45 : vector<400x200xf32>
    %logistic3A_47 = arith.constant 1.000000e+00 : f32
    %logistic3A_48 = vector.broadcast %logistic3A_47 : f32 to vector<400x200xf32>
    %logistic3A_49 = arith.addf %logistic3A_48, %logistic3A_46 : vector<400x200xf32>
    %logistic3A_50 = arith.divf %logistic3A_48, %logistic3A_49 : vector<400x200xf32>
    %mul3A = arith.mulf %logistic3A_43, %slice3A_37 : vector<400x200xf32>
    %add3A_51 = arith.addf %slice3A_34, %mul3A : vector<400x200xf32>
    %tanh3A = math.tanh %add3A_51 : vector<400x200xf32>
    %sub3A_52 = arith.constant 1.000000e+00 : f32
    %sub3A_53 = vector.broadcast %sub3A_52 : f32 to vector<400x200xf32>
    %sub3A_54 = arith.subf %sub3A_53, %logistic3A_50 : vector<400x200xf32>
    %mul3A_55 = arith.mulf %sub3A_54, %tanh3A : vector<400x200xf32>
    %mul3A_56 = arith.mulf %logistic3A_50, %get3A_8 : vector<400x200xf32>
    %add3A_57 = arith.addf %mul3A_55, %mul3A_56 : vector<400x200xf32>
    %max3A = arith.constant 0.000000e+00 : f32
    %max3A_58 = vector.broadcast %max3A : f32 to vector<400x200xf32>
    %max3A_59 = arith.maximumf %add3A_57, %max3A_58 : vector<400x200xf32>
    %swap3A = arith.constant 0 : index
    %swap3A_60 = arith.constant 0 : index
    %swap3A_61 = vector.load %arg7[%swap3A, %swap3A_60] : memref<400x200xf32, #tpu.memory_space<vmem>>, vector<400x200xf32>
    tpu.vector_store %arg7[%swap3A, %swap3A_60], %max3A_59 {strides = array<i32>} : memref<400x200xf32, #tpu.memory_space<vmem>>, vector<400x200xf32>,
    return
  }
  func.func @transform_0(%arg0: i32) -> (i32, i32) {
    %c0_i32 = arith.constant 0 : i32
    %c0_i32_0 = arith.constant 0 : i32
    return %arg0, %c0_i32 : i32, i32
  }
  func.func @transform_1(%arg0: i32) -> (i32, i32) {
    %c0_i32 = arith.constant 0 : i32
    %c0_i32_0 = arith.constant 0 : i32
    return %arg0, %c0_i32 : i32, i32
  }
  func.func @transform_2(%arg0: i32) -> (i32, i32) {
    %c0_i32 = arith.constant 0 : i32
    %c0_i32_0 = arith.constant 0 : i32
    %c0_i32_1 = arith.constant 0 : i32
    return %c0_i32, %c0_i32_0 : i32, i32
  }
  func.func @transform_3(%arg0: i32) -> (i32, i32) {
    %c0_i32 = arith.constant 0 : i32
    %c0_i32_0 = arith.constant 0 : i32
    %c0_i32_1 = arith.constant 0 : i32
    return %c0_i32, %c0_i32_0 : i32, i32
  }
  func.func @transform_4(%arg0: i32) -> (i32, i32) {
    %c0_i32 = arith.constant 0 : i32
    %c0_i32_0 = arith.constant 0 : i32
    %c0_i32_1 = arith.constant 0 : i32
    return %c0_i32, %c0_i32_0 : i32, i32
  }
  func.func @transform_5(%arg0: i32) -> (i32, i32) {
    %c0_i32 = arith.constant 0 : i32
    %c0_i32_0 = arith.constant 0 : i32
    %c0_i32_1 = arith.constant 0 : i32
    return %c0_i32, %c0_i32_0 : i32, i32
  }
  func.func @transform_6(%arg0: i32) -> (i32, i32) {
    %c0_i32 = arith.constant 0 : i32
    %c0_i32_0 = arith.constant 0 : i32
    return %arg0, %c0_i32 : i32, i32
  }
}

module attributes {stable_mosaic.version = 14 : i64} {
  func.func @_k5a_body(%arg0: i32, %arg1: memref<400x200xf32, #tpu.memory_space<vmem>>, %arg2: memref<400x1xi32, #tpu.memory_space<vmem>>, %arg3: memref<512x200xf32, #tpu.memory_space<vmem>>) attributes {dimension_semantics = [#tpu.dimension_semantics<arbitrary>], iteration_bounds = array<i64: 25>, scalar_prefetch = 0 : i64, scratch_operands = 0 : i64, tpu.core_type = #tpu.core_type<tc>, window_params = [{transform_indices = @transform_0, window_bounds = array<i64: 400, 200>}, {transform_indices = @transform_1, window_bounds = array<i64: 400, 1>}, {pipeline_mode = #tpu.pipeline_mode<synchronous>, transform_indices = @transform_2, window_bounds = array<i64: 512, 200>}]} {
    %eq3A = arith.constant 0 : i32
    %eq3A_0 = arith.cmpi eq, %arg0, %eq3A : i32
    %convert_element_type3A = arith.extui %eq3A_0 : i1 to i32
    %cond3A = arith.constant 0 : i32
    %cond3A_1 = arith.cmpi ne, %convert_element_type3A, %cond3A : i32
    scf.if %cond3A_1 {
      %broadcast_in_dim3A_17 = arith.constant 0.000000e+00 : f32
      %broadcast_in_dim3A_18 = vector.broadcast %broadcast_in_dim3A_17 : f32 to vector<512x200xf32>
      %swap3A_19 = arith.constant 0 : index
      %swap3A_20 = arith.constant 0 : index
      %swap3A_21 = vector.load %arg3[%swap3A_19, %swap3A_20] : memref<512x200xf32, #tpu.memory_space<vmem>>, vector<512x200xf32>
      tpu.vector_store %arg3[%swap3A_19, %swap3A_20], %broadcast_in_dim3A_18 {strides = array<i32>} : memref<512x200xf32, #tpu.memory_space<vmem>>, vector<512x200xf32>,
    } else {
    }
    %get3A = arith.constant 0 : index
    %get3A_2 = arith.constant 0 : index
    %get3A_3 = vector.load %arg2[%get3A, %get3A_2] : memref<400x1xi32, #tpu.memory_space<vmem>>, vector<400x1xi32>
    %squeeze3A = vector.shape_cast %get3A_3 : vector<400x1xi32> to vector<400xi32>
    %iota3A = tpu.iota {dimensions = array<i32: 0>} : vector<512x400xi32>
    %broadcast_in_dim3A = vector.shape_cast %squeeze3A : vector<400xi32> to vector<1x400xi32>
    %eq3A_4 = vector.broadcast %broadcast_in_dim3A : vector<1x400xi32> to vector<512x400xi32>
    %eq3A_5 = arith.cmpi eq, %eq3A_4, %iota3A : vector<512x400xi32>
    %convert_element_type3A_6 = arith.extui %eq3A_5 : vector<512x400xi1> to vector<512x400xi32>
    %convert_element_type3A_7 = arith.sitofp %convert_element_type3A_6 : vector<512x400xi32> to vector<512x400xf32>
    %get3A_8 = arith.constant 0 : index
    %get3A_9 = arith.constant 0 : index
    %get3A_10 = vector.load %arg3[%get3A_8, %get3A_9] : memref<512x200xf32, #tpu.memory_space<vmem>>, vector<512x200xf32>
    %get3A_11 = arith.constant 0 : index
    %get3A_12 = arith.constant 0 : index
    %get3A_13 = vector.load %arg1[%get3A_11, %get3A_12] : memref<400x200xf32, #tpu.memory_space<vmem>>, vector<400x200xf32>
    %dot_general3A = arith.constant dense<0.000000e+00> : vector<512x200xf32>
    %dot_general3A_14 = tpu.matmul %convert_element_type3A_7, %get3A_13, %dot_general3A {dimension_numbers = #tpu.dot_dimension_numbers<[1], [0], [0], [1], [0, 0, 1, 1], [], []>, precision = #tpu.contract_precision<fp32>, transpose_lhs_hint = false} : vector<512x400xf32>, vector<400x200xf32>, vector<512x200xf32> -> vector<512x200xf32>
    %add3A = arith.addf %get3A_10, %dot_general3A_14 : vector<512x200xf32>
    %swap3A = arith.constant 0 : index
    %swap3A_15 = arith.constant 0 : index
    %swap3A_16 = vector.load %arg3[%swap3A, %swap3A_15] : memref<512x200xf32, #tpu.memory_space<vmem>>, vector<512x200xf32>
    tpu.vector_store %arg3[%swap3A, %swap3A_15], %add3A {strides = array<i32>} : memref<512x200xf32, #tpu.memory_space<vmem>>, vector<512x200xf32>,
    return
  }
  func.func @transform_0(%arg0: i32) -> (i32, i32) {
    %c0_i32 = arith.constant 0 : i32
    %c0_i32_0 = arith.constant 0 : i32
    return %arg0, %c0_i32 : i32, i32
  }
  func.func @transform_1(%arg0: i32) -> (i32, i32) {
    %c0_i32 = arith.constant 0 : i32
    %c0_i32_0 = arith.constant 0 : i32
    return %arg0, %c0_i32 : i32, i32
  }
  func.func @transform_2(%arg0: i32) -> (i32, i32) {
    %c0_i32 = arith.constant 0 : i32
    %c0_i32_0 = arith.constant 0 : i32
    %c0_i32_1 = arith.constant 0 : i32
    return %c0_i32, %c0_i32_0 : i32, i32
  }
}

module attributes {stable_mosaic.version = 14 : i64} {
  func.func @_k5b_body(%arg0: i32, %arg1: memref<512x200xf32, #tpu.memory_space<vmem>>, %arg2: memref<400x200xf32, #tpu.memory_space<vmem>>, %arg3: memref<400x1xi32, #tpu.memory_space<vmem>>, %arg4: memref<200x1xf32, #tpu.memory_space<vmem>>, %arg5: memref<200x1xf32, #tpu.memory_space<vmem>>, %arg6: memref<1x1xf32, #tpu.memory_space<vmem>>, %arg7: memref<200x200xf32, #tpu.memory_space<vmem>>, %arg8: memref<1x200xf32, #tpu.memory_space<vmem>>, %arg9: memref<512x200xf32, #tpu.memory_space<vmem>>, %arg10: memref<512x1xf32, #tpu.memory_space<vmem>>) attributes {dimension_semantics = [#tpu.dimension_semantics<arbitrary>], iteration_bounds = array<i64: 25>, scalar_prefetch = 0 : i64, scratch_operands = 0 : i64, tpu.core_type = #tpu.core_type<tc>, window_params = [{pipeline_mode = #tpu.pipeline_mode<synchronous>, transform_indices = @transform_0, window_bounds = array<i64: 512, 200>}, {transform_indices = @transform_1, window_bounds = array<i64: 400, 200>}, {transform_indices = @transform_2, window_bounds = array<i64: 400, 1>}, {pipeline_mode = #tpu.pipeline_mode<synchronous>, transform_indices = @transform_3, window_bounds = array<i64: 200, 1>}, {pipeline_mode = #tpu.pipeline_mode<synchronous>, transform_indices = @transform_4, window_bounds = array<i64: 200, 1>}, {pipeline_mode = #tpu.pipeline_mode<synchronous>, transform_indices = @transform_5, window_bounds = array<i64: 1, 1>}, {pipeline_mode = #tpu.pipeline_mode<synchronous>, transform_indices = @transform_6, window_bounds = array<i64: 200, 200>}, {pipeline_mode = #tpu.pipeline_mode<synchronous>, transform_indices = @transform_7, window_bounds = array<i64: 1, 200>}, {pipeline_mode = #tpu.pipeline_mode<synchronous>, transform_indices = @transform_8, window_bounds = array<i64: 512, 200>}, {pipeline_mode = #tpu.pipeline_mode<synchronous>, transform_indices = @transform_9, window_bounds = array<i64: 512, 1>}]} {
    %eq3A = arith.constant 0 : i32
    %eq3A_0 = arith.cmpi eq, %arg0, %eq3A : i32
    %convert_element_type3A = arith.extui %eq3A_0 : i1 to i32
    %cond3A = arith.constant 0 : i32
    %cond3A_1 = arith.cmpi ne, %convert_element_type3A, %cond3A : i32
    scf.if %cond3A_1 {
      %broadcast_in_dim3A_66 = arith.constant 0.000000e+00 : f32
      %broadcast_in_dim3A_67 = vector.broadcast %broadcast_in_dim3A_66 : f32 to vector<512x200xf32>
      %swap3A_68 = arith.constant 0 : index
      %swap3A_69 = arith.constant 0 : index
      %swap3A_70 = vector.load %arg9[%swap3A_68, %swap3A_69] : memref<512x200xf32, #tpu.memory_space<vmem>>, vector<512x200xf32>
      tpu.vector_store %arg9[%swap3A_68, %swap3A_69], %broadcast_in_dim3A_67 {strides = array<i32>} : memref<512x200xf32, #tpu.memory_space<vmem>>, vector<512x200xf32>,
      %broadcast_in_dim3A_71 = arith.constant 0.000000e+00 : f32
      %broadcast_in_dim3A_72 = vector.broadcast %broadcast_in_dim3A_71 : f32 to vector<512x1xf32>
      %swap3A_73 = arith.constant 0 : index
      %swap3A_74 = arith.constant 0 : index
      %swap3A_75 = vector.load %arg10[%swap3A_73, %swap3A_74] : memref<512x1xf32, #tpu.memory_space<vmem>>, vector<512x1xf32>
      tpu.vector_store %arg10[%swap3A_73, %swap3A_74], %broadcast_in_dim3A_72 {strides = array<i32>} : memref<512x1xf32, #tpu.memory_space<vmem>>, vector<512x1xf32>,
    } else {
    }
    %get3A = arith.constant 0 : index
    %get3A_2 = arith.constant 0 : index
    %get3A_3 = vector.load %arg2[%get3A, %get3A_2] : memref<400x200xf32, #tpu.memory_space<vmem>>, vector<400x200xf32>
    %get3A_4 = arith.constant 0 : index
    %get3A_5 = arith.constant 0 : index
    %get3A_6 = vector.load %arg1[%get3A_4, %get3A_5] : memref<512x200xf32, #tpu.memory_space<vmem>>, vector<512x200xf32>
    %max3A = arith.constant 0.000000e+00 : f32
    %max3A_7 = vector.broadcast %max3A : f32 to vector<512x200xf32>
    %max3A_8 = arith.maximumf %get3A_6, %max3A_7 : vector<512x200xf32>
    %get3A_9 = arith.constant 0 : index
    %get3A_10 = arith.constant 0 : index
    %get3A_11 = vector.load %arg4[%get3A_9, %get3A_10] : memref<200x1xf32, #tpu.memory_space<vmem>>, vector<200x1xf32>
    %dot_general3A = arith.constant dense<0.000000e+00> : vector<512x1xf32>
    %dot_general3A_12 = tpu.matmul %max3A_8, %get3A_11, %dot_general3A {dimension_numbers = #tpu.dot_dimension_numbers<[1], [0], [0], [1], [0, 0, 1, 1], [], []>, precision = #tpu.contract_precision<fp32>, transpose_lhs_hint = false} : vector<512x200xf32>, vector<200x1xf32>, vector<512x1xf32> -> vector<512x1xf32>
    %get3A_13 = arith.constant 0 : index
    %get3A_14 = arith.constant 0 : index
    %get3A_15 = vector.load %arg3[%get3A_13, %get3A_14] : memref<400x1xi32, #tpu.memory_space<vmem>>, vector<400x1xi32>
    %squeeze3A = vector.shape_cast %get3A_15 : vector<400x1xi32> to vector<400xi32>
    %iota3A = tpu.iota {dimensions = array<i32: 0>} : vector<512x400xi32>
    %broadcast_in_dim3A = vector.shape_cast %squeeze3A : vector<400xi32> to vector<1x400xi32>
    %eq3A_16 = vector.broadcast %broadcast_in_dim3A : vector<1x400xi32> to vector<512x400xi32>
    %eq3A_17 = arith.cmpi eq, %eq3A_16, %iota3A : vector<512x400xi32>
    %convert_element_type3A_18 = arith.extui %eq3A_17 : vector<512x400xi1> to vector<512x400xi32>
    %convert_element_type3A_19 = arith.sitofp %convert_element_type3A_18 : vector<512x400xi32> to vector<512x400xf32>
    %transpose3A = tpu.transpose %convert_element_type3A_19, [1, 0] : vector<512x400xf32> -> vector<400x512xf32>
    %dot_general3A_20 = arith.constant dense<0.000000e+00> : vector<400x1xf32>
    %dot_general3A_21 = tpu.matmul %transpose3A, %dot_general3A_12, %dot_general3A_20 {dimension_numbers = #tpu.dot_dimension_numbers<[1], [0], [0], [1], [0, 0, 1, 1], [], []>, precision = #tpu.contract_precision<fp32>, transpose_lhs_hint = false} : vector<400x512xf32>, vector<512x1xf32>, vector<400x1xf32> -> vector<400x1xf32>
    %get3A_22 = arith.constant 0 : index
    %get3A_23 = arith.constant 0 : index
    %get3A_24 = vector.load %arg5[%get3A_22, %get3A_23] : memref<200x1xf32, #tpu.memory_space<vmem>>, vector<200x1xf32>
    %dot_general3A_25 = arith.constant dense<0.000000e+00> : vector<400x1xf32>
    %dot_general3A_26 = tpu.matmul %get3A_3, %get3A_24, %dot_general3A_25 {dimension_numbers = #tpu.dot_dimension_numbers<[1], [0], [0], [1], [0, 0, 1, 1], [], []>, precision = #tpu.contract_precision<fp32>, transpose_lhs_hint = false} : vector<400x200xf32>, vector<200x1xf32>, vector<400x1xf32> -> vector<400x1xf32>
    %add3A = arith.addf %dot_general3A_21, %dot_general3A_26 : vector<400x1xf32>
    %get3A_27 = arith.constant 0 : index
    %get3A_28 = arith.constant 0 : index
    %get3A_29 = vector.load %arg6[%get3A_27, %get3A_28] : memref<1x1xf32, #tpu.memory_space<vmem>>, vector<1x1xf32>
    %get3A_30 = vector.extract %get3A_29[0, 0] : f32 from vector<1x1xf32>
    %add3A_31 = vector.broadcast %get3A_30 : f32 to vector<400x1xf32>
    %add3A_32 = arith.addf %add3A, %add3A_31 : vector<400x1xf32>
    %ge3A = arith.constant 0.000000e+00 : f32
    %ge3A_33 = vector.broadcast %ge3A : f32 to vector<400x1xf32>
    %ge3A_34 = arith.cmpf oge, %add3A_32, %ge3A_33 : vector<400x1xf32>
    %mul3A = arith.constant 0.00999999977 : f32
    %mul3A_35 = vector.broadcast %mul3A : f32 to vector<400x1xf32>
    %mul3A_36 = arith.mulf %mul3A_35, %add3A_32 : vector<400x1xf32>
    %select_n3A = arith.select %ge3A_34, %add3A_32, %mul3A_36 : vector<400x1xi1>, vector<400x1xf32>
    %exp3A = math.exp %select_n3A : vector<400x1xf32>
    %get3A_37 = arith.constant 0 : index
    %get3A_38 = arith.constant 0 : index
    %get3A_39 = vector.load %arg7[%get3A_37, %get3A_38] : memref<200x200xf32, #tpu.memory_space<vmem>>, vector<200x200xf32>
    %dot_general3A_40 = arith.constant dense<0.000000e+00> : vector<400x200xf32>
    %dot_general3A_41 = tpu.matmul %get3A_3, %get3A_39, %dot_general3A_40 {dimension_numbers = #tpu.dot_dimension_numbers<[1], [0], [0], [1], [0, 0, 1, 1], [], []>, precision = #tpu.contract_precision<fp32>, transpose_lhs_hint = false} : vector<400x200xf32>, vector<200x200xf32>, vector<400x200xf32> -> vector<400x200xf32>
    %get3A_42 = arith.constant 0 : index
    %get3A_43 = arith.constant 0 : index
    %get3A_44 = vector.load %arg8[%get3A_42, %get3A_43] : memref<1x200xf32, #tpu.memory_space<vmem>>, vector<1x200xf32>
    %add3A_45 = vector.broadcast %get3A_44 : vector<1x200xf32> to vector<400x200xf32>
    %add3A_46 = arith.addf %dot_general3A_41, %add3A_45 : vector<400x200xf32>
    %get3A_47 = arith.constant 0 : index
    %get3A_48 = arith.constant 0 : index
    %get3A_49 = vector.load %arg9[%get3A_47, %get3A_48] : memref<512x200xf32, #tpu.memory_space<vmem>>, vector<512x200xf32>
    %mul3A_50 = vector.broadcast %exp3A : vector<400x1xf32> to vector<400x200xf32>
    %mul3A_51 = arith.mulf %mul3A_50, %add3A_46 : vector<400x200xf32>
    %dot_general3A_52 = arith.constant dense<0.000000e+00> : vector<512x200xf32>
    %dot_general3A_53 = tpu.matmul %convert_element_type3A_19, %mul3A_51, %dot_general3A_52 {dimension_numbers = #tpu.dot_dimension_numbers<[1], [0], [0], [1], [0, 0, 1, 1], [], []>, precision = #tpu.contract_precision<fp32>, transpose_lhs_hint = false} : vector<512x400xf32>, vector<400x200xf32>, vector<512x200xf32> -> vector<512x200xf32>
    %add3A_54 = arith.addf %get3A_49, %dot_general3A_53 : vector<512x200xf32>
    %swap3A = arith.constant 0 : index
    %swap3A_55 = arith.constant 0 : index
    %swap3A_56 = vector.load %arg9[%swap3A, %swap3A_55] : memref<512x200xf32, #tpu.memory_space<vmem>>, vector<512x200xf32>
    tpu.vector_store %arg9[%swap3A, %swap3A_55], %add3A_54 {strides = array<i32>} : memref<512x200xf32, #tpu.memory_space<vmem>>, vector<512x200xf32>,
    %get3A_57 = arith.constant 0 : index
    %get3A_58 = arith.constant 0 : index
    %get3A_59 = vector.load %arg10[%get3A_57, %get3A_58] : memref<512x1xf32, #tpu.memory_space<vmem>>, vector<512x1xf32>
    %dot_general3A_60 = arith.constant dense<0.000000e+00> : vector<512x1xf32>
    %dot_general3A_61 = tpu.matmul %convert_element_type3A_19, %exp3A, %dot_general3A_60 {dimension_numbers = #tpu.dot_dimension_numbers<[1], [0], [0], [1], [0, 0, 1, 1], [], []>, precision = #tpu.contract_precision<fp32>, transpose_lhs_hint = false} : vector<512x400xf32>, vector<400x1xf32>, vector<512x1xf32> -> vector<512x1xf32>
    %add3A_62 = arith.addf %get3A_59, %dot_general3A_61 : vector<512x1xf32>
    %swap3A_63 = arith.constant 0 : index
    %swap3A_64 = arith.constant 0 : index
    %swap3A_65 = vector.load %arg10[%swap3A_63, %swap3A_64] : memref<512x1xf32, #tpu.memory_space<vmem>>, vector<512x1xf32>
    tpu.vector_store %arg10[%swap3A_63, %swap3A_64], %add3A_62 {strides = array<i32>} : memref<512x1xf32, #tpu.memory_space<vmem>>, vector<512x1xf32>,
    return
  }
  func.func @transform_0(%arg0: i32) -> (i32, i32) {
    %c0_i32 = arith.constant 0 : i32
    %c0_i32_0 = arith.constant 0 : i32
    %c0_i32_1 = arith.constant 0 : i32
    return %c0_i32, %c0_i32_0 : i32, i32
  }
  func.func @transform_1(%arg0: i32) -> (i32, i32) {
    %c0_i32 = arith.constant 0 : i32
    %c0_i32_0 = arith.constant 0 : i32
    return %arg0, %c0_i32 : i32, i32
  }
  func.func @transform_2(%arg0: i32) -> (i32, i32) {
    %c0_i32 = arith.constant 0 : i32
    %c0_i32_0 = arith.constant 0 : i32
    return %arg0, %c0_i32 : i32, i32
  }
  func.func @transform_3(%arg0: i32) -> (i32, i32) {
    %c0_i32 = arith.constant 0 : i32
    %c0_i32_0 = arith.constant 0 : i32
    %c0_i32_1 = arith.constant 0 : i32
    return %c0_i32, %c0_i32_0 : i32, i32
  }
  func.func @transform_4(%arg0: i32) -> (i32, i32) {
    %c0_i32 = arith.constant 0 : i32
    %c0_i32_0 = arith.constant 0 : i32
    %c0_i32_1 = arith.constant 0 : i32
    return %c0_i32, %c0_i32_0 : i32, i32
  }
  func.func @transform_5(%arg0: i32) -> (i32, i32) {
    %c0_i32 = arith.constant 0 : i32
    %c0_i32_0 = arith.constant 0 : i32
    %c0_i32_1 = arith.constant 0 : i32
    return %c0_i32, %c0_i32_0 : i32, i32
  }
  func.func @transform_6(%arg0: i32) -> (i32, i32) {
    %c0_i32 = arith.constant 0 : i32
    %c0_i32_0 = arith.constant 0 : i32
    %c0_i32_1 = arith.constant 0 : i32
    return %c0_i32, %c0_i32_0 : i32, i32
  }
  func.func @transform_7(%arg0: i32) -> (i32, i32) {
    %c0_i32 = arith.constant 0 : i32
    %c0_i32_0 = arith.constant 0 : i32
    %c0_i32_1 = arith.constant 0 : i32
    return %c0_i32, %c0_i32_0 : i32, i32
  }
  func.func @transform_8(%arg0: i32) -> (i32, i32) {
    %c0_i32 = arith.constant 0 : i32
    %c0_i32_0 = arith.constant 0 : i32
    %c0_i32_1 = arith.constant 0 : i32
    return %c0_i32, %c0_i32_0 : i32, i32
  }
  func.func @transform_9(%arg0: i32) -> (i32, i32) {
    %c0_i32 = arith.constant 0 : i32
    %c0_i32_0 = arith.constant 0 : i32
    %c0_i32_1 = arith.constant 0 : i32
    return %c0_i32, %c0_i32_0 : i32, i32
  }
}

module attributes {stable_mosaic.version = 14 : i64} {
  func.func @_k5c_body(%arg0: memref<512x200xf32, #tpu.memory_space<vmem>>, %arg1: memref<512x1xf32, #tpu.memory_space<vmem>>, %arg2: memref<512x200xf32, #tpu.memory_space<vmem>>, %arg3: memref<200x600xf32, #tpu.memory_space<vmem>>, %arg4: memref<200x600xf32, #tpu.memory_space<vmem>>, %arg5: memref<1x600xf32, #tpu.memory_space<vmem>>, %arg6: memref<1x600xf32, #tpu.memory_space<vmem>>, %arg7: memref<512x200xf32, #tpu.memory_space<vmem>>) attributes {dimension_semantics = [], scalar_prefetch = 0 : i64, scratch_operands = 0 : i64, tpu.core_type = #tpu.core_type<tc>} {
    %get3A = arith.constant 0 : index
    %get3A_0 = arith.constant 0 : index
    %get3A_1 = vector.load %arg0[%get3A, %get3A_0] : memref<512x200xf32, #tpu.memory_space<vmem>>, vector<512x200xf32>
    %get3A_2 = arith.constant 0 : index
    %get3A_3 = arith.constant 0 : index
    %get3A_4 = vector.load %arg1[%get3A_2, %get3A_3] : memref<512x1xf32, #tpu.memory_space<vmem>>, vector<512x1xf32>
    %add3A = arith.constant 9.99999996E-13 : f32
    %add3A_5 = vector.broadcast %add3A : f32 to vector<512x1xf32>
    %add3A_6 = arith.addf %get3A_4, %add3A_5 : vector<512x1xf32>
    %div3A = vector.broadcast %add3A_6 : vector<512x1xf32> to vector<512x200xf32>
    %div3A_7 = arith.divf %get3A_1, %div3A : vector<512x200xf32>
    %get3A_8 = arith.constant 0 : index
    %get3A_9 = arith.constant 0 : index
    %get3A_10 = vector.load %arg2[%get3A_8, %get3A_9] : memref<512x200xf32, #tpu.memory_space<vmem>>, vector<512x200xf32>
    %get3A_11 = arith.constant 0 : index
    %get3A_12 = arith.constant 0 : index
    %get3A_13 = vector.load %arg3[%get3A_11, %get3A_12] : memref<200x600xf32, #tpu.memory_space<vmem>>, vector<200x600xf32>
    %get3A_14 = arith.constant 0 : index
    %get3A_15 = arith.constant 0 : index
    %get3A_16 = vector.load %arg4[%get3A_14, %get3A_15] : memref<200x600xf32, #tpu.memory_space<vmem>>, vector<200x600xf32>
    %get3A_17 = arith.constant 0 : index
    %get3A_18 = arith.constant 0 : index
    %get3A_19 = vector.load %arg5[%get3A_17, %get3A_18] : memref<1x600xf32, #tpu.memory_space<vmem>>, vector<1x600xf32>
    %get3A_20 = arith.constant 0 : index
    %get3A_21 = arith.constant 0 : index
    %get3A_22 = vector.load %arg6[%get3A_20, %get3A_21] : memref<1x600xf32, #tpu.memory_space<vmem>>, vector<1x600xf32>
    %gt3A = arith.constant 0.000000e+00 : f32
    %gt3A_23 = vector.broadcast %gt3A : f32 to vector<512x200xf32>
    %gt3A_24 = arith.cmpf ogt, %div3A_7, %gt3A_23 : vector<512x200xf32>
    %exp3A = math.exp %div3A_7 : vector<512x200xf32>
    %sub3A = arith.constant 1.000000e+00 : f32
    %sub3A_25 = vector.broadcast %sub3A : f32 to vector<512x200xf32>
    %sub3A_26 = arith.subf %exp3A, %sub3A_25 : vector<512x200xf32>
    %select_n3A = arith.select %gt3A_24, %div3A_7, %sub3A_26 : vector<512x200xi1>, vector<512x200xf32>
    %dot_general3A = arith.constant dense<0.000000e+00> : vector<512x600xf32>
    %dot_general3A_27 = tpu.matmul %select_n3A, %get3A_13, %dot_general3A {dimension_numbers = #tpu.dot_dimension_numbers<[1], [0], [0], [1], [0, 0, 1, 1], [], []>, precision = #tpu.contract_precision<fp32>, transpose_lhs_hint = false} : vector<512x200xf32>, vector<200x600xf32>, vector<512x600xf32> -> vector<512x600xf32>
    %add3A_28 = vector.broadcast %get3A_19 : vector<1x600xf32> to vector<512x600xf32>
    %add3A_29 = arith.addf %dot_general3A_27, %add3A_28 : vector<512x600xf32>
    %dot_general3A_30 = arith.constant dense<0.000000e+00> : vector<512x600xf32>
    %dot_general3A_31 = tpu.matmul %get3A_10, %get3A_16, %dot_general3A_30 {dimension_numbers = #tpu.dot_dimension_numbers<[1], [0], [0], [1], [0, 0, 1, 1], [], []>, precision = #tpu.contract_precision<fp32>, transpose_lhs_hint = false} : vector<512x200xf32>, vector<200x600xf32>, vector<512x600xf32> -> vector<512x600xf32>
    %add3A_32 = vector.broadcast %get3A_22 : vector<1x600xf32> to vector<512x600xf32>
    %add3A_33 = arith.addf %dot_general3A_31, %add3A_32 : vector<512x600xf32>
    %slice3A = vector.extract_strided_slice %add3A_29 {offsets = [0, 0], sizes = [512, 200], strides = [1, 1]} : vector<512x600xf32> to vector<512x200xf32>
    %slice3A_34 = vector.extract_strided_slice %add3A_29 {offsets = [0, 200], sizes = [512, 200], strides = [1, 1]} : vector<512x600xf32> to vector<512x200xf32>
    %slice3A_35 = vector.extract_strided_slice %add3A_29 {offsets = [0, 400], sizes = [512, 200], strides = [1, 1]} : vector<512x600xf32> to vector<512x200xf32>
    %slice3A_36 = vector.extract_strided_slice %add3A_33 {offsets = [0, 0], sizes = [512, 200], strides = [1, 1]} : vector<512x600xf32> to vector<512x200xf32>
    %slice3A_37 = vector.extract_strided_slice %add3A_33 {offsets = [0, 200], sizes = [512, 200], strides = [1, 1]} : vector<512x600xf32> to vector<512x200xf32>
    %slice3A_38 = vector.extract_strided_slice %add3A_33 {offsets = [0, 400], sizes = [512, 200], strides = [1, 1]} : vector<512x600xf32> to vector<512x200xf32>
    %add3A_39 = arith.addf %slice3A, %slice3A_36 : vector<512x200xf32>
    %logistic3A = arith.negf %add3A_39 : vector<512x200xf32>
    %logistic3A_40 = math.exp %logistic3A : vector<512x200xf32>
    %logistic3A_41 = arith.constant 1.000000e+00 : f32
    %logistic3A_42 = vector.broadcast %logistic3A_41 : f32 to vector<512x200xf32>
    %logistic3A_43 = arith.addf %logistic3A_42, %logistic3A_40 : vector<512x200xf32>
    %logistic3A_44 = arith.divf %logistic3A_42, %logistic3A_43 : vector<512x200xf32>
    %add3A_45 = arith.addf %slice3A_34, %slice3A_37 : vector<512x200xf32>
    %logistic3A_46 = arith.negf %add3A_45 : vector<512x200xf32>
    %logistic3A_47 = math.exp %logistic3A_46 : vector<512x200xf32>
    %logistic3A_48 = arith.constant 1.000000e+00 : f32
    %logistic3A_49 = vector.broadcast %logistic3A_48 : f32 to vector<512x200xf32>
    %logistic3A_50 = arith.addf %logistic3A_49, %logistic3A_47 : vector<512x200xf32>
    %logistic3A_51 = arith.divf %logistic3A_49, %logistic3A_50 : vector<512x200xf32>
    %mul3A = arith.mulf %logistic3A_44, %slice3A_38 : vector<512x200xf32>
    %add3A_52 = arith.addf %slice3A_35, %mul3A : vector<512x200xf32>
    %tanh3A = math.tanh %add3A_52 : vector<512x200xf32>
    %sub3A_53 = arith.constant 1.000000e+00 : f32
    %sub3A_54 = vector.broadcast %sub3A_53 : f32 to vector<512x200xf32>
    %sub3A_55 = arith.subf %sub3A_54, %logistic3A_51 : vector<512x200xf32>
    %mul3A_56 = arith.mulf %sub3A_55, %tanh3A : vector<512x200xf32>
    %mul3A_57 = arith.mulf %logistic3A_51, %get3A_10 : vector<512x200xf32>
    %add3A_58 = arith.addf %mul3A_56, %mul3A_57 : vector<512x200xf32>
    %max3A = arith.constant 0.000000e+00 : f32
    %max3A_59 = vector.broadcast %max3A : f32 to vector<512x200xf32>
    %max3A_60 = arith.maximumf %add3A_58, %max3A_59 : vector<512x200xf32>
    %swap3A = arith.constant 0 : index
    %swap3A_61 = arith.constant 0 : index
    %swap3A_62 = vector.load %arg7[%swap3A, %swap3A_61] : memref<512x200xf32, #tpu.memory_space<vmem>>, vector<512x200xf32>
    tpu.vector_store %arg7[%swap3A, %swap3A_61], %max3A_60 {strides = array<i32>} : memref<512x200xf32, #tpu.memory_space<vmem>>, vector<512x200xf32>,
    return
  }
}

module attributes {stable_mosaic.version = 14 : i64} {
  func.func @_k6_body(%arg0: memref<512x200xf32, #tpu.memory_space<vmem>>, %arg1: memref<200x1xf32, #tpu.memory_space<vmem>>, %arg2: memref<1x1xf32, #tpu.memory_space<vmem>>, %arg3: memref<512x1xf32, #tpu.memory_space<vmem>>) attributes {dimension_semantics = [], scalar_prefetch = 0 : i64, scratch_operands = 0 : i64, tpu.core_type = #tpu.core_type<tc>} {
    %get3A = arith.constant 0 : index
    %get3A_0 = arith.constant 0 : index
    %get3A_1 = vector.load %arg0[%get3A, %get3A_0] : memref<512x200xf32, #tpu.memory_space<vmem>>, vector<512x200xf32>
    %get3A_2 = arith.constant 0 : index
    %get3A_3 = arith.constant 0 : index
    %get3A_4 = vector.load %arg1[%get3A_2, %get3A_3] : memref<200x1xf32, #tpu.memory_space<vmem>>, vector<200x1xf32>
    %dot_general3A = arith.constant dense<0.000000e+00> : vector<512x1xf32>
    %dot_general3A_5 = tpu.matmul %get3A_1, %get3A_4, %dot_general3A {dimension_numbers = #tpu.dot_dimension_numbers<[1], [0], [0], [1], [0, 0, 1, 1], [], []>, precision = #tpu.contract_precision<fp32>, transpose_lhs_hint = false} : vector<512x200xf32>, vector<200x1xf32>, vector<512x1xf32> -> vector<512x1xf32>
    %get3A_6 = arith.constant 0 : index
    %get3A_7 = arith.constant 0 : index
    %get3A_8 = vector.load %arg2[%get3A_6, %get3A_7] : memref<1x1xf32, #tpu.memory_space<vmem>>, vector<1x1xf32>
    %get3A_9 = vector.extract %get3A_8[0, 0] : f32 from vector<1x1xf32>
    %add3A = vector.broadcast %get3A_9 : f32 to vector<512x1xf32>
    %add3A_10 = arith.addf %dot_general3A_5, %add3A : vector<512x1xf32>
    %swap3A = arith.constant 0 : index
    %swap3A_11 = arith.constant 0 : index
    %swap3A_12 = vector.load %arg3[%swap3A, %swap3A_11] : memref<512x1xf32, #tpu.memory_space<vmem>>, vector<512x1xf32>
    tpu.vector_store %arg3[%swap3A, %swap3A_11], %add3A_10 {strides = array<i32>} : memref<512x1xf32, #tpu.memory_space<vmem>>, vector<512x1xf32>,
    return
  }
}

</mosaic_0001>

<sc_bundles>
// kernel: kernel.14.cloned.1.call-start
scs
__scs_entry_jumppad:
0x0: {  	(pc) =	sbr.rel $0x88, $3  }
0x1: {  	(tag) =	ssettag $0x0;
	lr =	simm.s32 $0x1  }
0x2: {  	[smem:$0x3F77] =	sst lr;
	_ =	strace $0xD0000000  }
0x3: {  	_ = 	snop  }
0x4: {  	_ = 	snop  }
0x5: {  	_ = 	snop  }
0x6: {  	_ = 	snop  }
0x7: {  	_ = 	snop  }
__scs_overlays_trampoline_lowered:
0x8: {  	[smem:$0x3F86] =	sst s0  }
0x9: {  	[smem:$0x3F87] =	sst s1  }
0xa: {  	[smem:$0x3F88] =	sst s2  }
0xb: {  	[smem:$0x3F89] =	sst s3  }
0xc: {  	[smem:$0x3F8A] =	sst s4  }
0xd: {  	[smem:$0x3F8B] =	sst s5  }
0xe: {  	[smem:$0x3F8C] =	sst s6  }
0xf: {  	[smem:$0x3F8D] =	sst s7  }
0x10: {  	[smem:$0x3F8E] =	sst s8  }
0x11: {  	[smem:$0x3F8F] =	sst s9;
	s0 =	simm.s32 @!p0 $0x0  }
0x12: {  	s1 =	sld [smem:$0x3F75];
	s0 =	simm.s32 @p0 $0x1  }
0x13: {  	[smem:$0x3F90] =	sst s0;
	s0 =	simm.s32 @!p1 $0x0  }
0x14: {  	s2 =	sld [smem:$0x3F74];
	s0 =	simm.s32 @p1 $0x1  }
0x15: {  	[smem:$0x3F91] =	sst s0;
	s0 =	simm.s32 @!p2 $0x0  }
0x16: {  	s3 =	sld [smem:$0x3FDB];
	s0 =	simm.s32 @p2 $0x1  }
0x17: {  	s4 =	simm.s32 $0x1BF5;
	[smem:$0x3F93] =	sst s0  }
0x18: {  	s0 =	sld [smem:$0x3F76];
	_ =	swait.ge [sflag:s4], $0x0  }
0x19: {  	s7 =	sld [smem:$0x3F77]  }
0x1a: {  	s8 =	sadd.s32 $0xFFFFE003, lr  }
0x1b: {  	s9 =	sadd.s32 $0xFFFFFEF7, lr;
	s5 =	simm.s32 $0xFFFFFFFF;
	p2 =	slt.u32 s8, $0xFFFFF086  }
0x1c: {  	p1 =	slt.u32 s9, $0xF7A;
	s5 =	simm.s32 @!p2 $0x0  }
0x1d: {  	s5 =	simm.s32 @p1 $0x1;
	p0 =	seq.s32 s7, s2  }
0x1e: {  	s7 =	smul.u32 @!p0 $0xF7A, s2;
	p2 =	seq.s32 @!p0 s5, $0x0  }
0x1f: {  	s9 =	smul.u32 $0xF7A, s1;
	s8 =	simm.s32 @!p0 $0x1BF5;
	p2 =	por !p2, p0  }
0x20: {  	[sflag:s8] =	ssyncset.s32 @!p0 $0xFFFFF086;
	s6 =	sadd.s32 @!p0 s3, s7;
	s7 =	simm.s32 @!p0 $0x108  }
0x21: {  	s3 =	sadd.s32 s3, s9;
	s6 =	sadd.s32 @!p0 $0x88, s6;
	s7 =	simm.s32 @p2 $0x1082  }
0x22: {  	[simem:s7], [sflag:s8] =	dma.local @!p0 [hbm:s6], $0xF7A  }
0x23: {  	s9 =	sor.u32 $0xD0000000, s2;
	s6 =	simm.s32 $0x108;
	_ =	swait.ge @!p0 [sflag:s8], $0x0  }
0x24: {  	s3 =	sadd.s32 $0x88, s3;
	s6 =	simm.s32 @!p1 $0x1082;
	[sflag:s4] =	ssyncset.s32 $0xFFFFF086  }
0x25: {  	[simem:s6], [sflag:s4] =	dma.local [hbm:s3], $0xF7A  }
0x26: {  	[smem:$0x3F77] =	sst s1;
	(tag) =	ssettag s2;
	_ =	strace s9  }
0x27: {  	s1 =	sld [smem:$0x3F87]  }
0x28: {  	s2 =	sld [smem:$0x3F88]  }
0x29: {  	s4 =	sld [smem:$0x3F8A]  }
0x2a: {  	p0 =	seq.s32 s5, $0x0;
	s5 =	sld [smem:$0x3F8B]  }
0x2b: {  	s6 =	sld [smem:$0x3F8C]  }
0x2c: {  	s7 =	sld [smem:$0x3F8D]  }
0x2d: {  	s3 =	simm.s32 $0x108;
	s8 =	sld [smem:$0x3F8E]  }
0x2e: {  	s3 =	simm.s32 @!p0 $0x1082;
	s9 =	sld [smem:$0x3F8F]  }
0x2f: {  	lr =	sadd.s32 s0, s3;
	s0 =	sld [smem:$0x3F86]  }
0x30: {  	s3 =	sld [smem:$0x3F89]  }
0x31: {  	[smem:$0x3F92] =	sst s10  }
0x32: {  	s10 =	sld [smem:$0x3F90];
	_ =	sdelay $0x3  }
0x33: {  	p0 =	seq.s32 s10, $0x1;
	s10 =	sld [smem:$0x3F92];
	_ =	sdelay $0x3  }
0x34: {  	[smem:$0x3F92] =	sst s10  }
0x35: {  	s10 =	sld [smem:$0x3F91];
	_ =	sdelay $0x3  }
0x36: {  	p1 =	seq.s32 s10, $0x1;
	s10 =	sld [smem:$0x3F92];
	_ =	sdelay $0x3  }
0x37: {  	[smem:$0x3F92] =	sst s10  }
0x38: {  	s10 =	sld [smem:$0x3F93]  }
0x39: {  	_ = 	snop;
	(pc) =	sbr.ind lr, $3  }
0x3a: {  	_ = 	snop  }
0x3b: {  	_ = 	snop  }
0x3c: {  	p2 =	seq.s32 s10, $0x1;
	s10 =	sld [smem:$0x3F92]  }
0x3d: {  	_ =	shalt  }
0x3e: {  	_ =	shalt  }
0x3f: {  	_ =	shalt  }
0x40: {  	_ =	shalt  }
0x41: {  	_ =	shalt  }
0x42: {  	_ =	shalt  }
0x43: {  	_ =	shalt  }
0x44: {  	_ =	shalt  }
0x45: {  	_ =	shalt  }
0x46: {  	_ =	shalt  }
0x47: {  	_ =	shalt  }
0x48: {  	_ =	shalt  }
0x49: {  	_ =	shalt  }
0x4a: {  	_ =	shalt  }
0x4b: {  	_ =	shalt  }
0x4c: {  	_ =	shalt  }
0x4d: {  	_ =	shalt  }
0x4e: {  	_ =	shalt  }
0x4f: {  	_ =	shalt  }
0x50: {  	_ =	shalt  }
0x51: {  	_ =	shalt  }
0x52: {  	_ =	shalt  }
0x53: {  	_ =	shalt  }
0x54: {  	_ =	shalt  }
0x55: {  	_ =	shalt  }
0x56: {  	_ =	shalt  }
0x57: {  	_ =	shalt  }
0x58: {  	_ =	shalt  }
0x59: {  	_ =	shalt  }
0x5a: {  	_ =	shalt  }
0x5b: {  	_ =	shalt  }
0x5c: {  	_ =	shalt  }
0x5d: {  	_ =	shalt  }
0x5e: {  	_ =	shalt  }
0x5f: {  	_ =	shalt  }
0x60: {  	_ =	shalt  }
0x61: {  	_ =	shalt  }
0x62: {  	_ =	shalt  }
0x63: {  	_ =	shalt  }
0x64: {  	_ =	shalt  }
0x65: {  	_ =	shalt  }
0x66: {  	_ =	shalt  }
0x67: {  	_ =	shalt  }
0x68: {  	_ =	shalt  }
0x69: {  	_ =	shalt  }
0x6a: {  	_ =	shalt  }
0x6b: {  	_ =	shalt  }
0x6c: {  	_ =	shalt  }
0x6d: {  	_ =	shalt  }
0x6e: {  	_ =	shalt  }
0x6f: {  	_ =	shalt  }
0x70: {  	_ =	shalt  }
0x71: {  	_ =	shalt  }
0x72: {  	_ =	shalt  }
0x73: {  	_ =	shalt  }
0x74: {  	_ =	shalt  }
0x75: {  	_ =	shalt  }
0x76: {  	_ =	shalt  }
0x77: {  	_ =	shalt  }
0x78: {  	_ =	shalt  }
0x79: {  	_ =	shalt  }
0x7a: {  	_ =	shalt  }
0x7b: {  	_ =	shalt  }
0x7c: {  	_ =	shalt  }
0x7d: {  	_ =	shalt  }
0x7e: {  	_ =	shalt  }
0x7f: {  	_ =	shalt  }
0x80: {  	_ =	shalt  }
0x81: {  	_ =	shalt  }
0x82: {  	_ =	shalt  }
0x83: {  	_ =	shalt  }
0x84: {  	_ =	shalt  }
0x85: {  	_ =	shalt  }
0x86: {  	_ =	shalt  }
0x87: {  	_ =	shalt  }
.Lfunc_end0:
.L_simem_size_0:
called_computation_lowered:
.L_overlay_start_0:
0x88: {  	s2 =	sld [smem:$0x3FD9]  }
0x89: {  	s3 =	sld [smem:$0x3FFE];
	_ =	sdelay $0x1  }
0x8a: {  	s1 =	srdreg.scid  }
0x8b: {  	s0 =	sand.u32 $0x1, s1  }
0x8c: {  	s17 =	sshll.u32 s0, $0xA;
	s2 =	sadd.s32 s3, s2  }
0x8d: {  	s2 =	sadd.s32 s2, s17  }
0x8e: {  	[smem:$0x3F9E] =	sst s2  }
0x8f: {  	_ = 	snop  }
0x90: {  	s2 =	sld [smem:$0x3FD0];
	(tm) =	ssettm $0x1  }
0x91: {  	s18 =	sld [smem:$0x3FFB];
	_ =	sdelay $0x3  }
0x92: {  	_ =	strace s18  }
0x93: {  	s3 =	sld [smem:$0x3FFC];
	_ =	sdelay $0x3  }
0x94: {  	_ =	strace s3  }
0x95: {  	s3 =	sld [smem:$0x3FFD];
	_ =	sdelay $0x3  }
0x96: {  	_ =	strace s3  }
0x97: {  	_ =	strace $0x8FFFFFFF  }
0x98: {  	s19 =	sld [smem:$0x3FDB];
	_ =	sdelay $0x1  }
0x99: {  	s4 =	simm.s32 $_scs_section_size  }
0x9a: {  	s5 =	simm.s32 $_size__tile_overlayer_lowered;
	s6 =	simm.s32 $_tile_overlayer_lowered  }
0x9b: {  	s22 =	simm.s32 $0x1BFF;
	s21 =	sshll.u32 s6, $0x1;
	s3 =	sadd.s32 s4, s19  }
0x9c: {  	s7 =	simm.s32 $0x0;
	s20 =	sshll.u32 s5, $0x1;
	s5 =	sadd.s32 s21, s3  }
0x9d: {  	[timem:s7], [sflag:s22] =	dma.local [hbm:s5], s20  }
0x9e: {  	_ =	swait.ge [sflag:s22], s20  }
0x9f: {  	s4 =	ssub.s32 $0x0, s20;
	[sflag:s22] =	ssyncset.done $0x0  }
0xa0: {  	[sflag:s22] =	ssyncadd.s32 s4;
	_ =	sdelay $0x1  }
0xa1: {  	s23 =	simm.s32 $0x1B8B  }
0xa2: {  	_ =	swait.ge [sflag:s23], $0x1  }
0xa3: {  	[sflag:s23] =	ssyncset.done $0x0  }
0xa4: {  	s25 =	simm.s32 $0x1B8E;
	s24 =	sld [smem:$0x3FFE];
	[sflag:s23] =	ssyncadd.s32 $0xFFFFFFFF  }
0xa5: {  	s26 =	simm.s32 $execute0_lowered;
	[smem:$0x3FD2] =	sst s25  }
0xa6: {  	s5 =	sshll.u32 s26, $0x1;
	_ =	strace $0x80000046;
	[dreg:$0x1] =	wrdreg $0xFFFFFFFF  }
0xa7: {  	s28 =	simm.s32 $_size_execute0_lowered;
	s3 =	sadd.s32 s3, s5;
	[dreg:$0x0] =	wrdreg $0x0  }
0xa8: {  	s5 =	sshll.u32 s28, $0x1;
	[dreg:$0x2] =	wrdreg s3  }
0xa9: {  	[dreg:$0x3] =	wrdreg s5  }
0xaa: {  	[dreg:$0x4] =	wrdreg $0xC0  }
0xab: {  	_ =	task [dreg:s7], $0x5FFFF  }
0xac: {  	[dreg:$0x1] =	wrdreg $0xFFFFFFFF  }
0xad: {  	[dreg:$0x0] =	wrdreg $0x60  }
0xae: {  	[dreg:$0x2] =	wrdreg s24  }
0xaf: {  	[dreg:$0x3] =	wrdreg s2  }
0xb0: {  	[dreg:$0x4] =	wrdreg $0xAB300  }
0xb1: {  	[dreg:$0x5] =	wrdreg $0x9  }
0xb2: {  	_ =	task.clear_ibuf [dreg:s7], $0x6FFFF;
	_ =	strace $0x90000046  }
0xb3: {  	s29 =	simm.s32 $0x9;
	_ =	strace $0x80000048  }
0xb4: {  	_ =	swait.ge [sflag:s29], $0x1  }
0xb5: {  	[sflag:s29] =	ssyncadd.s32 $0xFFFFFFFF  }
0xb6: {  	_ =	strace $0x90000048  }
0xb7: {  	_ =	sfence  }
0xb8: {  	s30 =	sld [smem:$0x0];
	_ =	sdelay $0x2  }
0xb9: {  	s31 =	sshll.u32 s1, $0xD;
	s1 =	sshrl.u32 s1, $0x2  }
0xba: {  	s3 =	sand.u32 $0x4000, s31;
	s1 =	sadd.s32 s1, s30  }
0xbb: {  	s0 =	sor.u32 s3, s0;
	s1 =	sshll.u32 s1, $0x11  }
0xbc: {  	s0 =	sor.u32 s1, s0  }
0xbd: {  	s0 =	sadd.s32 $0x8F2B, s0  }
0xbe: {  	[sflag:s0] =	ssyncadd.remote.s32 $0x1  }
0xbf: {  	_ =	sfence.sel $0xFFFF  }
0xc0: {  	[dreg:$0x0] =	wrdreg $0xFFFFFFFF;
	(pc) =	sbr.abs _section_cstart, $3  }
0xc1: {  	[dreg:$0x1] =	wrdreg $0xFFFFFFFF  }
0xc2: {  	_ =	task.clear_ibuf [dreg:s7], $0x2FFFF;
	_ =	strace $0x9FFFFFFF  }
0xc3: {  	(tm) =	ssettm $0x7FFFFFFF  }
tec
execute0_lowered:
.L_overlay_start_1:
0x0: {  	(tag) =	ssettag $0x1  }
0x1: {  	s0 =	rddreg [dreg:$0x0]  }
0x2: {  	s2 =	rddreg [dreg:$0x2];
	s1 =	simm.s32 $0x0  }
0x3: {  	s22 =	srdreg.scid;
	s15 =	stileid.u32;
	s28 =	simm.s32 $0x1  }
0x4: {  	s29 =	simm.s32 $0x41F0;
	s30 =	simm.s32 $0xA0;
	s31 =	simm.s32 $0x0  }
0x5: {  	[smem:$0x7FF] =	sst s1;
	s4 =	sadd.s32 $0xC7C00, s0;
	s5 =	sadd.s32 $0xFAD400, s0  }
0x6: {  	s21 =	sadd.s32 $0xA0A00, s0;
	s8 =	sadd.s32 $0xE400, s0;
	s9 =	sadd.s32 $0x4600, s0  }
0x7: {  	s1 =	sand.u32 $0x1, s22;
	s10 =	sadd.s32 $0xA1000, s0;
	s0 =	sadd.s32 $0x107400, s0  }
0x8: {  	s7 =	smul.u32 $0xFD80, s15;
	s23 =	sshll.u32 s15, $0x6;
	s16 =	sadd.s32 $0xFD800, s2  }
0x9: {  	p0 =	sne.s32 s15, $0xF;
	s22 =	simm.s32 $0x2;
	_ =	strace $0x80000047  }
0xa: {  	[dreg:$0x4] =	wrdreg s21;
	s3 =	ssub.s32 $0x2, s1;
	s12 =	smul.u32 $0xFDE80, s1  }
0xb: {  	s11 =	sor.u32 $0x1C02, s23;
	[dreg:$0x7] =	wrdreg s16;
	s1 =	smul.u32 $0x1388, s1  }
0xc: {  	s23 =	simm.s32 $0x82F0;
	s6 =	sshrl.u32 s3, $0x1;
	s13 =	sadd.s32 s7, s2  }
0xd: {  	s24 =	sadd.s32 $0x5480, s7;
	s17 =	sadd.s32 $0xA900, s7;
	s3 =	ssub.s32 s3, s6  }
0xe: {  	s14 =	sadd.s32 s24, s2;
	s7 =	sadd.s32 s7, s12;
	s25 =	sadd.s32 s17, s2  }
0xf: {  	s6 =	sadd.s32 s12, s24;
	s26 =	sadd.s32 s12, s17;
	[dreg:$0x5] =	wrdreg s14  }
0x10: {  	s12 =	sshrl.u32 s12, $0x3;
	s21 =	sshrl.u32 s13, $0x3;
	[dreg:$0x6] =	wrdreg s25  }
0x11: {  	s14 =	smul.u32 $0x4E20, s15;
	s7 =	sshrl.u32 s7, $0x3;
	s6 =	sshrl.u32 s6, $0x3  }
0x12: {  	s12 =	sadd.s32 s0, s12;
	s20 =	smax.u32 s3, $0x1;
	s25 =	simm.s32 $0x50  }
0x13: {  	s16 =	sadd.s32 s0, s7;
	s7 =	sshrl.u32 s26, $0x3;
	s17 =	sadd.s32 s0, s6  }
0x14: {  	vm0 =	vcmask $0x1F24;
	v0 =	vmov s1;
	s19 =	sadd.s32 $0x1FB00, s12;
	s26 =	simm.s32 $0xF0;
	s18 =	sadd.s32 s0, s7  }
.LBB2_1:
0x15: {  	[spmem:s21], [sflag:s11] =	dma.local [hbm:s10], $0xA90  }
0x16: {  	_ =	swait.ge [sflag:s22], $0xA90  }
0x17: {  	[sflag:s22] =	ssyncset.done $0x0;
	s0 =	rddreg [dreg:$0x5]  }
0x18: {  	[sflag:s22] =	ssyncadd.s32 $0xFFFFF570;
	s0 =	sshrl.u32 s0, $0x3  }
0x19: {  	[spmem:s0], [sflag:s11] =	dma.local [hbm:s10], $0xA90  }
0x1a: {  	_ =	swait.ge [sflag:s22], $0xA90  }
0x1b: {  	[sflag:s22] =	ssyncset.done $0x0;
	s1 =	rddreg [dreg:$0x6]  }
0x1c: {  	[sflag:s22] =	ssyncadd.s32 $0xFFFFF570;
	s7 =	sshrl.u32 s1, $0x3  }
0x1d: {  	[spmem:s7], [sflag:s11] =	dma.local [hbm:s10], $0xA90  }
0x1e: {  	_ =	swait.ge [sflag:s22], $0xA90  }
0x1f: {  	[sflag:s22] =	ssyncset.done $0x0;
	s1 =	rddreg [dreg:$0x7]  }
0x20: {  	s3 =	simm.s32 @!p0 $0x2;
	[sflag:s22] =	ssyncadd.s32 $0xFFFFF570;
	s1 =	sshrl.u32 @!p0 s1, $0x3  }
0x21: {  	[spmem:s1], [sflag:s11] =	dma.local @!p0 [hbm:s10], $0x1A0  }
0x22: {  	_ =	swait.ge @!p0 [sflag:s3], $0x1A0  }
0x23: {  	[sflag:s3] =	ssyncset.done @!p0 $0x0  }
0x24: {  	s6 =	simm.s32 $0x0;
	s15 =	rddreg [dreg:$0x4];
	[sflag:s3] =	ssyncadd.s32 @!p0 $0xFFFFFE60  }
0x25: {  	[tilespmem:s23], [sflag:$0x2] =	stream.linear.gather [hbm4b:s15+s6], $0x2710, $0x38;
	[tilespmem:$0x1A980] =	vst v63  }
0x26: {  	_ =	swait.ge [sflag:s22], $0x2710  }
0x27: {  	[sflag:s22] =	ssyncset.done $0x0  }
0x28: {  	[sflag:s22] =	ssyncadd.s32 $0xFFFFD8F0  }
0x29: {  	s12 =	simm.s32 $0xAA00;
	s24 =	rddreg [dreg:$0x1]  }
0x2a: {  	[tilespmem:s12], [sflag:$0x2] =	stream.linear.gather [hbm4b:s24+s6], $0xD0, $0x38;
	[tilespmem:$0x1A980] =	vst v63  }
0x2b: {  	_ =	swait.ge [sflag:s22], $0xD0  }
0x2c: {  	[sflag:s22] =	ssyncset.done $0x0  }
0x2d: {  	[sflag:s22] =	ssyncadd.s32 $0xFFFFFF30  }
0x2e: {  	s24 =	simm.s32 $0x0;
	[bflag:$0x0] =	sbarrier.arrive $0xFFFF  }
.LBB2_2:
0x2f: {  	s3 =	smul.u32 $0x50, s24;
	_ =	sdelay $0x1  }
0x30: {  	s3 =	sadd.s32 s14, s3  }
0x31: {  	s6 =	sshrl.u32 s3, $0x3  }
0x32: {  	s13 =	simm.s32 $0x0;
	s12 =	sadd.s32 s8, s6  }
0x33: {  	[tilespmem:s13], [sflag:$0x2] =	stream.linear.gather [hbm4b:s12+s13], $0x50, $0x38;
	[tilespmem:$0x1A980] =	vst v63  }
0x34: {  	_ =	swait.ge [sflag:s22], $0x50  }
0x35: {  	[sflag:s22] =	ssyncset.done $0x0  }
0x36: {  	s6 =	sadd.s32 s9, s6;
	[sflag:s22] =	ssyncadd.s32 $0xFFFFFFB0  }
0x37: {  	[tilespmem:s25], [sflag:$0x2] =	stream.linear.gather [hbm4b:s6+s13], $0x50, $0x38;
	[tilespmem:$0x1A980] =	vst v63  }
0x38: {  	_ =	swait.ge [sflag:s22], $0x50  }
0x39: {  	[sflag:s22] =	ssyncset.done $0x0  }
0x3a: {  	[sflag:s22] =	ssyncadd.s32 $0xFFFFFFB0  }
0x3b: {  	[tilespmem:s26], [sflag:$0x1] =	stream.indirect.gather [hbm4b:s4+s25], $0xD0, s13, s25, $0xb8;
	[tilespmem:$0x1A980] =	vst v63  }
0x3c: {  	s3 =	smul.u32 $0x1A, s3;
	_ =	swait.ge [sflag:s28], $0x4100  }
0x3d: {  	[sflag:s28] =	ssyncset.done $0x0  }
0x3e: {  	s3 =	sadd.s32 s5, s3;
	[sflag:s28] =	ssyncadd.s32 $0xFFFFBF00  }
0x3f: {  	[tilespmem:s29], [sflag:$0x2] =	stream.linear.gather [hbm4b:s3+s13], $0x4100, $0x38;
	[tilespmem:$0x1A980] =	vst v63  }
0x40: {  	_ =	swait.ge [sflag:s22], $0x4100  }
0x41: {  	[sflag:s22] =	ssyncset.done $0x0  }
0x42: {  	[sflag:s22] =	ssyncadd.s32 $0xFFFFBF00  }
0x43: {  	v1 =	vld [tilespmem:$0x50];
	_ =	sdelay $0x5  }
0x44: {  	v2 =	vld [tilespmem:$0x60];
	_ =	sdelay $0x1  }
0x45: {  	v3 =	vld.idx.msk [tilespmem:v1+s23+$0x0], $0xffff;
	_ =	sdelay $0x1  }
0x46: {  	v1 =	vsub.s32 v1, v0  }
0x47: {  	v1 =	vmin.u32 v1, $0x1388  }
0x48: {  	[tilespmem:$0xA0] =	vst v1;
	v1 =	vld [tilespmem:$0x70]  }
0x49: {  	[tilespmem:$0xAAD0] =	vst v3  }
0x4a: {  	v3 =	vld.idx.msk [tilespmem:v2+s23+$0x0], $0xffff;
	_ =	sdelay $0x1  }
0x4b: {  	v2 =	vsub.s32 v2, v0  }
0x4c: {  	v2 =	vmin.u32 v2, $0x1388  }
0x4d: {  	[tilespmem:$0xB0] =	vst v2;
	v2 =	vld [tilespmem:$0x80]  }
0x4e: {  	[tilespmem:$0xAAE0] =	vst v3  }
0x4f: {  	v3 =	vld.idx.msk [tilespmem:v1+s23+$0x0], $0xffff;
	_ =	sdelay $0x1  }
0x50: {  	v1 =	vsub.s32 v1, v0  }
0x51: {  	v1 =	vmin.u32 v1, $0x1388  }
0x52: {  	[tilespmem:$0xC0] =	vst v1;
	v1 =	vld [tilespmem:$0x90]  }
0x53: {  	[tilespmem:$0xAAF0] =	vst v3  }
0x54: {  	v3 =	vld.idx.msk [tilespmem:v2+s23+$0x0], $0xffff;
	_ =	sdelay $0x1  }
0x55: {  	v2 =	vsub.s32 v2, v0  }
0x56: {  	v2 =	vmin.u32 v2, $0x1388  }
0x57: {  	[tilespmem:$0xD0] =	vst v2  }
0x58: {  	[tilespmem:$0xAB00] =	vst v3  }
0x59: {  	v2 =	vld.idx.msk [tilespmem:v1+s23+$0x0], $0xffff  }
0x5a: {  	v48 =	vld [tilespmem:$0xAA20]  }
0x5b: {  	v49 =	vld [tilespmem:$0xAA30];
	v1 =	vsub.s32 v1, v0  }
0x5c: {  	v22 =	vld [tilespmem:$0xAA40];
	v1 =	vmin.u32 v1, $0x1388  }
0x5d: {  	v50 =	vld [tilespmem:$0xAA60];
	[tilespmem:$0xE0] =	vst v1  }
0x5e: {  	s3 =	simm.s32 $0x0;
	v52 =	vld [tilespmem:$0xAA80];
	[tilespmem:$0xAB10] =	vst v2  }
0x5f: {  	v1 =	vld [tilespmem:s3+$0x4200]  }
0x60: {  	v4 =	vld [tilespmem:s3+$0x4230]  }
0x61: {  	v2 =	vld [tilespmem:s3+$0x41F0]  }
0x62: {  	v3 =	vld [tilespmem:s3+$0x4210]  }
0x63: {  	v5 =	vld [tilespmem:s3+$0x4220]  }
0x64: {  	v6 =	vld [tilespmem:s3+$0x120]  }
0x65: {  	v7 =	vld [tilespmem:s3+$0xF0]  }
0x66: {  	v8 =	vld [tilespmem:s3+$0x130]  }
0x67: {  	v13 =	vld [tilespmem:s3+$0x100]  }
0x68: {  	v9 =	vld [tilespmem:s3+$0x4270]  }
0x69: {  	v11 =	vld [tilespmem:s3+$0x110]  }
0x6a: {  	v2 =	vadd.f32 v2, v7;
	v7 =	vld [tilespmem:$0xAA00]  }
0x6b: {  	v10 =	vld [tilespmem:s3+$0x4250]  }
0x6c: {  	v1 =	vadd.f32 v1, v13;
	v13 =	vld [tilespmem:$0xAA10];
	v18 =	vmul.f32 $9.999999770e-03, v2  }
0x6d: {  	v12 =	vld [tilespmem:s3+$0x150];
	vm1 =	vge.f32 v2, $0.0e+00  }
0x6e: {  	v15 =	vld [tilespmem:s3+$0x140];
	v11 =	vadd.f32 v3, v11;
	v20 =	vmul.f32 $9.999999770e-03, v1;
	v3 =	vsel vm1, v2, v18  }
0x6f: {  	v19 =	vld [tilespmem:s3+$0x4240];
	vm1 =	vge.f32 v1, $0.0e+00;
	v7 =	vmul.f32 v3, v7  }
0x70: {  	v14 =	vld [tilespmem:s3+$0x170];
	v6 =	vadd.f32 v5, v6;
	v5 =	vmul.f32 $9.999999770e-03, v11;
	v2 =	vsel vm1, v1, v20  }
0x71: {  	v16 =	vld [tilespmem:s3+$0x42B0];
	vm1 =	vge.f32 v11, $0.0e+00;
	v1 =	vadd.f32 $0.0e+00, v7;
	v7 =	vmul.f32 v2, v13  }
0x72: {  	v17 =	vld [tilespmem:s3+$0x4260];
	v4 =	vadd.f32 v4, v8;
	v5 =	vsel vm1, v11, v5;
	v13 =	vmul.f32 $9.999999770e-03, v6  }
0x73: {  	v21 =	vld [tilespmem:s3+$0x160];
	vm1 =	vge.f32 v6, $0.0e+00;
	v18 =	vmul.f32 v5, v48;
	v7 =	vadd.f32 v7, v1  }
0x74: {  	v8 =	vld [tilespmem:$0xAA50];
	v1 =	vsel vm1, v6, v13;
	v6 =	vmul.f32 $9.999999770e-03, v4;
	v13 =	vadd.f32 v19, v15  }
0x75: {  	v51 =	vld [tilespmem:s3+$0x180];
	vm1 =	vge.f32 v4, $0.0e+00;
	v20 =	vmul.f32 v1, v49;
	v7 =	vadd.f32 v18, v7  }
0x76: {  	v15 =	vld [tilespmem:s3+$0x4290];
	v4 =	vsel vm1, v4, v6;
	v6 =	vadd.f32 v10, v12;
	v10 =	vmul.f32 $9.999999770e-03, v13  }
0x77: {  	v12 =	vld [tilespmem:s3+$0x4280];
	vm1 =	vge.f32 v13, $0.0e+00;
	v22 =	vmul.f32 v4, v22;
	v20 =	vadd.f32 v20, v7  }
0x78: {  	v17 =	vadd.f32 v17, v21;
	v23 =	vmul.f32 $9.999999770e-03, v6;
	v7 =	vsel vm1, v13, v10;
	v10 =	vld [tilespmem:$0xAA70]  }
0x79: {  	vm1 =	vge.f32 v6, $0.0e+00;
	v13 =	vld [tilespmem:s3+$0x190];
	v8 =	vmul.f32 v7, v8;
	v20 =	vadd.f32 v22, v20  }
0x7a: {  	v53 =	vld [tilespmem:s3+$0x1A0];
	v9 =	vadd.f32 v9, v14;
	v14 =	vmul.f32 $9.999999770e-03, v17;
	v6 =	vsel vm1, v6, v23  }
0x7b: {  	v11 =	vld [tilespmem:s3+$0x42A0];
	vm1 =	vge.f32 v17, $0.0e+00;
	v19 =	vmul.f32 v6, v50;
	v20 =	vadd.f32 v8, v20  }
0x7c: {  	v54 =	vmul.f32 $9.999999770e-03, v9;
	v12 =	vadd.f32 v12, v51;
	v8 =	vsel vm1, v17, v14;
	v14 =	vld [tilespmem:$0xAA90]  }
0x7d: {  	v55 =	vld [tilespmem:s3+$0x1B0];
	vm1 =	vge.f32 v9, $0.0e+00;
	v10 =	vmul.f32 v8, v10;
	v56 =	vadd.f32 v19, v20  }
0x7e: {  	v9 =	vsel vm1, v9, v54;
	v57 =	vmul.f32 $9.999999770e-03, v12;
	v13 =	vadd.f32 v15, v13;
	v15 =	vld [tilespmem:$0xAAA0]  }
0x7f: {  	vm1 =	vge.f32 v12, $0.0e+00;
	v58 =	vmul.f32 v9, v52;
	v18 =	vadd.f32 v10, v56  }
0x80: {  	v60 =	vld [tilespmem:$0xAAB0];
	v59 =	vadd.f32 v11, v53;
	v10 =	vsel vm1, v12, v57;
	v12 =	vmul.f32 $9.999999770e-03, v13  }
0x81: {  	vm1 =	vge.f32 v13, $0.0e+00;
	v14 =	vmul.f32 v10, v14;
	v18 =	vadd.f32 v58, v18  }
0x82: {  	v62 =	vld [tilespmem:$0xAAC0];
	v16 =	vadd.f32 v16, v55;
	v61 =	vmul.f32 $9.999999770e-03, v59;
	v11 =	vsel vm1, v13, v12  }
0x83: {  	vm1 =	vge.f32 v59, $0.0e+00;
	v13 =	vmul.f32 v11, v15;
	v14 =	vadd.f32 v14, v18  }
0x84: {  	v12 =	vsel vm1, v59, v61;
	v15 =	vmul.f32 $9.999999770e-03, v16  }
0x85: {  	vm1 =	vge.f32 v16, $0.0e+00;
	v63 =	vmul.f32 v12, v60;
	v14 =	vadd.f32 v13, v14  }
0x86: {  	v13 =	vsel vm1, v16, v15  }
0x87: {  	v15 =	vmul.f32 v13, v62;
	v14 =	vadd.f32 v63, v14;
	_ =	sdelay $0x1  }
0x88: {  	v14 =	vadd.f32 v15, v14;
	_ =	sdelay $0x1  }
0x89: {  	(xrf2) =	vadd.scan.msk.f32 $0xffff, v14;
	_ =	sdelay $0x3  }
0x8a: {  	s6 =	simm.s32 $0xAAD0  }
0x8b: {  	v14 =	vld [tilespmem:s6+$0x0];
	_ =	sdelay $0x4  }
0x8c: {  	(v2sf) =	vpush v14, $0x0;
	v15, _, _ =	vpop (xrf2)  }
0x8d: {  	(v2sf) =	vpush v15, $0xF;
	_ =	sdelay $0xd  }
0x8e: {  	s13 =	spop (v2sf)  }
0x8f: {  	s15 =	spop (v2sf)  }
0x90: {  	s15 =	sadd.f32 s15, s13;
	_ =	sdelay $0x1  }
0x91: {  	p1 =	sge.f32 s15, $0.0e+00;
	s13 =	smul.f32 $9.999999770e-03, s15  }
0x92: {  	_ = 	snop  }
0x93: {  	s12 =	simm.s32 $0x340;
	s13 =	smov.u32 @p1 s15  }
.LBB2_3:
0x94: {  	p1 =	sne.s32 s12, $0x100C0  }
0x95: {  	v14 =	vmov s13;
	s6 =	sadd.s32 $0x1, s6;
	s13 =	smov.u32 s12;
	s12 =	sadd.s32 $0x340, s12  }
0x96: {  	v14 =	vmul.f32 $1.442695020e+00, v14;
	_ =	sdelay $0x1  }
0x97: {  	v14 =	vbroadcast v14, $0x0;
	_ =	sdelay $0x1  }
0x98: {  	(erf) = vpow2.f32 v14;
	_ =	sdelay $0x1  }
0x99: {  	s13 =	sshra.s32 s13, $0x2  }
0x9a: {  	v14 =	vld [tilespmem:s13+$0x4200]  }
0x9b: {  	v15 =	vld [tilespmem:s13+$0x4230]  }
0x9c: {  	v16 =	vld [tilespmem:s13+$0x41F0];
	_ =	sdelay $0x2  }
0x9d: {  	v17 =	vld [tilespmem:s13+$0x4210]  }
0x9e: {  	v18 =	vpop (erf)  }
0x9f: {  	v19 =	vld [tilespmem:s13+$0x4220];
	v3 =	vmul.f32 v18, v3;
	v1 =	vmul.f32 v18, v1  }
0xa0: {  	v5 =	vmul.f32 v18, v5;
	v4 =	vmul.f32 v18, v4  }
0xa1: {  	v2 =	vmul.f32 v18, v2;
	[tilespmem:s3+$0x120] =	vst v1;
	v1 =	vmul.f32 v18, v6  }
0xa2: {  	v6 =	vld [tilespmem:s13+$0x120];
	[tilespmem:s3+$0xF0] =	vst v3;
	v3 =	vmul.f32 v18, v7;
	v7 =	vmul.f32 v18, v9  }
0xa3: {  	v9 =	vld [tilespmem:s13+$0xF0];
	[tilespmem:s3+$0x130] =	vst v4;
	v4 =	vmul.f32 v18, v8;
	v8 =	vmul.f32 v18, v13  }
0xa4: {  	v13 =	vld [tilespmem:s13+$0x130];
	[tilespmem:s3+$0x110] =	vst v5;
	v5 =	vmul.f32 v18, v10;
	v10 =	vmul.f32 v18, v11  }
0xa5: {  	v12 =	vmul.f32 v18, v12;
	v11 =	vld [tilespmem:s13+$0x4270];
	[tilespmem:s3+$0x150] =	vst v1;
	v1 =	vsel vm0, v8, v18  }
0xa6: {  	v8 =	vld [tilespmem:s13+$0x4250];
	[tilespmem:s3+$0x100] =	vst v2  }
0xa7: {  	v2 =	vld [tilespmem:s13+$0x110];
	v6 =	vadd.f32 v19, v6;
	[tilespmem:s3+$0x170] =	vst v7  }
0xa8: {  	v7 =	vadd.f32 v16, v9;
	v9 =	vld [tilespmem:s13+$0x150];
	[tilespmem:s3+$0x140] =	vst v3  }
0xa9: {  	v3 =	vld [tilespmem:s13+$0x100];
	vm1 =	vge.f32 v6, $0.0e+00;
	v16 =	vmul.f32 $9.999999770e-03, v6;
	v13 =	vadd.f32 v15, v13;
	[tilespmem:s3+$0x1B0] =	vst v1  }
0xaa: {  	v15 =	vmul.f32 $9.999999770e-03, v7;
	v18 =	vld [tilespmem:s13+$0x170];
	[tilespmem:s3+$0x160] =	vst v4  }
0xab: {  	v1 =	vsel vm1, v6, v16;
	vm1 =	vge.f32 v13, $0.0e+00;
	v4 =	vmul.f32 $9.999999770e-03, v13;
	v16 =	vld [tilespmem:s13+$0x140];
	[tilespmem:s3+$0x180] =	vst v5  }
0xac: {  	v5 =	vadd.f32 v17, v2;
	v17 =	vld [tilespmem:s13+$0x42B0];
	[tilespmem:s3+$0x190] =	vst v10  }
0xad: {  	v4 =	vsel vm1, v13, v4;
	v2 =	vadd.f32 v8, v9;
	v8 =	vld [tilespmem:s13+$0x4260];
	[tilespmem:s3+$0x1A0] =	vst v12;
	s3 =	smov.u32 s13  }
0xae: {  	v9 =	vadd.f32 v14, v3;
	v10 =	vld [tilespmem:s3+$0x4240]  }
0xaf: {  	v13 =	vmul.f32 $9.999999770e-03, v5;
	v12 =	vld [tilespmem:$0xAA00];
	vm1 =	vge.f32 v2, $0.0e+00;
	v3 =	vmul.f32 $9.999999770e-03, v2  }
0xb0: {  	v11 =	vadd.f32 v11, v18;
	vm2 =	vge.f32 v9, $0.0e+00;
	v14 =	vmul.f32 $9.999999770e-03, v9;
	v19 =	vld [tilespmem:s3+$0x160]  }
0xb1: {  	vm3 =	vge.f32 v7, $0.0e+00;
	v18 =	vld [tilespmem:$0xAA10];
	v6 =	vsel vm1, v2, v3  }
0xb2: {  	v3 =	vsel vm3, v7, v15;
	vm1 =	vge.f32 v5, $0.0e+00;
	v2 =	vsel vm2, v9, v14;
	v7 =	vld [tilespmem:$0xAA20]  }
0xb3: {  	v14 =	vld [tilespmem:$0xAA30];
	v9 =	vadd.f32 v10, v16  }
0xb4: {  	v5 =	vsel vm1, v5, v13;
	v13 =	vmul.f32 $9.999999770e-03, v11;
	v10 =	vmul.f32 v3, v12;
	v12 =	vld [tilespmem:$0xAA40]  }
0xb5: {  	vm1 =	vge.f32 v11, $0.0e+00;
	v15 =	vmul.f32 $9.999999770e-03, v9;
	v8 =	vadd.f32 v8, v19;
	v16 =	vld [tilespmem:s3+$0x42A0]  }
0xb6: {  	vm2 =	vge.f32 v9, $0.0e+00;
	v10 =	vadd.f32 $0.0e+00, v10;
	v18 =	vmul.f32 v2, v18;
	v19 =	vld [tilespmem:$0xAA50]  }
0xb7: {  	v20 =	vmul.f32 v5, v7;
	v7 =	vsel vm2, v9, v15;
	v15 =	vmul.f32 $9.999999770e-03, v8;
	v21 =	vld [tilespmem:s3+$0x4290]  }
0xb8: {  	vm2 =	vge.f32 v8, $0.0e+00;
	v9 =	vsel vm1, v11, v13;
	v10 =	vadd.f32 v18, v10;
	v18 =	vld [tilespmem:$0xAA60]  }
0xb9: {  	v11 =	vmul.f32 v1, v14;
	v8 =	vsel vm2, v8, v15;
	v13 =	vld [tilespmem:s3+$0x4280]  }
0xba: {  	v10 =	vadd.f32 v20, v10;
	v14 =	vld [tilespmem:s3+$0x180]  }
0xbb: {  	v12 =	vmul.f32 v4, v12;
	v15 =	vld [tilespmem:$0xAA70]  }
0xbc: {  	v10 =	vadd.f32 v11, v10;
	v11 =	vld [tilespmem:s3+$0x190]  }
0xbd: {  	v19 =	vmul.f32 v7, v19;
	v20 =	vld [tilespmem:$0xAA80]  }
0xbe: {  	v10 =	vadd.f32 v12, v10;
	v12 =	vld [tilespmem:s3+$0x1A0]  }
0xbf: {  	v13 =	vadd.f32 v13, v14;
	v14 =	vld [tilespmem:$0xAA90]  }
0xc0: {  	v18 =	vmul.f32 v6, v18;
	v10 =	vadd.f32 v19, v10;
	v19 =	vld [tilespmem:s3+$0x1B0]  }
0xc1: {  	vm1 =	vge.f32 v13, $0.0e+00;
	v22 =	vmul.f32 $9.999999770e-03, v13;
	v11 =	vadd.f32 v21, v11;
	v21 =	vld [tilespmem:$0xAAA0]  }
0xc2: {  	v15 =	vmul.f32 v8, v15;
	v18 =	vadd.f32 v18, v10  }
0xc3: {  	v10 =	vsel vm1, v13, v22;
	v13 =	vmul.f32 $9.999999770e-03, v11;
	v12 =	vadd.f32 v16, v12;
	v16 =	vld [tilespmem:$0xAAB0]  }
0xc4: {  	vm1 =	vge.f32 v11, $0.0e+00;
	v15 =	vadd.f32 v15, v18;
	v18 =	vmul.f32 v9, v20  }
0xc5: {  	v14 =	vmul.f32 v10, v14;
	v20 =	vmul.f32 $9.999999770e-03, v12;
	v17 =	vadd.f32 v17, v19;
	v19 =	vld [tilespmem:$0xAAC0]  }
0xc6: {  	v11 =	vsel vm1, v11, v13;
	vm1 =	vge.f32 v12, $0.0e+00;
	v15 =	vadd.f32 v18, v15  }
0xc7: {  	v18 =	vmul.f32 v11, v21;
	v12 =	vsel vm1, v12, v20;
	v13 =	vmul.f32 $9.999999770e-03, v17  }
0xc8: {  	vm1 =	vge.f32 v17, $0.0e+00;
	v14 =	vadd.f32 v14, v15;
	v15 =	vmul.f32 v12, v16  }
0xc9: {  	v13 =	vsel vm1, v17, v13  }
0xca: {  	v14 =	vadd.f32 v18, v14;
	v16 =	vmul.f32 v13, v19;
	_ =	sdelay $0x1  }
0xcb: {  	v14 =	vadd.f32 v15, v14;
	_ =	sdelay $0x1  }
0xcc: {  	v14 =	vadd.f32 v16, v14;
	_ =	sdelay $0x1  }
0xcd: {  	(xrf2) =	vadd.scan.msk.f32 $0xffff, v14;
	_ =	sdelay $0x3  }
0xce: {  	v14 =	vld [tilespmem:s6+$0x0];
	_ =	sdelay $0x5  }
0xcf: {  	v15, _, _ =	vpop (xrf2);
	(v2sf) =	vpush v14, $0x0  }
0xd0: {  	(v2sf) =	vpush v15, $0xF;
	_ =	sdelay $0xd  }
0xd1: {  	s13 =	spop (v2sf)  }
0xd2: {  	s15 =	spop (v2sf)  }
.Ltmp0:
0xd3: {  	s15 =	sadd.f32 s15, s13;
	(pc) =	sbr.rel @p1 .LBB2_3-.Ltmp0, $4  }
0xd4: {  	_ = 	snop  }
0xd5: {  	p2 =	sge.f32 s15, $0.0e+00;
	s13 =	smul.f32 $9.999999770e-03, s15  }
0xd6: {  	_ = 	snop  }
0xd7: {  	s13 =	smov.u32 @p2 s15  }
0xd8: {  	v14 =	vmov s13  }
0xd9: {  	v14 =	vmul.f32 $1.442695020e+00, v14;
	_ =	sdelay $0x1  }
0xda: {  	v14 =	vbroadcast v14, $0x0;
	_ =	sdelay $0x1  }
0xdb: {  	(erf) = vpow2.f32 v14;
	_ =	sdelay $0x8  }
0xdc: {  	v14 =	vpop (erf)  }
0xdd: {  	v1 =	vmul.f32 v14, v1  }
0xde: {  	v3 =	vmul.f32 v14, v3  }
0xdf: {  	v4 =	vmul.f32 v14, v4;
	[tilespmem:s3+$0x120] =	vst v1  }
0xe0: {  	v2 =	vmul.f32 v14, v2;
	v63 =	vmul.f32 v14, v13;
	[tilespmem:s3+$0xF0] =	vst v3  }
0xe1: {  	[tilespmem:s3+$0x130] =	vst v4  }
0xe2: {  	v1 =	vmul.f32 v14, v5;
	[tilespmem:s3+$0x100] =	vst v2;
	v2 =	vsel vm0, v63, v14  }
0xe3: {  	v3 =	vmul.f32 v14, v6;
	[tilespmem:s3+$0x1B0] =	vst v2  }
0xe4: {  	v2 =	vmul.f32 v14, v11;
	[tilespmem:s3+$0x110] =	vst v1  }
0xe5: {  	v1 =	vmul.f32 v14, v9;
	[tilespmem:s3+$0x150] =	vst v3  }
0xe6: {  	v3 =	vmul.f32 v14, v7;
	[tilespmem:s3+$0x190] =	vst v2  }
0xe7: {  	[tilespmem:s3+$0x170] =	vst v1;
	v1 =	vmul.f32 v14, v8  }
0xe8: {  	[tilespmem:s3+$0x140] =	vst v3;
	v3 =	vmul.f32 v14, v10  }
0xe9: {  	s24 =	sadd.s32 $0x1, s24;
	[tilespmem:s3+$0x160] =	vst v1;
	v1 =	vmul.f32 v14, v12  }
0xea: {  	p1 =	sne.s32 s24, $0xFA;
	[tilespmem:s3+$0x180] =	vst v3  }
.Ltmp1:
0xeb: {  	[tilespmem:s3+$0x1A0] =	vst v1;
	(pc) =	sbr.rel @p1 .LBB2_2-.Ltmp1, $4  }
0xec: {  	[spmem:s2] =	stream.indirect.scatter.add.f32 [tilespmem:s26], [sflag:$0x2], $0xD0, s30, s25, $0xb8;
	[tilespmem:$0x1A980] =	vst v63  }
0xed: {  	_ =	swait.ge [sflag:s22], $0x4100  }
0xee: {  	[sflag:s22] =	ssyncset.done $0x0  }
0xef: {  	[sflag:s22] =	ssyncadd.s32 $0xFFFFBF00  }
0xf0: {  	[bflag:$0x0] =	sbarrier.arrive $0xFFFF  }
0xf1: {  	[hbm:s16], [sflag:s11] =	dma.local [spmem:s21], $0xA90  }
0xf2: {  	_ =	swait.ge [sflag:s22], $0xA90  }
0xf3: {  	[sflag:s22] =	ssyncset.done $0x0  }
0xf4: {  	[sflag:s22] =	ssyncadd.s32 $0xFFFFF570  }
0xf5: {  	[hbm:s17], [sflag:s11] =	dma.local [spmem:s0], $0xA90  }
0xf6: {  	_ =	swait.ge [sflag:s22], $0xA90  }
0xf7: {  	[sflag:s22] =	ssyncset.done $0x0  }
0xf8: {  	[sflag:s22] =	ssyncadd.s32 $0xFFFFF570  }
0xf9: {  	[hbm:s18], [sflag:s11] =	dma.local [spmem:s7], $0xA90  }
0xfa: {  	s31 =	sadd.s32 $0x1, s31;
	_ =	swait.ge [sflag:s22], $0xA90  }
0xfb: {  	p1 =	sne.s32 s31, s20;
	[sflag:s22] =	ssyncset.done $0x0  }
.Ltmp2:
0xfc: {  	s0 =	simm.s32 @!p0 $0x2;
	[sflag:s22] =	ssyncadd.s32 $0xFFFFF570;
	(pc) =	sbr.rel @p1 .LBB2_1-.Ltmp2, $4  }
0xfd: {  	[hbm:s19], [sflag:s11] =	dma.local @!p0 [spmem:s1], $0xD0  }
0xfe: {  	_ =	swait.ge @!p0 [sflag:s0], $0xD0  }
0xff: {  	[sflag:s0] =	ssyncset.done @!p0 $0x0  }
0x100: {  	[sflag:s0] =	ssyncadd.s32 @!p0 $0xFFFFFF30  }
0x101: {  	_ =	sfence.sel $0x180000  }
0x102: {  	[bflag:$0x0] =	sbarrier.arrive $0xFFFF  }
0x103: {  	_ =	strace $0x90000047  }
0x104: {  	s0 =	stileid.u32;
	[bflag:$0x2] =	sbarrier.arrive $0xFFFF  }
0x105: {  	p0 =	sne.s32 s0, $0x0;
	s0 =	rddreg [dreg:$0x3]  }
0x106: {  	s0 =	sadd.s32 @!p0 $0x100000, s0  }
0x107: {  	[sflag:s0] =	ssyncadd.tile.s32 @!p0 $0x1;
	_ =	shalt  }
.Lfunc_end2:
_tile_overlayer_lowered:
.L_overlay_start_2:
0x108: {  	(tag) =	ssettag $0x2  }
0x109: {  	s0 =	rddreg [dreg:$0x0];
	s2 =	stileid.u32  }
0x10a: {  	s1 =	rddreg [dreg:$0x1];
	p0 =	sne.s32 s2, $0x0  }
0x10b: {  	s3 =	rddreg [dreg:$0x2];
	[bflag:$0x3] =	sbarrier.arrive $0xFFFF;
	s2 =	simm.s32 @!p0 $0x1C02  }
0x10c: {  	[timem:s3], [sflag:s2] =	dma.local @!p0 [hbm:s0], s1  }
0x10d: {  	s0 =	simm.s32 @!p0 $0x2  }
0x10e: {  	_ =	swait.ge @!p0 [sflag:s0], s1  }
0x10f: {  	s1 =	ssub.s32 @!p0 $0x0, s1;
	[sflag:s0] =	ssyncset.done @!p0 $0x0  }
0x110: {  	[sflag:s0] =	ssyncadd.s32 @!p0 s1  }
0x111: {  	[bflag:$0x3] =	sbarrier.arrive $0xFFFF  }
0x112: {  	_ =	shalt  }

// kernel: kernel.17.cloned.1.call-start
scs
__scs_entry_jumppad:
0x0: {  	(pc) =	sbr.rel $0x88, $3  }
0x1: {  	(tag) =	ssettag $0x0;
	lr =	simm.s32 $0x1  }
0x2: {  	[smem:$0x3F77] =	sst lr;
	_ =	strace $0xD0000000  }
0x3: {  	_ = 	snop  }
0x4: {  	_ = 	snop  }
0x5: {  	_ = 	snop  }
0x6: {  	_ = 	snop  }
0x7: {  	_ = 	snop  }
__scs_overlays_trampoline_lowered:
0x8: {  	[smem:$0x3F86] =	sst s0  }
0x9: {  	[smem:$0x3F87] =	sst s1  }
0xa: {  	[smem:$0x3F88] =	sst s2  }
0xb: {  	[smem:$0x3F89] =	sst s3  }
0xc: {  	[smem:$0x3F8A] =	sst s4  }
0xd: {  	[smem:$0x3F8B] =	sst s5  }
0xe: {  	[smem:$0x3F8C] =	sst s6  }
0xf: {  	[smem:$0x3F8D] =	sst s7  }
0x10: {  	[smem:$0x3F8E] =	sst s8  }
0x11: {  	[smem:$0x3F8F] =	sst s9;
	s0 =	simm.s32 @!p0 $0x0  }
0x12: {  	s1 =	sld [smem:$0x3F75];
	s0 =	simm.s32 @p0 $0x1  }
0x13: {  	[smem:$0x3F90] =	sst s0;
	s0 =	simm.s32 @!p1 $0x0  }
0x14: {  	s2 =	sld [smem:$0x3F74];
	s0 =	simm.s32 @p1 $0x1  }
0x15: {  	[smem:$0x3F91] =	sst s0;
	s0 =	simm.s32 @!p2 $0x0  }
0x16: {  	s3 =	sld [smem:$0x3FDB];
	s0 =	simm.s32 @p2 $0x1  }
0x17: {  	s4 =	simm.s32 $0x1BF5;
	[smem:$0x3F93] =	sst s0  }
0x18: {  	s0 =	sld [smem:$0x3F76];
	_ =	swait.ge [sflag:s4], $0x0  }
0x19: {  	s7 =	sld [smem:$0x3F77]  }
0x1a: {  	s8 =	sadd.s32 $0xFFFFE003, lr  }
0x1b: {  	s9 =	sadd.s32 $0xFFFFFEF7, lr;
	s5 =	simm.s32 $0xFFFFFFFF;
	p2 =	slt.u32 s8, $0xFFFFF086  }
0x1c: {  	p1 =	slt.u32 s9, $0xF7A;
	s5 =	simm.s32 @!p2 $0x0  }
0x1d: {  	s5 =	simm.s32 @p1 $0x1;
	p0 =	seq.s32 s7, s2  }
0x1e: {  	s7 =	smul.u32 @!p0 $0xF7A, s2;
	p2 =	seq.s32 @!p0 s5, $0x0  }
0x1f: {  	s9 =	smul.u32 $0xF7A, s1;
	s8 =	simm.s32 @!p0 $0x1BF5;
	p2 =	por !p2, p0  }
0x20: {  	[sflag:s8] =	ssyncset.s32 @!p0 $0xFFFFF086;
	s6 =	sadd.s32 @!p0 s3, s7;
	s7 =	simm.s32 @!p0 $0x108  }
0x21: {  	s3 =	sadd.s32 s3, s9;
	s6 =	sadd.s32 @!p0 $0x88, s6;
	s7 =	simm.s32 @p2 $0x1082  }
0x22: {  	[simem:s7], [sflag:s8] =	dma.local @!p0 [hbm:s6], $0xF7A  }
0x23: {  	s9 =	sor.u32 $0xD0000000, s2;
	s6 =	simm.s32 $0x108;
	_ =	swait.ge @!p0 [sflag:s8], $0x0  }
0x24: {  	s3 =	sadd.s32 $0x88, s3;
	s6 =	simm.s32 @!p1 $0x1082;
	[sflag:s4] =	ssyncset.s32 $0xFFFFF086  }
0x25: {  	[simem:s6], [sflag:s4] =	dma.local [hbm:s3], $0xF7A  }
0x26: {  	[smem:$0x3F77] =	sst s1;
	(tag) =	ssettag s2;
	_ =	strace s9  }
0x27: {  	s1 =	sld [smem:$0x3F87]  }
0x28: {  	s2 =	sld [smem:$0x3F88]  }
0x29: {  	s4 =	sld [smem:$0x3F8A]  }
0x2a: {  	p0 =	seq.s32 s5, $0x0;
	s5 =	sld [smem:$0x3F8B]  }
0x2b: {  	s6 =	sld [smem:$0x3F8C]  }
0x2c: {  	s7 =	sld [smem:$0x3F8D]  }
0x2d: {  	s3 =	simm.s32 $0x108;
	s8 =	sld [smem:$0x3F8E]  }
0x2e: {  	s3 =	simm.s32 @!p0 $0x1082;
	s9 =	sld [smem:$0x3F8F]  }
0x2f: {  	lr =	sadd.s32 s0, s3;
	s0 =	sld [smem:$0x3F86]  }
0x30: {  	s3 =	sld [smem:$0x3F89]  }
0x31: {  	[smem:$0x3F92] =	sst s10  }
0x32: {  	s10 =	sld [smem:$0x3F90];
	_ =	sdelay $0x3  }
0x33: {  	p0 =	seq.s32 s10, $0x1;
	s10 =	sld [smem:$0x3F92];
	_ =	sdelay $0x3  }
0x34: {  	[smem:$0x3F92] =	sst s10  }
0x35: {  	s10 =	sld [smem:$0x3F91];
	_ =	sdelay $0x3  }
0x36: {  	p1 =	seq.s32 s10, $0x1;
	s10 =	sld [smem:$0x3F92];
	_ =	sdelay $0x3  }
0x37: {  	[smem:$0x3F92] =	sst s10  }
0x38: {  	s10 =	sld [smem:$0x3F93]  }
0x39: {  	_ = 	snop;
	(pc) =	sbr.ind lr, $3  }
0x3a: {  	_ = 	snop  }
0x3b: {  	_ = 	snop  }
0x3c: {  	p2 =	seq.s32 s10, $0x1;
	s10 =	sld [smem:$0x3F92]  }
0x3d: {  	_ =	shalt  }
0x3e: {  	_ =	shalt  }
0x3f: {  	_ =	shalt  }
0x40: {  	_ =	shalt  }
0x41: {  	_ =	shalt  }
0x42: {  	_ =	shalt  }
0x43: {  	_ =	shalt  }
0x44: {  	_ =	shalt  }
0x45: {  	_ =	shalt  }
0x46: {  	_ =	shalt  }
0x47: {  	_ =	shalt  }
0x48: {  	_ =	shalt  }
0x49: {  	_ =	shalt  }
0x4a: {  	_ =	shalt  }
0x4b: {  	_ =	shalt  }
0x4c: {  	_ =	shalt  }
0x4d: {  	_ =	shalt  }
0x4e: {  	_ =	shalt  }
0x4f: {  	_ =	shalt  }
0x50: {  	_ =	shalt  }
0x51: {  	_ =	shalt  }
0x52: {  	_ =	shalt  }
0x53: {  	_ =	shalt  }
0x54: {  	_ =	shalt  }
0x55: {  	_ =	shalt  }
0x56: {  	_ =	shalt  }
0x57: {  	_ =	shalt  }
0x58: {  	_ =	shalt  }
0x59: {  	_ =	shalt  }
0x5a: {  	_ =	shalt  }
0x5b: {  	_ =	shalt  }
0x5c: {  	_ =	shalt  }
0x5d: {  	_ =	shalt  }
0x5e: {  	_ =	shalt  }
0x5f: {  	_ =	shalt  }
0x60: {  	_ =	shalt  }
0x61: {  	_ =	shalt  }
0x62: {  	_ =	shalt  }
0x63: {  	_ =	shalt  }
0x64: {  	_ =	shalt  }
0x65: {  	_ =	shalt  }
0x66: {  	_ =	shalt  }
0x67: {  	_ =	shalt  }
0x68: {  	_ =	shalt  }
0x69: {  	_ =	shalt  }
0x6a: {  	_ =	shalt  }
0x6b: {  	_ =	shalt  }
0x6c: {  	_ =	shalt  }
0x6d: {  	_ =	shalt  }
0x6e: {  	_ =	shalt  }
0x6f: {  	_ =	shalt  }
0x70: {  	_ =	shalt  }
0x71: {  	_ =	shalt  }
0x72: {  	_ =	shalt  }
0x73: {  	_ =	shalt  }
0x74: {  	_ =	shalt  }
0x75: {  	_ =	shalt  }
0x76: {  	_ =	shalt  }
0x77: {  	_ =	shalt  }
0x78: {  	_ =	shalt  }
0x79: {  	_ =	shalt  }
0x7a: {  	_ =	shalt  }
0x7b: {  	_ =	shalt  }
0x7c: {  	_ =	shalt  }
0x7d: {  	_ =	shalt  }
0x7e: {  	_ =	shalt  }
0x7f: {  	_ =	shalt  }
0x80: {  	_ =	shalt  }
0x81: {  	_ =	shalt  }
0x82: {  	_ =	shalt  }
0x83: {  	_ =	shalt  }
0x84: {  	_ =	shalt  }
0x85: {  	_ =	shalt  }
0x86: {  	_ =	shalt  }
0x87: {  	_ =	shalt  }
.Lfunc_end0:
.L_simem_size_0:
called_computation.1_lowered:
.L_overlay_start_0:
0x88: {  	s2 =	sld [smem:$0x3FD9]  }
0x89: {  	s3 =	sld [smem:$0x3FFE];
	_ =	sdelay $0x1  }
0x8a: {  	s1 =	srdreg.scid  }
0x8b: {  	s0 =	sand.u32 $0x1, s1  }
0x8c: {  	s16 =	sshll.u32 s0, $0xA;
	s2 =	sadd.s32 s3, s2  }
0x8d: {  	s2 =	sadd.s32 s2, s16  }
0x8e: {  	[smem:$0x3F9E] =	sst s2  }
0x8f: {  	_ = 	snop  }
0x90: {  	(tm) =	ssettm $0x1  }
0x91: {  	s17 =	sld [smem:$0x3FFB];
	_ =	sdelay $0x3  }
0x92: {  	_ =	strace s17  }
0x93: {  	s2 =	sld [smem:$0x3FFC];
	_ =	sdelay $0x3  }
0x94: {  	_ =	strace s2  }
0x95: {  	s2 =	sld [smem:$0x3FFD];
	_ =	sdelay $0x3  }
0x96: {  	_ =	strace s2  }
0x97: {  	_ =	strace $0x8FFFFFFF  }
0x98: {  	s18 =	sld [smem:$0x3FDB];
	_ =	sdelay $0x1  }
0x99: {  	s19 =	simm.s32 $_scs_section_size  }
0x9a: {  	s4 =	simm.s32 $_size__tile_overlayer_lowered;
	s5 =	simm.s32 $_tile_overlayer_lowered  }
0x9b: {  	s22 =	simm.s32 $0x1BFF;
	s21 =	sshll.u32 s5, $0x1;
	s2 =	sadd.s32 s19, s18  }
0x9c: {  	s6 =	simm.s32 $0x0;
	s20 =	sshll.u32 s4, $0x1;
	s4 =	sadd.s32 s21, s2  }
0x9d: {  	[timem:s6], [sflag:s22] =	dma.local [hbm:s4], s20  }
0x9e: {  	_ =	swait.ge [sflag:s22], s20  }
0x9f: {  	s3 =	ssub.s32 $0x0, s20;
	[sflag:s22] =	ssyncset.done $0x0  }
0xa0: {  	[sflag:s22] =	ssyncadd.s32 s3;
	_ =	sdelay $0x1  }
0xa1: {  	s23 =	simm.s32 $0x1B8B  }
0xa2: {  	_ =	swait.ge [sflag:s23], $0x1  }
0xa3: {  	[sflag:s23] =	ssyncset.done $0x0  }
0xa4: {  	s25 =	simm.s32 $0x1B8E;
	s24 =	sld [smem:$0x3FFE];
	[sflag:s23] =	ssyncadd.s32 $0xFFFFFFFF  }
0xa5: {  	s26 =	simm.s32 $execute0_lowered;
	[smem:$0x3FD2] =	sst s25  }
0xa6: {  	s4 =	sshll.u32 s26, $0x1;
	_ =	strace $0x80000049;
	[dreg:$0x1] =	wrdreg $0xFFFFFFFF  }
0xa7: {  	s28 =	simm.s32 $_size_execute0_lowered;
	s2 =	sadd.s32 s2, s4;
	[dreg:$0x0] =	wrdreg $0x0  }
0xa8: {  	s4 =	sshll.u32 s28, $0x1;
	[dreg:$0x2] =	wrdreg s2  }
0xa9: {  	[dreg:$0x3] =	wrdreg s4  }
0xaa: {  	[dreg:$0x4] =	wrdreg $0xC0  }
0xab: {  	_ =	task [dreg:s6], $0x5FFFF  }
0xac: {  	[dreg:$0x1] =	wrdreg $0xFFFFFFFF  }
0xad: {  	[dreg:$0x0] =	wrdreg $0x60  }
0xae: {  	[dreg:$0x2] =	wrdreg s24  }
0xaf: {  	[dreg:$0x3] =	wrdreg $0x90700  }
0xb0: {  	[dreg:$0x4] =	wrdreg $0x9  }
0xb1: {  	_ =	task.clear_ibuf [dreg:s6], $0x5FFFF;
	_ =	strace $0x90000049  }
0xb2: {  	s29 =	simm.s32 $0x9;
	_ =	strace $0x8000004B  }
0xb3: {  	_ =	swait.ge [sflag:s29], $0x1  }
0xb4: {  	[sflag:s29] =	ssyncadd.s32 $0xFFFFFFFF  }
0xb5: {  	_ =	strace $0x9000004B  }
0xb6: {  	_ =	sfence  }
0xb7: {  	s30 =	sld [smem:$0x0];
	_ =	sdelay $0x2  }
0xb8: {  	s31 =	sshll.u32 s1, $0xD;
	s1 =	sshrl.u32 s1, $0x2  }
0xb9: {  	s3 =	sand.u32 $0x4000, s31;
	s1 =	sadd.s32 s1, s30  }
0xba: {  	s0 =	sor.u32 s3, s0;
	s1 =	sshll.u32 s1, $0x11  }
0xbb: {  	s0 =	sor.u32 s1, s0  }
0xbc: {  	s0 =	sadd.s32 $0x8F2B, s0  }
0xbd: {  	[sflag:s0] =	ssyncadd.remote.s32 $0x1  }
0xbe: {  	_ =	sfence.sel $0xFFFF  }
0xbf: {  	[dreg:$0x0] =	wrdreg $0xFFFFFFFF;
	(pc) =	sbr.abs _section_cstart, $3  }
0xc0: {  	[dreg:$0x1] =	wrdreg $0xFFFFFFFF  }
0xc1: {  	_ =	task.clear_ibuf [dreg:s6], $0x2FFFF;
	_ =	strace $0x9FFFFFFF  }
0xc2: {  	(tm) =	ssettm $0x7FFFFFFF  }
0xc3: {  	_ =	shalt  }
tec
execute0_lowered:
.L_overlay_start_1:
0x0: {  	(tag) =	ssettag $0x1  }
0x1: {  	s0 =	rddreg [dreg:$0x0]  }
0x2: {  	s1 =	rddreg [dreg:$0x1]  }
0x3: {  	s2 =	simm.s32 $0x0;
	s24 =	srdreg.scid;
	s11 =	stileid.u32  }
0x4: {  	s21 =	simm.s32 $0x2;
	s22 =	simm.s32 $0x4250;
	s28 =	simm.s32 $0xA0  }
0x5: {  	s29 =	simm.s32 $0x0;
	[smem:$0x7FF] =	sst s2;
	s4 =	sadd.s32 $0x18200, s0  }
0x6: {  	s23 =	sadd.s32 $0x58000, s0;
	s3 =	sadd.s32 $0x57A00, s0;
	s2 =	sand.u32 $0x1, s24  }
0x7: {  	s7 =	sadd.s32 $0xE400, s0;
	s5 =	smul.u32 $0xFD80, s11;
	s8 =	sadd.s32 $0x4600, s0  }
0x8: {  	s9 =	sadd.s32 $0xA1000, s0;
	s0 =	sadd.s32 $0x58600, s0;
	s10 =	sshll.u32 s11, $0x6  }
0x9: {  	s13 =	smul.u32 $0x4E20, s11;
	s14 =	sadd.s32 $0xFD800, s1;
	p0 =	sne.s32 s11, $0xF  }
0xa: {  	s24 =	simm.s32 $0x50;
	_ =	strace $0x8000004A;
	[dreg:$0x3] =	wrdreg s23  }
0xb: {  	[dreg:$0x4] =	wrdreg s3;
	s25 =	ssub.s32 $0x2, s2;
	s17 =	smul.u32 $0xFDE80, s2  }
0xc: {  	s10 =	sor.u32 $0x1C02, s10;
	s2 =	smul.u32 $0x1388, s2;
	s23 =	simm.s32 $0x6960  }
0xd: {  	s6 =	sshrl.u32 s25, $0x1;
	s26 =	sadd.s32 s5, s1;
	s16 =	sadd.s32 $0x5480, s5  }
0xe: {  	s18 =	sadd.s32 $0xA900, s5;
	s3 =	ssub.s32 s25, s6;
	s12 =	sadd.s32 s16, s1  }
0xf: {  	s5 =	sadd.s32 s5, s17;
	s30 =	sadd.s32 s17, s16;
	s31 =	sadd.s32 s17, s18  }
0x10: {  	s19 =	sshrl.u32 s17, $0x3;
	s20 =	sshrl.u32 s26, $0x3;
	s25 =	simm.s32 $0xF0  }
0x11: {  	[dreg:$0x5] =	wrdreg s12;
	s12 =	sadd.s32 s18, s1;
	s5 =	sshrl.u32 s5, $0x3  }
0x12: {  	s18 =	sshrl.u32 s31, $0x3;
	s15 =	sadd.s32 s0, s5;
	s5 =	sshrl.u32 s30, $0x3  }
0x13: {  	s17 =	sadd.s32 s0, s18;
	s16 =	sadd.s32 s0, s5;
	s0 =	sadd.s32 s0, s19  }
0x14: {  	vm0 =	vcmask $0x2320;
	v0 =	vmov s2;
	s26 =	simm.s32 $0x1;
	s19 =	smax.u32 s3, $0x1;
	s18 =	sadd.s32 $0x1FB00, s0  }
.LBB2_1:
0x15: {  	[spmem:s20], [sflag:s10] =	dma.local [hbm:s9], $0xA90  }
0x16: {  	_ =	swait.ge [sflag:s21], $0xA90  }
0x17: {  	[sflag:s21] =	ssyncset.done $0x0;
	s0 =	rddreg [dreg:$0x5]  }
0x18: {  	[sflag:s21] =	ssyncadd.s32 $0xFFFFF570;
	s30 =	sshrl.u32 s0, $0x3  }
0x19: {  	[spmem:s30], [sflag:s10] =	dma.local [hbm:s9], $0xA90  }
0x1a: {  	_ =	swait.ge [sflag:s21], $0xA90  }
0x1b: {  	[sflag:s21] =	ssyncset.done $0x0  }
0x1c: {  	s31 =	sshrl.u32 s12, $0x3;
	[sflag:s21] =	ssyncadd.s32 $0xFFFFF570  }
0x1d: {  	[spmem:s31], [sflag:s10] =	dma.local [hbm:s9], $0xA90  }
0x1e: {  	_ =	swait.ge [sflag:s21], $0xA90  }
0x1f: {  	[sflag:s21] =	ssyncset.done $0x0  }
0x20: {  	s2 =	simm.s32 @!p0 $0x2;
	s0 =	sshrl.u32 @!p0 s14, $0x3;
	[sflag:s21] =	ssyncadd.s32 $0xFFFFF570  }
0x21: {  	[spmem:s0], [sflag:s10] =	dma.local @!p0 [hbm:s9], $0x1A0  }
0x22: {  	_ =	swait.ge @!p0 [sflag:s2], $0x1A0  }
0x23: {  	[sflag:s2] =	ssyncset.done @!p0 $0x0  }
0x24: {  	s6 =	simm.s32 $0x0;
	s3 =	rddreg [dreg:$0x3];
	[sflag:s2] =	ssyncadd.s32 @!p0 $0xFFFFFE60  }
0x25: {  	[tilespmem:s22], [sflag:$0x2] =	stream.linear.gather [hbm4b:s3+s6], $0x2710, $0x38;
	[tilespmem:$0x18EC0] =	vst v63  }
0x26: {  	_ =	swait.ge [sflag:s21], $0x2710  }
0x27: {  	[sflag:s21] =	ssyncset.done $0x0  }
0x28: {  	s11 =	rddreg [dreg:$0x4];
	[sflag:s21] =	ssyncadd.s32 $0xFFFFD8F0  }
0x29: {  	[tilespmem:s23], [sflag:$0x2] =	stream.linear.gather [hbm4b:s11+s6], $0x2710, $0x38;
	[tilespmem:$0x18EC0] =	vst v63  }
0x2a: {  	_ =	swait.ge [sflag:s21], $0x2710  }
0x2b: {  	[sflag:s21] =	ssyncset.done $0x0  }
0x2c: {  	[sflag:s21] =	ssyncadd.s32 $0xFFFFD8F0  }
0x2d: {  	s3 =	simm.s32 $0x0;
	[bflag:$0x0] =	sbarrier.arrive $0xFFFF  }
.LBB2_2:
0x2e: {  	s2 =	smul.u32 $0x50, s3;
	_ =	sdelay $0x1  }
0x2f: {  	s2 =	sadd.s32 s13, s2  }
0x30: {  	s2 =	sshrl.u32 s2, $0x3  }
0x31: {  	s6 =	simm.s32 $0x0;
	s5 =	sadd.s32 s7, s2  }
0x32: {  	[tilespmem:s6], [sflag:$0x2] =	stream.linear.gather [hbm4b:s5+s6], $0x50, $0x38;
	[tilespmem:$0x18EC0] =	vst v63  }
0x33: {  	_ =	swait.ge [sflag:s21], $0x50  }
0x34: {  	[sflag:s21] =	ssyncset.done $0x0  }
0x35: {  	s2 =	sadd.s32 s8, s2;
	[sflag:s21] =	ssyncadd.s32 $0xFFFFFFB0  }
0x36: {  	[tilespmem:s24], [sflag:$0x2] =	stream.linear.gather [hbm4b:s2+s6], $0x50, $0x38;
	[tilespmem:$0x18EC0] =	vst v63  }
0x37: {  	_ =	swait.ge [sflag:s21], $0x50  }
0x38: {  	[sflag:s21] =	ssyncset.done $0x0  }
0x39: {  	[sflag:s21] =	ssyncadd.s32 $0xFFFFFFB0  }
0x3a: {  	[tilespmem:s25], [sflag:$0x1] =	stream.indirect.gather [hbm4b:s4+s24], $0xD0, s6, s24, $0xb8;
	[tilespmem:$0x18EC0] =	vst v63  }
0x3b: {  	_ =	swait.ge [sflag:s26], $0x4100  }
0x3c: {  	[sflag:s26] =	ssyncset.done $0x0  }
0x3d: {  	[sflag:s26] =	ssyncadd.s32 $0xFFFFBF00  }
0x3e: {  	v1 =	vld [tilespmem:$0x50]  }
0x3f: {  	v2 =	vld [tilespmem:$0x0];
	_ =	sdelay $0x6  }
0x40: {  	v3 =	vld.idx.msk [tilespmem:v1+s22+$0x0], $0xffff  }
0x41: {  	v2 =	vld.idx.msk [tilespmem:v2+s23+$0x0], $0xffff;
	_ =	sdelay $0x4  }
0x42: {  	v2 =	vadd.f32 v2, v3;
	_ =	sdelay $0x1  }
0x43: {  	v3 =	vmul.f32 $9.999999770e-03, v2  }
0x44: {  	vm1 =	vge.f32 v2, $0.0e+00  }
0x45: {  	v2 =	vsel vm1, v2, v3  }
0x46: {  	v2 =	vmul.f32 $1.442695020e+00, v2;
	_ =	sdelay $0x1  }
0x47: {  	(erf) = vpow2.f32 v2;
	_ =	sdelay $0x2  }
0x48: {  	v2 =	vld [tilespmem:$0x60]  }
0x49: {  	v3 =	vld [tilespmem:$0x10];
	_ =	sdelay $0x2  }
0x4a: {  	v1 =	vsub.s32 v1, v0  }
0x4b: {  	v1 =	vmin.u32 v1, $0x1388  }
0x4c: {  	[tilespmem:$0xA0] =	vst v1;
	v4 =	vpop (erf)  }
0x4d: {  	[tilespmem:$0x41F0] =	vst v4  }
0x4e: {  	v1 =	vld.idx.msk [tilespmem:v2+s22+$0x0], $0xffff  }
0x4f: {  	v3 =	vld.idx.msk [tilespmem:v3+s23+$0x0], $0xffff;
	_ =	sdelay $0x4  }
0x50: {  	v1 =	vadd.f32 v3, v1;
	_ =	sdelay $0x1  }
0x51: {  	v3 =	vmul.f32 $9.999999770e-03, v1  }
0x52: {  	vm1 =	vge.f32 v1, $0.0e+00  }
0x53: {  	v1 =	vsel vm1, v1, v3  }
0x54: {  	v1 =	vmul.f32 $1.442695020e+00, v1;
	_ =	sdelay $0x1  }
0x55: {  	(erf) = vpow2.f32 v1;
	_ =	sdelay $0x2  }
0x56: {  	v1 =	vld [tilespmem:$0x70]  }
0x57: {  	v3 =	vld [tilespmem:$0x20];
	_ =	sdelay $0x2  }
0x58: {  	v2 =	vsub.s32 v2, v0  }
0x59: {  	v2 =	vmin.u32 v2, $0x1388  }
0x5a: {  	[tilespmem:$0xB0] =	vst v2;
	v4 =	vpop (erf)  }
0x5b: {  	[tilespmem:$0x4200] =	vst v4  }
0x5c: {  	v2 =	vld.idx.msk [tilespmem:v1+s22+$0x0], $0xffff  }
0x5d: {  	v3 =	vld.idx.msk [tilespmem:v3+s23+$0x0], $0xffff;
	_ =	sdelay $0x4  }
0x5e: {  	v2 =	vadd.f32 v3, v2;
	_ =	sdelay $0x1  }
0x5f: {  	v3 =	vmul.f32 $9.999999770e-03, v2  }
0x60: {  	vm1 =	vge.f32 v2, $0.0e+00  }
0x61: {  	v2 =	vsel vm1, v2, v3  }
0x62: {  	v2 =	vmul.f32 $1.442695020e+00, v2;
	_ =	sdelay $0x1  }
0x63: {  	(erf) = vpow2.f32 v2;
	_ =	sdelay $0x2  }
0x64: {  	v2 =	vld [tilespmem:$0x80]  }
0x65: {  	v3 =	vld [tilespmem:$0x30];
	_ =	sdelay $0x2  }
0x66: {  	v1 =	vsub.s32 v1, v0  }
0x67: {  	v1 =	vmin.u32 v1, $0x1388  }
0x68: {  	[tilespmem:$0xC0] =	vst v1;
	v4 =	vpop (erf)  }
0x69: {  	[tilespmem:$0x4210] =	vst v4  }
0x6a: {  	v1 =	vld.idx.msk [tilespmem:v2+s22+$0x0], $0xffff  }
0x6b: {  	v3 =	vld.idx.msk [tilespmem:v3+s23+$0x0], $0xffff;
	_ =	sdelay $0x4  }
0x6c: {  	v1 =	vadd.f32 v3, v1;
	_ =	sdelay $0x1  }
0x6d: {  	v3 =	vmul.f32 $9.999999770e-03, v1  }
0x6e: {  	vm1 =	vge.f32 v1, $0.0e+00  }
0x6f: {  	v1 =	vsel vm1, v1, v3  }
0x70: {  	v1 =	vmul.f32 $1.442695020e+00, v1;
	_ =	sdelay $0x1  }
0x71: {  	(erf) = vpow2.f32 v1;
	_ =	sdelay $0x2  }
0x72: {  	v1 =	vld [tilespmem:$0x90]  }
0x73: {  	v3 =	vld [tilespmem:$0x40];
	_ =	sdelay $0x2  }
0x74: {  	v2 =	vsub.s32 v2, v0  }
0x75: {  	v2 =	vmin.u32 v2, $0x1388  }
0x76: {  	[tilespmem:$0xD0] =	vst v2;
	v4 =	vpop (erf)  }
0x77: {  	[tilespmem:$0x4220] =	vst v4  }
0x78: {  	v2 =	vld.idx.msk [tilespmem:v1+s22+$0x0], $0xffff  }
0x79: {  	v3 =	vld.idx.msk [tilespmem:v3+s23+$0x0], $0xffff;
	_ =	sdelay $0x4  }
0x7a: {  	v2 =	vadd.f32 v3, v2;
	_ =	sdelay $0x1  }
0x7b: {  	v3 =	vmul.f32 $9.999999770e-03, v2  }
0x7c: {  	vm1 =	vge.f32 v2, $0.0e+00  }
0x7d: {  	v2 =	vsel vm1, v2, v3  }
0x7e: {  	v2 =	vmul.f32 $1.442695020e+00, v2;
	_ =	sdelay $0x1  }
0x7f: {  	(erf) = vpow2.f32 v2;
	_ =	sdelay $0x6  }
0x80: {  	v1 =	vsub.s32 v1, v0  }
0x81: {  	v1 =	vmin.u32 v1, $0x1388  }
0x82: {  	[tilespmem:$0xE0] =	vst v1;
	v2 =	vpop (erf)  }
0x83: {  	s2 =	simm.s32 $0x150;
	[tilespmem:$0x4230] =	vst v2  }
0x84: {  	v1 =	vld [tilespmem:s2+$0x30]  }
0x85: {  	v3 =	vld [tilespmem:s2+$0xFFFFFFE0]  }
0x86: {  	v11 =	vld [tilespmem:s2+$0x40]  }
0x87: {  	v5 =	vld [tilespmem:s2+$0x50]  }
0x88: {  	s11 =	simm.s32 $0x0;
	v8 =	vld [tilespmem:s2+$0xFFFFFFC0]  }
0x89: {  	v2 =	vld.msk [tilespmem:s11+$0x41F0 ss:$0x0], $0xffff  }
0x8a: {  	v9 =	vld [tilespmem:s2+$0x60]  }
0x8b: {  	v10 =	vld [tilespmem:s2+$0xFFFFFFB0]  }
0x8c: {  	v13 =	vld [tilespmem:s2+$0xFFFFFFA0]  }
0x8d: {  	v4 =	vld [tilespmem:s2+$0x10]  }
0x8e: {  	v7 =	vld [tilespmem:s2+$0xFFFFFFD0]  }
0x8f: {  	v6 =	vld [tilespmem:s2+$0x20];
	v14 =	vmul.f32 v8, v2;
	v15 =	vmul.f32 v9, v2  }
0x90: {  	v8 =	vmul.f32 v10, v2;
	v12 =	vmul.f32 v5, v2;
	v9 =	vld [tilespmem:s2+$0x0]  }
0x91: {  	s5 =	simm.s32 $0x4;
	s6 =	simm.s32 $0x150;
	v10 =	vld [tilespmem:s2+$0xFFFFFFF0];
	v5 =	vmul.f32 v2, v13;
	v13 =	vmul.f32 v11, v2;
	[tilespmem:s2+$0xFFFFFFC0] =	vst v14;
	v11 =	vsel vm0, v2, v15  }
.LBB2_3:
0x92: {  	p1 =	sne.s32 s5, $0x13C  }
0x93: {  	v7 =	vmul.f32 v7, v2;
	v3 =	vmul.f32 v3, v2;
	[tilespmem:s2+$0x50] =	vst v12;
	s6 =	sadd.s32 $0xD0, s6;
	s11 =	smov.u32 s5;
	s5 =	sadd.s32 $0x4, s5  }
0x94: {  	v1 =	vmul.f32 v1, v2;
	v6 =	vmul.f32 v6, v2;
	[tilespmem:s2+$0x40] =	vst v13  }
0x95: {  	v4 =	vmul.f32 v4, v2;
	[tilespmem:s2+$0xFFFFFFE0] =	vst v3;
	v9 =	vmul.f32 v9, v2  }
0x96: {  	v2 =	vmul.f32 v10, v2;
	[tilespmem:s2+$0x30] =	vst v1  }
0x97: {  	[tilespmem:s2+$0xFFFFFFB0] =	vst v8  }
0x98: {  	[tilespmem:s2+$0x60] =	vst v11  }
0x99: {  	v1 =	vld [tilespmem:s6+$0x30];
	[tilespmem:s2+$0xFFFFFFF0] =	vst v2  }
0x9a: {  	v3 =	vld [tilespmem:s6+$0xFFFFFFE0];
	[tilespmem:s2+$0x10] =	vst v4  }
0x9b: {  	v11 =	vld [tilespmem:s6+$0x40];
	[tilespmem:s2+$0x0] =	vst v9  }
0x9c: {  	v12 =	vld [tilespmem:s6+$0x50];
	[tilespmem:s2+$0xFFFFFFA0] =	vst v5  }
0x9d: {  	v5 =	vld [tilespmem:s6+$0xFFFFFFC0];
	[tilespmem:s2+$0xFFFFFFD0] =	vst v7  }
0x9e: {  	s11 =	sshra.s32 s11, $0x2;
	v4 =	vld [tilespmem:s6+$0x10];
	[tilespmem:s2+$0x20] =	vst v6;
	s2 =	smov.u32 s6  }
0x9f: {  	v2 =	vld.msk [tilespmem:s11+$0x41F0 ss:$0x0], $0xffff  }
0xa0: {  	v8 =	vld [tilespmem:s6+$0x60]  }
0xa1: {  	v10 =	vld [tilespmem:s6+$0xFFFFFFB0]  }
0xa2: {  	v13 =	vld [tilespmem:s6+$0xFFFFFFA0]  }
.Ltmp0:
0xa3: {  	v7 =	vld [tilespmem:s6+$0xFFFFFFD0];
	(pc) =	sbr.rel @p1 .LBB2_3-.Ltmp0, $4  }
0xa4: {  	v6 =	vld [tilespmem:s6+$0x20]  }
0xa5: {  	v14 =	vmul.f32 v5, v2;
	v9 =	vld [tilespmem:s6+$0x0];
	v15 =	vmul.f32 v8, v2  }
0xa6: {  	v12 =	vmul.f32 v12, v2;
	v8 =	vmul.f32 v10, v2;
	v10 =	vld [tilespmem:s6+$0xFFFFFFF0]  }
0xa7: {  	v5 =	vmul.f32 v2, v13;
	[tilespmem:s6+$0xFFFFFFC0] =	vst v14;
	v13 =	vmul.f32 v11, v2;
	v11 =	vsel vm0, v2, v15  }
0xa8: {  	[tilespmem:s2+$0x50] =	vst v12  }
0xa9: {  	[tilespmem:s2+$0xFFFFFFB0] =	vst v8  }
0xaa: {  	[tilespmem:s2+$0x60] =	vst v11  }
0xab: {  	v3 =	vmul.f32 v3, v2;
	[tilespmem:s2+$0x40] =	vst v13  }
0xac: {  	v1 =	vmul.f32 v1, v2;
	[tilespmem:s2+$0xFFFFFFA0] =	vst v5  }
0xad: {  	[tilespmem:s2+$0xFFFFFFE0] =	vst v3;
	v3 =	vmul.f32 v4, v2  }
0xae: {  	[tilespmem:s2+$0x30] =	vst v1;
	v1 =	vmul.f32 v10, v2  }
0xaf: {  	v63 =	vmul.f32 v9, v2;
	[tilespmem:s2+$0x10] =	vst v3  }
0xb0: {  	[tilespmem:s2+$0xFFFFFFF0] =	vst v1;
	v1 =	vmul.f32 v7, v2  }
0xb1: {  	s3 =	sadd.s32 $0x1, s3;
	[tilespmem:s2+$0x0] =	vst v63;
	v2 =	vmul.f32 v6, v2  }
0xb2: {  	p1 =	sne.s32 s3, $0xFA;
	[tilespmem:s2+$0xFFFFFFD0] =	vst v1  }
.Ltmp1:
0xb3: {  	[tilespmem:s2+$0x20] =	vst v2;
	(pc) =	sbr.rel @p1 .LBB2_2-.Ltmp1, $4  }
0xb4: {  	[spmem:s1] =	stream.indirect.scatter.add.f32 [tilespmem:s25], [sflag:$0x2], $0xD0, s28, s24, $0xb8;
	[tilespmem:$0x18EC0] =	vst v63  }
0xb5: {  	_ =	swait.ge [sflag:s21], $0x4100  }
0xb6: {  	[sflag:s21] =	ssyncset.done $0x0  }
0xb7: {  	[sflag:s21] =	ssyncadd.s32 $0xFFFFBF00  }
0xb8: {  	[bflag:$0x0] =	sbarrier.arrive $0xFFFF  }
0xb9: {  	[hbm:s15], [sflag:s10] =	dma.local [spmem:s20], $0xA90  }
0xba: {  	_ =	swait.ge [sflag:s21], $0xA90  }
0xbb: {  	[sflag:s21] =	ssyncset.done $0x0  }
0xbc: {  	[sflag:s21] =	ssyncadd.s32 $0xFFFFF570  }
0xbd: {  	[hbm:s16], [sflag:s10] =	dma.local [spmem:s30], $0xA90  }
0xbe: {  	_ =	swait.ge [sflag:s21], $0xA90  }
0xbf: {  	[sflag:s21] =	ssyncset.done $0x0  }
0xc0: {  	[sflag:s21] =	ssyncadd.s32 $0xFFFFF570  }
0xc1: {  	[hbm:s17], [sflag:s10] =	dma.local [spmem:s31], $0xA90  }
0xc2: {  	_ =	swait.ge [sflag:s21], $0xA90  }
0xc3: {  	s29 =	sadd.s32 $0x1, s29;
	[sflag:s21] =	ssyncset.done $0x0  }
0xc4: {  	p1 =	sne.s32 s29, s19;
	[sflag:s21] =	ssyncadd.s32 $0xFFFFF570  }
0xc5: {  	[hbm:s18], [sflag:s10] =	dma.local @!p0 [spmem:s0], $0xD0  }
.Ltmp2:
0xc6: {  	_ = 	snop;
	(pc) =	sbr.rel @p1 .LBB2_1-.Ltmp2, $4  }
0xc7: {  	s0 =	simm.s32 @!p0 $0x2  }
0xc8: {  	_ =	swait.ge @!p0 [sflag:s0], $0xD0  }
0xc9: {  	[sflag:s0] =	ssyncset.done @!p0 $0x0  }
0xca: {  	[sflag:s0] =	ssyncadd.s32 @!p0 $0xFFFFFF30  }
0xcb: {  	_ =	sfence.sel $0x180000  }
0xcc: {  	[bflag:$0x0] =	sbarrier.arrive $0xFFFF  }
0xcd: {  	_ =	strace $0x9000004A  }
0xce: {  	s0 =	stileid.u32;
	[bflag:$0x2] =	sbarrier.arrive $0xFFFF  }
0xcf: {  	p0 =	sne.s32 s0, $0x0;
	s0 =	rddreg [dreg:$0x2]  }
0xd0: {  	s0 =	sadd.s32 @!p0 $0x100000, s0  }
0xd1: {  	[sflag:s0] =	ssyncadd.tile.s32 @!p0 $0x1;
	_ =	shalt  }
.Lfunc_end2:
_tile_overlayer_lowered:
.L_overlay_start_2:
0xd2: {  	(tag) =	ssettag $0x2  }
0xd3: {  	s0 =	rddreg [dreg:$0x0];
	s2 =	stileid.u32  }
0xd4: {  	s1 =	rddreg [dreg:$0x1];
	p0 =	sne.s32 s2, $0x0  }
0xd5: {  	s3 =	rddreg [dreg:$0x2];
	[bflag:$0x3] =	sbarrier.arrive $0xFFFF;
	s2 =	simm.s32 @!p0 $0x1C02  }
0xd6: {  	[timem:s3], [sflag:s2] =	dma.local @!p0 [hbm:s0], s1  }
0xd7: {  	s0 =	simm.s32 @!p0 $0x2  }
0xd8: {  	_ =	swait.ge @!p0 [sflag:s0], s1  }
0xd9: {  	s1 =	ssub.s32 @!p0 $0x0, s1;
	[sflag:s0] =	ssyncset.done @!p0 $0x0  }
0xda: {  	[sflag:s0] =	ssyncadd.s32 @!p0 s1  }
0xdb: {  	[bflag:$0x3] =	sbarrier.arrive $0xFFFF  }
0xdc: {  	_ =	shalt  }

</sc_bundles>
